<compile_context>
chip_gen: v7x
topology: tpu7x:2x2x1
jax: 0.10.2.dev20260603
libtpu: 0.0.44.dev20260713+nightly
codegen_flags: <defaults>
</compile_context>

<pallas_src>
import functools

import jax
import jax.numpy as jnp
from jax import lax
from jax.experimental import pallas as pl
from jax.experimental.pallas import tpu as pltpu
from jax.experimental.pallas import tpu_sc as plsc

E = 100000
N_DIMS = 512
N_SM = 128
B = 64
NUM_SEG = 25000
NUM_TGT = 25000
MEM = 40000

BLK = 1024
NB = 98
MERGE_BLK = 512
E_PAD = NB * BLK
SEG_W = 25088
NW = 32
PW = E_PAD // NW
GCH = 392
NBH = NB // 2
HALF = NBH * BLK
PW_H = HALF // NW
MBLK = 2048

f32 = jnp.float32
bf16 = jnp.bfloat16
_NEG_INF = float("-inf")

_SC_MESH = plsc.VectorSubcoreMesh(core_axis_name="c", subcore_axis_name="s")
_SC_PARAMS = pltpu.CompilerParams(needs_layout_passes=False)


def _wid():
    return lax.axis_index("s") * 2 + lax.axis_index("c")


def _prep_body(wp_ref, wl_ref, wr_ref, bp_ref, bl_ref, br_ref, qs_ref, qr_ref,
               qt_ref, wmem_ref, wrel_ref, ql_ref, qr_out_ref, wrel_bf_ref):
    wp = wp_ref[...]
    wl = wl_ref[...]
    wr = wr_ref[...]

    def dot(a, b):
        return jnp.dot(a, b, preferred_element_type=f32)

    wmem_ref[:, :N_SM] = dot(wp, wl[0:128])
    wmem_ref[:, N_SM:] = dot(wp, wr[0:128])
    wrel_ref[:, :N_SM] = dot(wp, wl[128:256])
    wrel_ref[:, N_SM:] = dot(wp, wr[128:256])
    qs = dot(qs_ref[...], wp)
    qr = dot(qr_ref[...], wp)
    qt = dot(qt_ref[...], wp)
    bp = bp_ref[...].reshape(1, N_SM)
    wl_sum = wl[0:128] + wl[128:256] + wl[256:384] + wl[384:512] + wl[512:640]
    wr_sum = wr[0:128] + wr[128:256] + wr[256:384] + wr[384:512] + wr[512:640]
    ql_ref[...] = (dot(qs, wl[256:384]) + dot(qr, wl[384:512])
                   + dot(qt, wl[512:640]) + dot(bp, wl_sum)
                   + bl_ref[...].reshape(1, N_SM))
    qr_out_ref[...] = (dot(qs, wr[256:384]) + dot(qr, wr[384:512])
                       + dot(qt, wr[512:640]) + dot(bp, wr_sum)
                       + br_ref[...].reshape(1, N_SM))
    wrel_bf_ref[...] = wrel_ref[...].astype(bf16)


def _prep(W_proj, W_left, W_right, b_proj, b_left, b_right, qs, qr, qt):
    return pl.pallas_call(
        _prep_body,
        out_shape=(
            jax.ShapeDtypeStruct((N_DIMS, 2 * N_SM), f32),
            jax.ShapeDtypeStruct((N_DIMS, 2 * N_SM), f32),
            jax.ShapeDtypeStruct((B, N_SM), f32),
            jax.ShapeDtypeStruct((B, N_SM), f32),
            jax.ShapeDtypeStruct((N_DIMS, 2 * N_SM), bf16),
        ),
    )(W_proj, W_left, W_right, b_proj, b_left, b_right, qs, qr, qt)


def _memproj_body(x_ref, w_ref, ml_ref, mr_ref):
    acc = jnp.dot(x_ref[...].astype(bf16), w_ref[...].astype(bf16),
                  preferred_element_type=f32)
    ml_ref[...] = acc[:, :N_SM]
    mr_ref[...] = acc[:, N_SM:]


def _memproj(mem, wmem):
    grid = pl.cdiv(MEM, MBLK)
    return pl.pallas_call(
        _memproj_body,
        grid=(grid,),
        in_specs=[
            pl.BlockSpec((MBLK, N_DIMS), lambda i: (i, 0)),
            pl.BlockSpec((N_DIMS, 2 * N_SM), lambda i: (0, 0)),
        ],
        out_specs=(
            pl.BlockSpec((MBLK, N_SM), lambda i: (i, 0)),
            pl.BlockSpec((MBLK, N_SM), lambda i: (i, 0)),
        ),
        out_shape=(
            jax.ShapeDtypeStruct((MEM, N_SM), f32),
            jax.ShapeDtypeStruct((MEM, N_SM), f32),
        ),
    )(mem, wmem)


def _gather_body(ml_hbm, mr_hbm, vi_hbm, vj_hbm, gl_hbm, gr_hbm,
                 idx_v, rows0, rows1, g0, g1, w0, w1):
    base = _wid() * PW_H
    rows = (rows0, rows1)
    gsem = (g0, g1)
    wsem = (w0, w1)
    nch = PW_H // GCH

    def run(table, idxh, outh):
        pltpu.sync_copy(idxh.at[pl.ds(base, PW_H)], idx_v)
        hg = [None] * nch
        hw = [None] * nch
        for c in range(nch):
            b = c % 2
            if c >= 2:
                hw[c - 2].wait()
            hg[c] = pltpu.async_copy(
                table.at[idx_v.at[pl.ds(c * GCH, GCH)]], rows[b], gsem[b])
            if c >= 1:
                hg[c - 1].wait()
                hw[c - 1] = pltpu.async_copy(
                    rows[(c - 1) % 2],
                    outh.at[pl.ds(base + (c - 1) * GCH, GCH)],
                    wsem[(c - 1) % 2])
        hg[nch - 1].wait()
        hw[nch - 1] = pltpu.async_copy(
            rows[(nch - 1) % 2],
            outh.at[pl.ds(base + (nch - 1) * GCH, GCH)],
            wsem[(nch - 1) % 2])
        hw[nch - 2].wait()
        hw[nch - 1].wait()

    run(ml_hbm, vi_hbm, gl_hbm)
    run(mr_hbm, vj_hbm, gr_hbm)


_gather = functools.partial(
    pl.kernel,
    mesh=_SC_MESH,
    compiler_params=_SC_PARAMS,
    out_type=(
        jax.ShapeDtypeStruct((HALF, N_SM), f32),
        jax.ShapeDtypeStruct((HALF, N_SM), f32),
    ),
    scratch_types=[
        pltpu.VMEM((PW_H,), jnp.int32),
        pltpu.VMEM((GCH, N_SM), f32),
        pltpu.VMEM((GCH, N_SM), f32),
        pltpu.SemaphoreType.DMA,
        pltpu.SemaphoreType.DMA,
        pltpu.SemaphoreType.DMA,
        pltpu.SemaphoreType.DMA,
    ],
)(_gather_body)


def _edge_body(h, rel_ref, gl_ref, gr_ref, na_ref, eg_ref, wrel_ref, ql_ref,
               qr_ref, wc_ref, bc_ref, att_ref, m_ref):
    i = pl.program_id(0)
    dn = (((0,), (1,)), ((), ()))
    dn0 = (((0,), (0,)), ((), ()))
    rlr = lax.dot_general(wrel_ref[...], rel_ref[...].astype(bf16), dn,
                          preferred_element_type=f32)
    eye = (lax.broadcasted_iota(jnp.int32, (N_SM, N_SM), 0)
           == lax.broadcasted_iota(jnp.int32, (N_SM, N_SM), 1)).astype(f32)
    glT = lax.dot_general(eye, gl_ref[...], dn,
                          preferred_element_type=f32)
    grT = lax.dot_general(eye, gr_ref[...], dn,
                          preferred_element_type=f32)
    eg = eg_ref[...].reshape(1, BLK)
    onehotT = (lax.broadcasted_iota(jnp.int32, (B, 1), 0) == eg).astype(f32)
    qlT = lax.dot_general(ql_ref[...], onehotT, dn0,
                          preferred_element_type=f32)
    qrT = lax.dot_general(qr_ref[...], onehotT, dn0,
                          preferred_element_type=f32)
    zl = glT + rlr[:N_SM, :] + qlT
    zr = grT + rlr[N_SM:, :] + qrT
    lh = jnp.where(zl >= 0, zl, 0.01 * zl)
    rh = jnp.where(zr >= 0, zr, 0.01 * zr)
    ch = lax.dot_general(wc_ref[...].astype(bf16), rh.astype(bf16), dn0,
                         preferred_element_type=f32) \
        + bc_ref[...].reshape(N_SM, 1)
    ones = jnp.full((1, N_SM), 1.0, f32)
    logits = lax.dot_general(ones, lh * ch, (((1,), (0,)), ((), ())),
                             preferred_element_type=f32)
    a = logits * na_ref[...].reshape(1, BLK)
    gidx = (i + h * NBH) * BLK + lax.broadcasted_iota(jnp.int32, (1, BLK), 1)
    a = jnp.where(gidx < E, a, _NEG_INF)
    att_ref[...] = a.reshape(1, 1, BLK)

    @pl.when(i == 0)
    def _():
        m_ref[...] = jnp.full((1, 16), _NEG_INF, f32)

    m_ref[...] = jnp.maximum(m_ref[...], jnp.max(a))


def _edge(h, rel_emb, gl, gr, na_p, eg_p, wrel_bf, ql, qr, wc, bc):
    return pl.pallas_call(
        functools.partial(_edge_body, h),
        grid=(NBH,),
        in_specs=[
            pl.BlockSpec((BLK, N_DIMS), lambda i: (i + h * NBH, 0)),
            pl.BlockSpec((BLK, N_SM), lambda i: (i, 0)),
            pl.BlockSpec((BLK, N_SM), lambda i: (i, 0)),
            pl.BlockSpec((1, 1, BLK), lambda i: (i + h * NBH, 0, 0)),
            pl.BlockSpec((1, 1, BLK), lambda i: (i + h * NBH, 0, 0)),
            pl.BlockSpec((N_DIMS, 2 * N_SM), lambda i: (0, 0)),
            pl.BlockSpec((B, N_SM), lambda i: (0, 0)),
            pl.BlockSpec((B, N_SM), lambda i: (0, 0)),
            pl.BlockSpec((N_SM, N_SM), lambda i: (0, 0)),
            pl.BlockSpec((N_SM,), lambda i: (0,)),
        ],
        out_specs=(
            pl.BlockSpec((1, 1, BLK), lambda i: (i, 0, 0)),
            pl.BlockSpec((1, 16), lambda i: (0, 0)),
        ),
        out_shape=(
            jax.ShapeDtypeStruct((NBH, 1, BLK), f32),
            jax.ShapeDtypeStruct((1, 16), f32),
        ),
    )(rel_emb, gl, gr, na_p, eg_p, wrel_bf, ql, qr, wc, bc)


def _seg_den_body(att_hbm, m_hbm, seg_hbm, ex_hbm, denp_hbm,
                  att_v, seg_v, ex_v, den_l, m_v):
    w = _wid()
    base = w * PW
    pltpu.sync_copy(att_hbm.at[pl.ds(base, PW)], att_v)
    pltpu.sync_copy(seg_hbm.at[pl.ds(base, PW)], seg_v)
    pltpu.sync_copy(m_hbm, m_v)
    m = jnp.maximum(m_v[pl.ds(0, 16)], m_v[pl.ds(16, 16)])

    def zero(k, _):
        for j in range(8):
            den_l[pl.ds((k * 8 + j) * 16, 16)] = jnp.zeros((16,), f32)
        return 0

    lax.fori_loop(0, SEG_W // 128, zero, 0)

    def body(k, _):
        for j in range(4):
            sl = pl.ds((k * 4 + j) * 16, 16)
            e = jnp.exp(att_v[sl] - m)
            ex_v[sl] = e
            plsc.addupdate_scatter(den_l, [seg_v[sl]], e)
        return 0

    lax.fori_loop(0, PW // 64, body, 0)
    pltpu.sync_copy(ex_v, ex_hbm.at[pl.ds(base, PW)])
    pltpu.sync_copy(den_l, denp_hbm.at[w])


_seg_den = functools.partial(
    pl.kernel,
    mesh=_SC_MESH,
    compiler_params=_SC_PARAMS,
    out_type=(
        jax.ShapeDtypeStruct((E_PAD,), f32),
        jax.ShapeDtypeStruct((NW, SEG_W), f32),
    ),
    scratch_types=[
        pltpu.VMEM((PW,), f32),
        pltpu.VMEM((PW,), jnp.int32),
        pltpu.VMEM((PW,), f32),
        pltpu.VMEM((SEG_W,), f32),
        pltpu.VMEM((32,), f32),
    ],
)(_seg_den_body)


def _merge_body(p_ref, o_ref):
    o_ref[...] = jnp.sum(p_ref[...], axis=0)


def _merge(parts, width):
    return pl.pallas_call(
        _merge_body,
        out_shape=jax.ShapeDtypeStruct((width,), f32),
    )(parts)


def _soft_body(ex_hbm, seg_hbm, den_hbm, eg_hbm, soft_hbm, egsp_hbm,
               ex_v, seg_v, eg_v, den_v, soft_v, eg_l):
    w = _wid()
    base = w * PW
    pltpu.sync_copy(ex_hbm.at[pl.ds(base, PW)], ex_v)
    pltpu.sync_copy(seg_hbm.at[pl.ds(base, PW)], seg_v)
    pltpu.sync_copy(eg_hbm.at[pl.ds(base, PW)], eg_v)
    pltpu.sync_copy(den_hbm, den_v)

    for j in range(B // 16):
        eg_l[pl.ds(j * 16, 16)] = jnp.zeros((16,), f32)

    def body(k, _):
        for j in range(4):
            sl = pl.ds((k * 4 + j) * 16, 16)
            d = plsc.load_gather(den_v, [seg_v[sl]])
            so = ex_v[sl] / jnp.maximum(d, jnp.float32(1e-30))
            soft_v[sl] = so
            plsc.addupdate_scatter(eg_l, [eg_v[sl]], so)
        return 0

    lax.fori_loop(0, PW // 64, body, 0)
    pltpu.sync_copy(soft_v, soft_hbm.at[pl.ds(base, PW)])
    pltpu.sync_copy(eg_l, egsp_hbm.at[w])


_soft = functools.partial(
    pl.kernel,
    mesh=_SC_MESH,
    compiler_params=_SC_PARAMS,
    out_type=(
        jax.ShapeDtypeStruct((E_PAD,), f32),
        jax.ShapeDtypeStruct((NW, B), f32),
    ),
    scratch_types=[
        pltpu.VMEM((PW,), f32),
        pltpu.VMEM((PW,), jnp.int32),
        pltpu.VMEM((PW,), jnp.int32),
        pltpu.VMEM((SEG_W,), f32),
        pltpu.VMEM((PW,), f32),
        pltpu.VMEM((B,), f32),
    ],
)(_soft_body)


def _aggregate_body(soft_hbm, eg_hbm, dst_hbm, egsp_hbm, outp_hbm,
                    soft_v, eg_v, dst_v, egp_v, inv_v, out_l):
    w = _wid()
    base = w * PW
    pltpu.sync_copy(soft_hbm.at[pl.ds(base, PW)], soft_v)
    pltpu.sync_copy(eg_hbm.at[pl.ds(base, PW)], eg_v)
    pltpu.sync_copy(dst_hbm.at[pl.ds(base, PW)], dst_v)
    pltpu.sync_copy(egsp_hbm, egp_v)

    for j in range(B // 16):
        inv_v[pl.ds(j * 16, 16)] = jnp.zeros((16,), f32)

    def acc(i, _):
        for j in range(B // 16):
            sl = pl.ds(j * 16, 16)
            inv_v[sl] = inv_v[sl] + egp_v[pl.ds(i * B + j * 16, 16)]
        return 0

    lax.fori_loop(0, NW, acc, 0)
    for j in range(B // 16):
        sl = pl.ds(j * 16, 16)
        inv_v[sl] = jnp.float32(1.0) / jnp.maximum(inv_v[sl], jnp.float32(1e-30))

    def zero(k, _):
        for j in range(8):
            out_l[pl.ds((k * 8 + j) * 16, 16)] = jnp.zeros((16,), f32)
        return 0

    lax.fori_loop(0, SEG_W // 128, zero, 0)

    def body(k, _):
        for j in range(4):
            sl = pl.ds((k * 4 + j) * 16, 16)
            iv = plsc.load_gather(inv_v, [eg_v[sl]])
            plsc.addupdate_scatter(out_l, [dst_v[sl]], soft_v[sl] * iv)
        return 0

    lax.fori_loop(0, PW // 64, body, 0)
    pltpu.sync_copy(out_l, outp_hbm.at[w])


_aggregate = functools.partial(
    pl.kernel,
    mesh=_SC_MESH,
    compiler_params=_SC_PARAMS,
    out_type=jax.ShapeDtypeStruct((NW, SEG_W), f32),
    scratch_types=[
        pltpu.VMEM((PW,), f32),
        pltpu.VMEM((PW,), jnp.int32),
        pltpu.VMEM((PW,), jnp.int32),
        pltpu.VMEM((NW * B,), f32),
        pltpu.VMEM((B,), f32),
        pltpu.VMEM((SEG_W,), f32),
    ],
)(_aggregate_body)


def kernel(node_attention, memorized_embedding, rel_emb, query_src_emb,
           query_rel_emb, query_time_emb, eg_idx, idx_vi, idx_vj, seg_src,
           dst_ids, W_proj, b_proj, W_left, b_left, W_right, b_right,
           W_center, b_center):
    pad = E_PAD - E
    na_p = jnp.pad(node_attention, (0, pad)).reshape(NB, 1, BLK)
    eg_f = jnp.pad(eg_idx, (0, pad))
    vi_p = jnp.pad(idx_vi, (0, pad))
    vj_p = jnp.pad(idx_vj, (0, pad))
    seg_p = jnp.pad(seg_src, (0, pad))
    dst_p = jnp.pad(dst_ids, (0, pad))

    wmem, wrel, ql, qr, wrel_bf = _prep(W_proj, W_left, W_right, b_proj,
                                        b_left, b_right, query_src_emb,
                                        query_rel_emb, query_time_emb)
    ml, mr = _memproj(memorized_embedding, wmem)
    eg_p = eg_f.reshape(NB, 1, BLK)
    gl0, gr0 = _gather(ml, mr, vi_p[:HALF], vj_p[:HALF])
    gl1, gr1 = _gather(ml, mr, vi_p[HALF:], vj_p[HALF:])
    att0, m0 = _edge(0, rel_emb, gl0, gr0, na_p, eg_p, wrel_bf,
                     ql, qr, W_center, b_center)
    att1, m1 = _edge(1, rel_emb, gl1, gr1, na_p, eg_p, wrel_bf,
                     ql, qr, W_center, b_center)
    att = jnp.concatenate([att0.reshape(HALF), att1.reshape(HALF)])
    m2 = jnp.concatenate([m0, m1], axis=1).reshape(32)
    ex, den_p = _seg_den(att, m2, seg_p)
    den = _merge(den_p, SEG_W)
    soft, egs_p = _soft(ex, seg_p, den, eg_f)
    out_p = _aggregate(soft, eg_f, dst_p, egs_p.reshape(NW * B))
    res = _merge(out_p, SEG_W)
    return res[:NUM_TGT]

# --- scband reference (transcript-rebuilt; emitter-appended) ---
"""Pipeline reference for scband-attention-flow-32753420599373 (READ-ONLY COPY).

The authoritative reference and input builder live on the scoring server;
editing this copy changes nothing except your own understanding.
"""

import jax, jax.numpy as jnp
import numpy as np

E = 100000
N_DIMS = 512
N_SM = 128
B = 64
NUM_SEG = 25000
NUM_TGT = 25000
MEM = 40000


def setup_inputs(seed: int = 0) -> dict:
    key = jax.random.key(seed)
    ks = jax.random.split(key, 16)
    inp = {}
    inp["node_attention"] = jax.random.uniform(ks[0], (E,), dtype=jnp.float32)
    inp["memorized_embedding"] = jax.random.normal(ks[1], (MEM, N_DIMS), dtype=jnp.float32)
    inp["rel_emb"] = jax.random.normal(ks[2], (E, N_DIMS), dtype=jnp.float32)
    inp["query_src_emb"] = jax.random.normal(ks[3], (B, N_DIMS), dtype=jnp.float32)
    inp["query_rel_emb"] = jax.random.normal(ks[4], (B, N_DIMS), dtype=jnp.float32)
    inp["query_time_emb"] = jax.random.normal(ks[5], (B, N_DIMS), dtype=jnp.float32)
    inp["eg_idx"] = jnp.sort(jax.random.randint(ks[6], (E,), 0, B, dtype=jnp.int32))
    inp["idx_vi"] = jax.random.randint(ks[7], (E,), 0, MEM, dtype=jnp.int32)
    inp["idx_vj"] = jax.random.randint(ks[8], (E,), 0, MEM, dtype=jnp.int32)
    inp["seg_src"] = jnp.sort(jax.random.randint(ks[9], (E,), 0, NUM_SEG, dtype=jnp.int32))
    inp["dst_ids"] = jax.random.randint(ks[10], (E,), 0, NUM_TGT, dtype=jnp.int32)
    inp["W_proj"] = jax.random.normal(ks[11], (N_DIMS, N_SM), dtype=jnp.float32) * 0.02
    inp["b_proj"] = jnp.zeros((N_SM,), dtype=jnp.float32)
    inp["W_left"] = jax.random.normal(ks[12], (5 * N_SM, N_SM), dtype=jnp.float32) * 0.02
    inp["b_left"] = jnp.zeros((N_SM,), dtype=jnp.float32)
    inp["W_right"] = jax.random.normal(ks[13], (5 * N_SM, N_SM), dtype=jnp.float32) * 0.02
    inp["b_right"] = jnp.zeros((N_SM,), dtype=jnp.float32)
    inp["W_center"] = jax.random.normal(ks[14], (N_SM, N_SM), dtype=jnp.float32) * 0.02
    inp["b_center"] = jnp.zeros((N_SM,), dtype=jnp.float32)
    return inp


def reference(node_attention, memorized_embedding, rel_emb, query_src_emb, query_rel_emb, query_time_emb, eg_idx, idx_vi, idx_vj, seg_src, dst_ids, W_proj, b_proj, W_left, b_left, W_right, b_right, W_center, b_center):
    def proj(x):
        return x @ W_proj + b_proj

    # projections (self.proj)
    q_src = proj(query_src_emb)
    q_rel = proj(query_rel_emb)
    q_time = proj(query_time_emb)
    rel_v = proj(rel_emb)
    # memorized embedding dict lookup -> gather from table by unique (e,t) node index
    hidden_vi = proj(jnp.take(memorized_embedding, idx_vi, axis=0))
    hidden_vj = proj(jnp.take(memorized_embedding, idx_vj, axis=0))
    # index_select by eg_idx (selected_edges[:, 0])
    q_src_r = jnp.take(q_src, eg_idx, axis=0)
    q_rel_r = jnp.take(q_rel, eg_idx, axis=0)
    q_time_r = jnp.take(q_time, eg_idx, axis=0)
    # transition_fn G: sum(LeakyReLU(L(left_x)) * C(LeakyReLU(R(right_x))), -1)
    left_x = jnp.concatenate([hidden_vi, rel_v, q_src_r, q_rel_r, q_time_r], axis=-1)
    right_x = jnp.concatenate([hidden_vj, rel_v, q_src_r, q_rel_r, q_time_r], axis=-1)
    left_h = jax.nn.leaky_relu(left_x @ W_left + b_left, negative_slope=0.01)
    right_h = jax.nn.leaky_relu(right_x @ W_right + b_right, negative_slope=0.01)
    center_h = right_h @ W_center + b_center
    transition_logits = jnp.sum(left_h * center_h, axis=-1)
    attending = transition_logits * node_attention
    # segment_softmax_op over selected_edges[:, 6]
    seg_max = jax.ops.segment_max(attending, seg_src, num_segments=NUM_SEG)
    ex = jnp.exp(attending - jnp.take(seg_max, seg_src, axis=0))
    seg_den = jax.ops.segment_sum(ex, seg_src, num_segments=NUM_SEG)
    soft = ex / jnp.take(seg_den, seg_src, axis=0)
    # aggregate_op_node: normalize per eg, then scatter-add onto target (eg, vj, tj) nodes
    eg_sum = jax.ops.segment_sum(soft, eg_idx, num_segments=B)
    normed = soft / jnp.take(eg_sum, eg_idx, axis=0)
    new_node_attention = jax.ops.segment_sum(normed, dst_ids, num_segments=NUM_TGT)
    return new_node_attention

if __name__ == "__main__":
    import jax
    _d = setup_inputs()
    print(jax.jit(kernel)(*tuple(_d.values())))

</pallas_src>

<mosaic_0001>
#map = affine_map<(d0, d1) -> (0, 0)>
#map1 = affine_map<(d0, d1) -> (0)>
module attributes {stable_mosaic.version = 14 : i64} {
  func.func @_gather_body(%arg0: i32, %arg1: i32, %arg2: memref<40000x128xf32, #tpu.memory_space<hbm>>, %arg3: memref<40000x128xf32, #tpu.memory_space<hbm>>, %arg4: memref<50176xi32, #tpu.memory_space<hbm>>, %arg5: memref<50176xi32, #tpu.memory_space<hbm>>, %arg6: memref<50176x128xf32, #tpu.memory_space<hbm>>, %arg7: memref<50176x128xf32, #tpu.memory_space<hbm>>, %arg8: memref<1568xi32, #tpu.memory_space<vmem>>, %arg9: memref<392x128xf32, #tpu.memory_space<vmem>>, %arg10: memref<392x128xf32, #tpu.memory_space<vmem>>, %arg11: memref<!tpu.dma_semaphore, #tpu.memory_space<semaphore_mem>>, %arg12: memref<!tpu.dma_semaphore, #tpu.memory_space<semaphore_mem>>, %arg13: memref<!tpu.dma_semaphore, #tpu.memory_space<semaphore_mem>>, %arg14: memref<!tpu.dma_semaphore, #tpu.memory_space<semaphore_mem>>) attributes {dimension_semantics = [#tpu.dimension_semantics<core_parallel>, #tpu.dimension_semantics<subcore_parallel>], iteration_bounds = array<i64: 2, 16>, scalar_prefetch = 0 : i64, scratch_operands = 7 : i64, tpu.core_type = #tpu.core_type<sc_vector_subcore>, window_params = [{transform_indices = #map}, {transform_indices = #map}, {transform_indices = #map1}, {transform_indices = #map1}, {transform_indices = #map}, {transform_indices = #map}]} {
    %mul3A = arith.constant 2 : i32
    %mul3A_0 = arith.muli %arg1, %mul3A : i32
    %add3A = arith.addi %mul3A_0, %arg0 : i32
    %mul3A_1 = arith.constant 1568 : i32
    %mul3A_2 = arith.muli %add3A, %mul3A_1 : i32
    "tpu.region"() ({
      %run_scoped3A = tpu.sem_alloc : memref<!tpu.dma_semaphore, #tpu.memory_space<semaphore_mem>>
      %dma_start3A_161 = tpu.memref_slice %arg4[%mul3A_2] : memref<50176xi32, #tpu.memory_space<hbm>> -> memref<1568xi32, #tpu.memory_space<hbm>>
      %dma_start3A_162 = tpu.memref_slice %arg4[%mul3A_2] : memref<50176xi32, #tpu.memory_space<hbm>> -> memref<1568xi32, #tpu.memory_space<hbm>>
      tpu.enqueue_dma source(%dma_start3A_162 : memref<1568xi32, #tpu.memory_space<hbm>>) target(%arg8 : memref<1568xi32, #tpu.memory_space<vmem>>) target_semaphore(%run_scoped3A : memref<!tpu.dma_semaphore, #tpu.memory_space<semaphore_mem>>)
      %dma_wait3A_163 = tpu.memref_slice %arg4[%mul3A_2] : memref<50176xi32, #tpu.memory_space<hbm>> -> memref<1568xi32, #tpu.memory_space<hbm>>
      %dma_wait3A_164 = tpu.memref_slice %arg4[%mul3A_2] : memref<50176xi32, #tpu.memory_space<hbm>> -> memref<1568xi32, #tpu.memory_space<hbm>>
      tpu.wait_dma2 semaphore(%run_scoped3A : memref<!tpu.dma_semaphore, #tpu.memory_space<semaphore_mem>>) src(%dma_wait3A_164 : memref<1568xi32, #tpu.memory_space<hbm>>) dst(%arg8 : memref<1568xi32, #tpu.memory_space<vmem>>)
      tpu.yield
    }) : () -> ()
    %dma_start3A = arith.constant 0 : i32
    %dma_start3A_3 = tpu.memref_slice %arg8[%dma_start3A] : memref<1568xi32, #tpu.memory_space<vmem>> -> memref<392xi32, #tpu.memory_space<vmem>>
    %dma_start3A_4 = arith.constant 0 : i32
    %dma_start3A_5 = arith.constant 0 : i32
    %dma_start3A_6 = tpu.memref_slice %arg2[%dma_start3A_4, %dma_start3A_5] : memref<40000x128xf32, #tpu.memory_space<hbm>> -> memref<40000x128xf32, #tpu.memory_space<hbm>>
    tpu.enqueue_indirect_dma source(%dma_start3A_6 : memref<40000x128xf32, #tpu.memory_space<hbm>>) target(%arg9 : memref<392x128xf32, #tpu.memory_space<vmem>>) offsets(%dma_start3A_3 : memref<392xi32, #tpu.memory_space<vmem>>) semaphore(%arg11 : memref<!tpu.dma_semaphore, #tpu.memory_space<semaphore_mem>>)
    %dma_start3A_7 = arith.constant 392 : i32
    %dma_start3A_8 = tpu.memref_slice %arg8[%dma_start3A_7] : memref<1568xi32, #tpu.memory_space<vmem>> -> memref<392xi32, #tpu.memory_space<vmem>>
    %dma_start3A_9 = arith.constant 0 : i32
    %dma_start3A_10 = arith.constant 0 : i32
    %dma_start3A_11 = tpu.memref_slice %arg2[%dma_start3A_9, %dma_start3A_10] : memref<40000x128xf32, #tpu.memory_space<hbm>> -> memref<40000x128xf32, #tpu.memory_space<hbm>>
    tpu.enqueue_indirect_dma source(%dma_start3A_11 : memref<40000x128xf32, #tpu.memory_space<hbm>>) target(%arg10 : memref<392x128xf32, #tpu.memory_space<vmem>>) offsets(%dma_start3A_8 : memref<392xi32, #tpu.memory_space<vmem>>) semaphore(%arg12 : memref<!tpu.dma_semaphore, #tpu.memory_space<semaphore_mem>>)
    %dma_wait3A = arith.constant 0 : i32
    %dma_wait3A_12 = tpu.memref_slice %arg8[%dma_wait3A] : memref<1568xi32, #tpu.memory_space<vmem>> -> memref<392xi32, #tpu.memory_space<vmem>>
    %dma_wait3A_13 = arith.constant 0 : i32
    %dma_wait3A_14 = arith.constant 0 : i32
    %dma_wait3A_15 = tpu.memref_slice %arg2[%dma_wait3A_13, %dma_wait3A_14] : memref<40000x128xf32, #tpu.memory_space<hbm>> -> memref<40000x128xf32, #tpu.memory_space<hbm>>
    tpu.wait_indirect_dma semaphore(%arg11 : memref<!tpu.dma_semaphore, #tpu.memory_space<semaphore_mem>>) src(%dma_wait3A_15 : memref<40000x128xf32, #tpu.memory_space<hbm>>) dst(%arg9 : memref<392x128xf32, #tpu.memory_space<vmem>>)
    %add3A_16 = arith.constant 0 : i32
    %add3A_17 = arith.addi %mul3A_2, %add3A_16 : i32
    %dma_start3A_18 = arith.constant 0 : i32
    %dma_start3A_19 = tpu.memref_slice %arg6[%add3A_17, %dma_start3A_18] : memref<50176x128xf32, #tpu.memory_space<hbm>> -> memref<392x128xf32, #tpu.memory_space<hbm>>
    %dma_start3A_20 = arith.constant 0 : i32
    %dma_start3A_21 = tpu.memref_slice %arg6[%add3A_17, %dma_start3A_20] : memref<50176x128xf32, #tpu.memory_space<hbm>> -> memref<392x128xf32, #tpu.memory_space<hbm>>
    tpu.enqueue_dma source(%arg9 : memref<392x128xf32, #tpu.memory_space<vmem>>) target(%dma_start3A_21 : memref<392x128xf32, #tpu.memory_space<hbm>>) target_semaphore(%arg13 : memref<!tpu.dma_semaphore, #tpu.memory_space<semaphore_mem>>)
    %dma_wait3A_22 = arith.constant 0 : i32
    %dma_wait3A_23 = tpu.memref_slice %arg6[%add3A_17, %dma_wait3A_22] : memref<50176x128xf32, #tpu.memory_space<hbm>> -> memref<392x128xf32, #tpu.memory_space<hbm>>
    %dma_wait3A_24 = arith.constant 0 : i32
    %dma_wait3A_25 = tpu.memref_slice %arg6[%add3A_17, %dma_wait3A_24] : memref<50176x128xf32, #tpu.memory_space<hbm>> -> memref<392x128xf32, #tpu.memory_space<hbm>>
    tpu.wait_dma2 semaphore(%arg13 : memref<!tpu.dma_semaphore, #tpu.memory_space<semaphore_mem>>) src(%arg9 : memref<392x128xf32, #tpu.memory_space<vmem>>) dst(%dma_wait3A_25 : memref<392x128xf32, #tpu.memory_space<hbm>>)
    %dma_start3A_26 = arith.constant 784 : i32
    %dma_start3A_27 = tpu.memref_slice %arg8[%dma_start3A_26] : memref<1568xi32, #tpu.memory_space<vmem>> -> memref<392xi32, #tpu.memory_space<vmem>>
    %dma_start3A_28 = arith.constant 0 : i32
    %dma_start3A_29 = arith.constant 0 : i32
    %dma_start3A_30 = tpu.memref_slice %arg2[%dma_start3A_28, %dma_start3A_29] : memref<40000x128xf32, #tpu.memory_space<hbm>> -> memref<40000x128xf32, #tpu.memory_space<hbm>>
    tpu.enqueue_indirect_dma source(%dma_start3A_30 : memref<40000x128xf32, #tpu.memory_space<hbm>>) target(%arg9 : memref<392x128xf32, #tpu.memory_space<vmem>>) offsets(%dma_start3A_27 : memref<392xi32, #tpu.memory_space<vmem>>) semaphore(%arg11 : memref<!tpu.dma_semaphore, #tpu.memory_space<semaphore_mem>>)
    %dma_wait3A_31 = arith.constant 392 : i32
    %dma_wait3A_32 = tpu.memref_slice %arg8[%dma_wait3A_31] : memref<1568xi32, #tpu.memory_space<vmem>> -> memref<392xi32, #tpu.memory_space<vmem>>
    %dma_wait3A_33 = arith.constant 0 : i32
    %dma_wait3A_34 = arith.constant 0 : i32
    %dma_wait3A_35 = tpu.memref_slice %arg2[%dma_wait3A_33, %dma_wait3A_34] : memref<40000x128xf32, #tpu.memory_space<hbm>> -> memref<40000x128xf32, #tpu.memory_space<hbm>>
    tpu.wait_indirect_dma semaphore(%arg12 : memref<!tpu.dma_semaphore, #tpu.memory_space<semaphore_mem>>) src(%dma_wait3A_35 : memref<40000x128xf32, #tpu.memory_space<hbm>>) dst(%arg10 : memref<392x128xf32, #tpu.memory_space<vmem>>)
    %add3A_36 = arith.constant 392 : i32
    %add3A_37 = arith.addi %mul3A_2, %add3A_36 : i32
    %dma_start3A_38 = arith.constant 0 : i32
    %dma_start3A_39 = tpu.memref_slice %arg6[%add3A_37, %dma_start3A_38] : memref<50176x128xf32, #tpu.memory_space<hbm>> -> memref<392x128xf32, #tpu.memory_space<hbm>>
    %dma_start3A_40 = arith.constant 0 : i32
    %dma_start3A_41 = tpu.memref_slice %arg6[%add3A_37, %dma_start3A_40] : memref<50176x128xf32, #tpu.memory_space<hbm>> -> memref<392x128xf32, #tpu.memory_space<hbm>>
    tpu.enqueue_dma source(%arg10 : memref<392x128xf32, #tpu.memory_space<vmem>>) target(%dma_start3A_41 : memref<392x128xf32, #tpu.memory_space<hbm>>) target_semaphore(%arg14 : memref<!tpu.dma_semaphore, #tpu.memory_space<semaphore_mem>>)
    %dma_wait3A_42 = arith.constant 0 : i32
    %dma_wait3A_43 = tpu.memref_slice %arg6[%add3A_37, %dma_wait3A_42] : memref<50176x128xf32, #tpu.memory_space<hbm>> -> memref<392x128xf32, #tpu.memory_space<hbm>>
    %dma_wait3A_44 = arith.constant 0 : i32
    %dma_wait3A_45 = tpu.memref_slice %arg6[%add3A_37, %dma_wait3A_44] : memref<50176x128xf32, #tpu.memory_space<hbm>> -> memref<392x128xf32, #tpu.memory_space<hbm>>
    tpu.wait_dma2 semaphore(%arg14 : memref<!tpu.dma_semaphore, #tpu.memory_space<semaphore_mem>>) src(%arg10 : memref<392x128xf32, #tpu.memory_space<vmem>>) dst(%dma_wait3A_45 : memref<392x128xf32, #tpu.memory_space<hbm>>)
    %dma_start3A_46 = arith.constant 1176 : i32
    %dma_start3A_47 = tpu.memref_slice %arg8[%dma_start3A_46] : memref<1568xi32, #tpu.memory_space<vmem>> -> memref<392xi32, #tpu.memory_space<vmem>>
    %dma_start3A_48 = arith.constant 0 : i32
    %dma_start3A_49 = arith.constant 0 : i32
    %dma_start3A_50 = tpu.memref_slice %arg2[%dma_start3A_48, %dma_start3A_49] : memref<40000x128xf32, #tpu.memory_space<hbm>> -> memref<40000x128xf32, #tpu.memory_space<hbm>>
    tpu.enqueue_indirect_dma source(%dma_start3A_50 : memref<40000x128xf32, #tpu.memory_space<hbm>>) target(%arg10 : memref<392x128xf32, #tpu.memory_space<vmem>>) offsets(%dma_start3A_47 : memref<392xi32, #tpu.memory_space<vmem>>) semaphore(%arg12 : memref<!tpu.dma_semaphore, #tpu.memory_space<semaphore_mem>>)
    %dma_wait3A_51 = arith.constant 784 : i32
    %dma_wait3A_52 = tpu.memref_slice %arg8[%dma_wait3A_51] : memref<1568xi32, #tpu.memory_space<vmem>> -> memref<392xi32, #tpu.memory_space<vmem>>
    %dma_wait3A_53 = arith.constant 0 : i32
    %dma_wait3A_54 = arith.constant 0 : i32
    %dma_wait3A_55 = tpu.memref_slice %arg2[%dma_wait3A_53, %dma_wait3A_54] : memref<40000x128xf32, #tpu.memory_space<hbm>> -> memref<40000x128xf32, #tpu.memory_space<hbm>>
    tpu.wait_indirect_dma semaphore(%arg11 : memref<!tpu.dma_semaphore, #tpu.memory_space<semaphore_mem>>) src(%dma_wait3A_55 : memref<40000x128xf32, #tpu.memory_space<hbm>>) dst(%arg9 : memref<392x128xf32, #tpu.memory_space<vmem>>)
    %add3A_56 = arith.constant 784 : i32
    %add3A_57 = arith.addi %mul3A_2, %add3A_56 : i32
    %dma_start3A_58 = arith.constant 0 : i32
    %dma_start3A_59 = tpu.memref_slice %arg6[%add3A_57, %dma_start3A_58] : memref<50176x128xf32, #tpu.memory_space<hbm>> -> memref<392x128xf32, #tpu.memory_space<hbm>>
    %dma_start3A_60 = arith.constant 0 : i32
    %dma_start3A_61 = tpu.memref_slice %arg6[%add3A_57, %dma_start3A_60] : memref<50176x128xf32, #tpu.memory_space<hbm>> -> memref<392x128xf32, #tpu.memory_space<hbm>>
    tpu.enqueue_dma source(%arg9 : memref<392x128xf32, #tpu.memory_space<vmem>>) target(%dma_start3A_61 : memref<392x128xf32, #tpu.memory_space<hbm>>) target_semaphore(%arg13 : memref<!tpu.dma_semaphore, #tpu.memory_space<semaphore_mem>>)
    %dma_wait3A_62 = arith.constant 1176 : i32
    %dma_wait3A_63 = tpu.memref_slice %arg8[%dma_wait3A_62] : memref<1568xi32, #tpu.memory_space<vmem>> -> memref<392xi32, #tpu.memory_space<vmem>>
    %dma_wait3A_64 = arith.constant 0 : i32
    %dma_wait3A_65 = arith.constant 0 : i32
    %dma_wait3A_66 = tpu.memref_slice %arg2[%dma_wait3A_64, %dma_wait3A_65] : memref<40000x128xf32, #tpu.memory_space<hbm>> -> memref<40000x128xf32, #tpu.memory_space<hbm>>
    tpu.wait_indirect_dma semaphore(%arg12 : memref<!tpu.dma_semaphore, #tpu.memory_space<semaphore_mem>>) src(%dma_wait3A_66 : memref<40000x128xf32, #tpu.memory_space<hbm>>) dst(%arg10 : memref<392x128xf32, #tpu.memory_space<vmem>>)
    %add3A_67 = arith.constant 1176 : i32
    %add3A_68 = arith.addi %mul3A_2, %add3A_67 : i32
    %dma_start3A_69 = arith.constant 0 : i32
    %dma_start3A_70 = tpu.memref_slice %arg6[%add3A_68, %dma_start3A_69] : memref<50176x128xf32, #tpu.memory_space<hbm>> -> memref<392x128xf32, #tpu.memory_space<hbm>>
    %dma_start3A_71 = arith.constant 0 : i32
    %dma_start3A_72 = tpu.memref_slice %arg6[%add3A_68, %dma_start3A_71] : memref<50176x128xf32, #tpu.memory_space<hbm>> -> memref<392x128xf32, #tpu.memory_space<hbm>>
    tpu.enqueue_dma source(%arg10 : memref<392x128xf32, #tpu.memory_space<vmem>>) target(%dma_start3A_72 : memref<392x128xf32, #tpu.memory_space<hbm>>) target_semaphore(%arg14 : memref<!tpu.dma_semaphore, #tpu.memory_space<semaphore_mem>>)
    %dma_wait3A_73 = arith.constant 0 : i32
    %dma_wait3A_74 = tpu.memref_slice %arg6[%add3A_57, %dma_wait3A_73] : memref<50176x128xf32, #tpu.memory_space<hbm>> -> memref<392x128xf32, #tpu.memory_space<hbm>>
    %dma_wait3A_75 = arith.constant 0 : i32
    %dma_wait3A_76 = tpu.memref_slice %arg6[%add3A_57, %dma_wait3A_75] : memref<50176x128xf32, #tpu.memory_space<hbm>> -> memref<392x128xf32, #tpu.memory_space<hbm>>
    tpu.wait_dma2 semaphore(%arg13 : memref<!tpu.dma_semaphore, #tpu.memory_space<semaphore_mem>>) src(%arg9 : memref<392x128xf32, #tpu.memory_space<vmem>>) dst(%dma_wait3A_76 : memref<392x128xf32, #tpu.memory_space<hbm>>)
    %dma_wait3A_77 = arith.constant 0 : i32
    %dma_wait3A_78 = tpu.memref_slice %arg6[%add3A_68, %dma_wait3A_77] : memref<50176x128xf32, #tpu.memory_space<hbm>> -> memref<392x128xf32, #tpu.memory_space<hbm>>
    %dma_wait3A_79 = arith.constant 0 : i32
    %dma_wait3A_80 = tpu.memref_slice %arg6[%add3A_68, %dma_wait3A_79] : memref<50176x128xf32, #tpu.memory_space<hbm>> -> memref<392x128xf32, #tpu.memory_space<hbm>>
    tpu.wait_dma2 semaphore(%arg14 : memref<!tpu.dma_semaphore, #tpu.memory_space<semaphore_mem>>) src(%arg10 : memref<392x128xf32, #tpu.memory_space<vmem>>) dst(%dma_wait3A_80 : memref<392x128xf32, #tpu.memory_space<hbm>>)
    "tpu.region"() ({
      %run_scoped3A = tpu.sem_alloc : memref<!tpu.dma_semaphore, #tpu.memory_space<semaphore_mem>>
      %dma_start3A_161 = tpu.memref_slice %arg5[%mul3A_2] : memref<50176xi32, #tpu.memory_space<hbm>> -> memref<1568xi32, #tpu.memory_space<hbm>>
      %dma_start3A_162 = tpu.memref_slice %arg5[%mul3A_2] : memref<50176xi32, #tpu.memory_space<hbm>> -> memref<1568xi32, #tpu.memory_space<hbm>>
      tpu.enqueue_dma source(%dma_start3A_162 : memref<1568xi32, #tpu.memory_space<hbm>>) target(%arg8 : memref<1568xi32, #tpu.memory_space<vmem>>) target_semaphore(%run_scoped3A : memref<!tpu.dma_semaphore, #tpu.memory_space<semaphore_mem>>)
      %dma_wait3A_163 = tpu.memref_slice %arg5[%mul3A_2] : memref<50176xi32, #tpu.memory_space<hbm>> -> memref<1568xi32, #tpu.memory_space<hbm>>
      %dma_wait3A_164 = tpu.memref_slice %arg5[%mul3A_2] : memref<50176xi32, #tpu.memory_space<hbm>> -> memref<1568xi32, #tpu.memory_space<hbm>>
      tpu.wait_dma2 semaphore(%run_scoped3A : memref<!tpu.dma_semaphore, #tpu.memory_space<semaphore_mem>>) src(%dma_wait3A_164 : memref<1568xi32, #tpu.memory_space<hbm>>) dst(%arg8 : memref<1568xi32, #tpu.memory_space<vmem>>)
      tpu.yield
    }) : () -> ()
    %dma_start3A_81 = arith.constant 0 : i32
    %dma_start3A_82 = tpu.memref_slice %arg8[%dma_start3A_81] : memref<1568xi32, #tpu.memory_space<vmem>> -> memref<392xi32, #tpu.memory_space<vmem>>
    %dma_start3A_83 = arith.constant 0 : i32
    %dma_start3A_84 = arith.constant 0 : i32
    %dma_start3A_85 = tpu.memref_slice %arg3[%dma_start3A_83, %dma_start3A_84] : memref<40000x128xf32, #tpu.memory_space<hbm>> -> memref<40000x128xf32, #tpu.memory_space<hbm>>
    tpu.enqueue_indirect_dma source(%dma_start3A_85 : memref<40000x128xf32, #tpu.memory_space<hbm>>) target(%arg9 : memref<392x128xf32, #tpu.memory_space<vmem>>) offsets(%dma_start3A_82 : memref<392xi32, #tpu.memory_space<vmem>>) semaphore(%arg11 : memref<!tpu.dma_semaphore, #tpu.memory_space<semaphore_mem>>)
    %dma_start3A_86 = arith.constant 392 : i32
    %dma_start3A_87 = tpu.memref_slice %arg8[%dma_start3A_86] : memref<1568xi32, #tpu.memory_space<vmem>> -> memref<392xi32, #tpu.memory_space<vmem>>
    %dma_start3A_88 = arith.constant 0 : i32
    %dma_start3A_89 = arith.constant 0 : i32
    %dma_start3A_90 = tpu.memref_slice %arg3[%dma_start3A_88, %dma_start3A_89] : memref<40000x128xf32, #tpu.memory_space<hbm>> -> memref<40000x128xf32, #tpu.memory_space<hbm>>
    tpu.enqueue_indirect_dma source(%dma_start3A_90 : memref<40000x128xf32, #tpu.memory_space<hbm>>) target(%arg10 : memref<392x128xf32, #tpu.memory_space<vmem>>) offsets(%dma_start3A_87 : memref<392xi32, #tpu.memory_space<vmem>>) semaphore(%arg12 : memref<!tpu.dma_semaphore, #tpu.memory_space<semaphore_mem>>)
    %dma_wait3A_91 = arith.constant 0 : i32
    %dma_wait3A_92 = tpu.memref_slice %arg8[%dma_wait3A_91] : memref<1568xi32, #tpu.memory_space<vmem>> -> memref<392xi32, #tpu.memory_space<vmem>>
    %dma_wait3A_93 = arith.constant 0 : i32
    %dma_wait3A_94 = arith.constant 0 : i32
    %dma_wait3A_95 = tpu.memref_slice %arg3[%dma_wait3A_93, %dma_wait3A_94] : memref<40000x128xf32, #tpu.memory_space<hbm>> -> memref<40000x128xf32, #tpu.memory_space<hbm>>
    tpu.wait_indirect_dma semaphore(%arg11 : memref<!tpu.dma_semaphore, #tpu.memory_space<semaphore_mem>>) src(%dma_wait3A_95 : memref<40000x128xf32, #tpu.memory_space<hbm>>) dst(%arg9 : memref<392x128xf32, #tpu.memory_space<vmem>>)
    %add3A_96 = arith.constant 0 : i32
    %add3A_97 = arith.addi %mul3A_2, %add3A_96 : i32
    %dma_start3A_98 = arith.constant 0 : i32
    %dma_start3A_99 = tpu.memref_slice %arg7[%add3A_97, %dma_start3A_98] : memref<50176x128xf32, #tpu.memory_space<hbm>> -> memref<392x128xf32, #tpu.memory_space<hbm>>
    %dma_start3A_100 = arith.constant 0 : i32
    %dma_start3A_101 = tpu.memref_slice %arg7[%add3A_97, %dma_start3A_100] : memref<50176x128xf32, #tpu.memory_space<hbm>> -> memref<392x128xf32, #tpu.memory_space<hbm>>
    tpu.enqueue_dma source(%arg9 : memref<392x128xf32, #tpu.memory_space<vmem>>) target(%dma_start3A_101 : memref<392x128xf32, #tpu.memory_space<hbm>>) target_semaphore(%arg13 : memref<!tpu.dma_semaphore, #tpu.memory_space<semaphore_mem>>)
    %dma_wait3A_102 = arith.constant 0 : i32
    %dma_wait3A_103 = tpu.memref_slice %arg7[%add3A_97, %dma_wait3A_102] : memref<50176x128xf32, #tpu.memory_space<hbm>> -> memref<392x128xf32, #tpu.memory_space<hbm>>
    %dma_wait3A_104 = arith.constant 0 : i32
    %dma_wait3A_105 = tpu.memref_slice %arg7[%add3A_97, %dma_wait3A_104] : memref<50176x128xf32, #tpu.memory_space<hbm>> -> memref<392x128xf32, #tpu.memory_space<hbm>>
    tpu.wait_dma2 semaphore(%arg13 : memref<!tpu.dma_semaphore, #tpu.memory_space<semaphore_mem>>) src(%arg9 : memref<392x128xf32, #tpu.memory_space<vmem>>) dst(%dma_wait3A_105 : memref<392x128xf32, #tpu.memory_space<hbm>>)
    %dma_start3A_106 = arith.constant 784 : i32
    %dma_start3A_107 = tpu.memref_slice %arg8[%dma_start3A_106] : memref<1568xi32, #tpu.memory_space<vmem>> -> memref<392xi32, #tpu.memory_space<vmem>>
    %dma_start3A_108 = arith.constant 0 : i32
    %dma_start3A_109 = arith.constant 0 : i32
    %dma_start3A_110 = tpu.memref_slice %arg3[%dma_start3A_108, %dma_start3A_109] : memref<40000x128xf32, #tpu.memory_space<hbm>> -> memref<40000x128xf32, #tpu.memory_space<hbm>>
    tpu.enqueue_indirect_dma source(%dma_start3A_110 : memref<40000x128xf32, #tpu.memory_space<hbm>>) target(%arg9 : memref<392x128xf32, #tpu.memory_space<vmem>>) offsets(%dma_start3A_107 : memref<392xi32, #tpu.memory_space<vmem>>) semaphore(%arg11 : memref<!tpu.dma_semaphore, #tpu.memory_space<semaphore_mem>>)
    %dma_wait3A_111 = arith.constant 392 : i32
    %dma_wait3A_112 = tpu.memref_slice %arg8[%dma_wait3A_111] : memref<1568xi32, #tpu.memory_space<vmem>> -> memref<392xi32, #tpu.memory_space<vmem>>
    %dma_wait3A_113 = arith.constant 0 : i32
    %dma_wait3A_114 = arith.constant 0 : i32
    %dma_wait3A_115 = tpu.memref_slice %arg3[%dma_wait3A_113, %dma_wait3A_114] : memref<40000x128xf32, #tpu.memory_space<hbm>> -> memref<40000x128xf32, #tpu.memory_space<hbm>>
    tpu.wait_indirect_dma semaphore(%arg12 : memref<!tpu.dma_semaphore, #tpu.memory_space<semaphore_mem>>) src(%dma_wait3A_115 : memref<40000x128xf32, #tpu.memory_space<hbm>>) dst(%arg10 : memref<392x128xf32, #tpu.memory_space<vmem>>)
    %add3A_116 = arith.constant 392 : i32
    %add3A_117 = arith.addi %mul3A_2, %add3A_116 : i32
    %dma_start3A_118 = arith.constant 0 : i32
    %dma_start3A_119 = tpu.memref_slice %arg7[%add3A_117, %dma_start3A_118] : memref<50176x128xf32, #tpu.memory_space<hbm>> -> memref<392x128xf32, #tpu.memory_space<hbm>>
    %dma_start3A_120 = arith.constant 0 : i32
    %dma_start3A_121 = tpu.memref_slice %arg7[%add3A_117, %dma_start3A_120] : memref<50176x128xf32, #tpu.memory_space<hbm>> -> memref<392x128xf32, #tpu.memory_space<hbm>>
    tpu.enqueue_dma source(%arg10 : memref<392x128xf32, #tpu.memory_space<vmem>>) target(%dma_start3A_121 : memref<392x128xf32, #tpu.memory_space<hbm>>) target_semaphore(%arg14 : memref<!tpu.dma_semaphore, #tpu.memory_space<semaphore_mem>>)
    %dma_wait3A_122 = arith.constant 0 : i32
    %dma_wait3A_123 = tpu.memref_slice %arg7[%add3A_117, %dma_wait3A_122] : memref<50176x128xf32, #tpu.memory_space<hbm>> -> memref<392x128xf32, #tpu.memory_space<hbm>>
    %dma_wait3A_124 = arith.constant 0 : i32
    %dma_wait3A_125 = tpu.memref_slice %arg7[%add3A_117, %dma_wait3A_124] : memref<50176x128xf32, #tpu.memory_space<hbm>> -> memref<392x128xf32, #tpu.memory_space<hbm>>
    tpu.wait_dma2 semaphore(%arg14 : memref<!tpu.dma_semaphore, #tpu.memory_space<semaphore_mem>>) src(%arg10 : memref<392x128xf32, #tpu.memory_space<vmem>>) dst(%dma_wait3A_125 : memref<392x128xf32, #tpu.memory_space<hbm>>)
    %dma_start3A_126 = arith.constant 1176 : i32
    %dma_start3A_127 = tpu.memref_slice %arg8[%dma_start3A_126] : memref<1568xi32, #tpu.memory_space<vmem>> -> memref<392xi32, #tpu.memory_space<vmem>>
    %dma_start3A_128 = arith.constant 0 : i32
    %dma_start3A_129 = arith.constant 0 : i32
    %dma_start3A_130 = tpu.memref_slice %arg3[%dma_start3A_128, %dma_start3A_129] : memref<40000x128xf32, #tpu.memory_space<hbm>> -> memref<40000x128xf32, #tpu.memory_space<hbm>>
    tpu.enqueue_indirect_dma source(%dma_start3A_130 : memref<40000x128xf32, #tpu.memory_space<hbm>>) target(%arg10 : memref<392x128xf32, #tpu.memory_space<vmem>>) offsets(%dma_start3A_127 : memref<392xi32, #tpu.memory_space<vmem>>) semaphore(%arg12 : memref<!tpu.dma_semaphore, #tpu.memory_space<semaphore_mem>>)
    %dma_wait3A_131 = arith.constant 784 : i32
    %dma_wait3A_132 = tpu.memref_slice %arg8[%dma_wait3A_131] : memref<1568xi32, #tpu.memory_space<vmem>> -> memref<392xi32, #tpu.memory_space<vmem>>
    %dma_wait3A_133 = arith.constant 0 : i32
    %dma_wait3A_134 = arith.constant 0 : i32
    %dma_wait3A_135 = tpu.memref_slice %arg3[%dma_wait3A_133, %dma_wait3A_134] : memref<40000x128xf32, #tpu.memory_space<hbm>> -> memref<40000x128xf32, #tpu.memory_space<hbm>>
    tpu.wait_indirect_dma semaphore(%arg11 : memref<!tpu.dma_semaphore, #tpu.memory_space<semaphore_mem>>) src(%dma_wait3A_135 : memref<40000x128xf32, #tpu.memory_space<hbm>>) dst(%arg9 : memref<392x128xf32, #tpu.memory_space<vmem>>)
    %add3A_136 = arith.constant 784 : i32
    %add3A_137 = arith.addi %mul3A_2, %add3A_136 : i32
    %dma_start3A_138 = arith.constant 0 : i32
    %dma_start3A_139 = tpu.memref_slice %arg7[%add3A_137, %dma_start3A_138] : memref<50176x128xf32, #tpu.memory_space<hbm>> -> memref<392x128xf32, #tpu.memory_space<hbm>>
    %dma_start3A_140 = arith.constant 0 : i32
    %dma_start3A_141 = tpu.memref_slice %arg7[%add3A_137, %dma_start3A_140] : memref<50176x128xf32, #tpu.memory_space<hbm>> -> memref<392x128xf32, #tpu.memory_space<hbm>>
    tpu.enqueue_dma source(%arg9 : memref<392x128xf32, #tpu.memory_space<vmem>>) target(%dma_start3A_141 : memref<392x128xf32, #tpu.memory_space<hbm>>) target_semaphore(%arg13 : memref<!tpu.dma_semaphore, #tpu.memory_space<semaphore_mem>>)
    %dma_wait3A_142 = arith.constant 1176 : i32
    %dma_wait3A_143 = tpu.memref_slice %arg8[%dma_wait3A_142] : memref<1568xi32, #tpu.memory_space<vmem>> -> memref<392xi32, #tpu.memory_space<vmem>>
    %dma_wait3A_144 = arith.constant 0 : i32
    %dma_wait3A_145 = arith.constant 0 : i32
    %dma_wait3A_146 = tpu.memref_slice %arg3[%dma_wait3A_144, %dma_wait3A_145] : memref<40000x128xf32, #tpu.memory_space<hbm>> -> memref<40000x128xf32, #tpu.memory_space<hbm>>
    tpu.wait_indirect_dma semaphore(%arg12 : memref<!tpu.dma_semaphore, #tpu.memory_space<semaphore_mem>>) src(%dma_wait3A_146 : memref<40000x128xf32, #tpu.memory_space<hbm>>) dst(%arg10 : memref<392x128xf32, #tpu.memory_space<vmem>>)
    %add3A_147 = arith.constant 1176 : i32
    %add3A_148 = arith.addi %mul3A_2, %add3A_147 : i32
    %dma_start3A_149 = arith.constant 0 : i32
    %dma_start3A_150 = tpu.memref_slice %arg7[%add3A_148, %dma_start3A_149] : memref<50176x128xf32, #tpu.memory_space<hbm>> -> memref<392x128xf32, #tpu.memory_space<hbm>>
    %dma_start3A_151 = arith.constant 0 : i32
    %dma_start3A_152 = tpu.memref_slice %arg7[%add3A_148, %dma_start3A_151] : memref<50176x128xf32, #tpu.memory_space<hbm>> -> memref<392x128xf32, #tpu.memory_space<hbm>>
    tpu.enqueue_dma source(%arg10 : memref<392x128xf32, #tpu.memory_space<vmem>>) target(%dma_start3A_152 : memref<392x128xf32, #tpu.memory_space<hbm>>) target_semaphore(%arg14 : memref<!tpu.dma_semaphore, #tpu.memory_space<semaphore_mem>>)
    %dma_wait3A_153 = arith.constant 0 : i32
    %dma_wait3A_154 = tpu.memref_slice %arg7[%add3A_137, %dma_wait3A_153] : memref<50176x128xf32, #tpu.memory_space<hbm>> -> memref<392x128xf32, #tpu.memory_space<hbm>>
    %dma_wait3A_155 = arith.constant 0 : i32
    %dma_wait3A_156 = tpu.memref_slice %arg7[%add3A_137, %dma_wait3A_155] : memref<50176x128xf32, #tpu.memory_space<hbm>> -> memref<392x128xf32, #tpu.memory_space<hbm>>
    tpu.wait_dma2 semaphore(%arg13 : memref<!tpu.dma_semaphore, #tpu.memory_space<semaphore_mem>>) src(%arg9 : memref<392x128xf32, #tpu.memory_space<vmem>>) dst(%dma_wait3A_156 : memref<392x128xf32, #tpu.memory_space<hbm>>)
    %dma_wait3A_157 = arith.constant 0 : i32
    %dma_wait3A_158 = tpu.memref_slice %arg7[%add3A_148, %dma_wait3A_157] : memref<50176x128xf32, #tpu.memory_space<hbm>> -> memref<392x128xf32, #tpu.memory_space<hbm>>
    %dma_wait3A_159 = arith.constant 0 : i32
    %dma_wait3A_160 = tpu.memref_slice %arg7[%add3A_148, %dma_wait3A_159] : memref<50176x128xf32, #tpu.memory_space<hbm>> -> memref<392x128xf32, #tpu.memory_space<hbm>>
    tpu.wait_dma2 semaphore(%arg14 : memref<!tpu.dma_semaphore, #tpu.memory_space<semaphore_mem>>) src(%arg10 : memref<392x128xf32, #tpu.memory_space<vmem>>) dst(%dma_wait3A_160 : memref<392x128xf32, #tpu.memory_space<hbm>>)
    return
  }
}

#map = affine_map<(d0, d1) -> (0)>
#map1 = affine_map<(d0, d1) -> (0, 0)>
module attributes {stable_mosaic.version = 14 : i64} {
  func.func @_seg_den_body(%arg0: i32, %arg1: i32, %arg2: memref<100352xf32, #tpu.memory_space<hbm>>, %arg3: memref<32xf32, #tpu.memory_space<hbm>>, %arg4: memref<100352xi32, #tpu.memory_space<hbm>>, %arg5: memref<100352xf32, #tpu.memory_space<hbm>>, %arg6: memref<32x25088xf32, #tpu.memory_space<hbm>>, %arg7: memref<3136xf32, #tpu.memory_space<vmem>>, %arg8: memref<3136xi32, #tpu.memory_space<vmem>>, %arg9: memref<3136xf32, #tpu.memory_space<vmem>>, %arg10: memref<25088xf32, #tpu.memory_space<vmem>>, %arg11: memref<32xf32, #tpu.memory_space<vmem>>) attributes {dimension_semantics = [#tpu.dimension_semantics<core_parallel>, #tpu.dimension_semantics<subcore_parallel>], iteration_bounds = array<i64: 2, 16>, scalar_prefetch = 0 : i64, scratch_operands = 5 : i64, tpu.core_type = #tpu.core_type<sc_vector_subcore>, window_params = [{transform_indices = #map}, {transform_indices = #map}, {transform_indices = #map}, {transform_indices = #map}, {transform_indices = #map1}]} {
    %mul3A = arith.constant 2 : i32
    %mul3A_0 = arith.muli %arg1, %mul3A : i32
    %add3A = arith.addi %mul3A_0, %arg0 : i32
    %mul3A_1 = arith.constant 3136 : i32
    %mul3A_2 = arith.muli %add3A, %mul3A_1 : i32
    "tpu.region"() ({
      %run_scoped3A = tpu.sem_alloc : memref<!tpu.dma_semaphore, #tpu.memory_space<semaphore_mem>>
      %dma_start3A = tpu.memref_slice %arg2[%mul3A_2] : memref<100352xf32, #tpu.memory_space<hbm>> -> memref<3136xf32, #tpu.memory_space<hbm>>
      %dma_start3A_19 = tpu.memref_slice %arg2[%mul3A_2] : memref<100352xf32, #tpu.memory_space<hbm>> -> memref<3136xf32, #tpu.memory_space<hbm>>
      tpu.enqueue_dma source(%dma_start3A_19 : memref<3136xf32, #tpu.memory_space<hbm>>) target(%arg7 : memref<3136xf32, #tpu.memory_space<vmem>>) target_semaphore(%run_scoped3A : memref<!tpu.dma_semaphore, #tpu.memory_space<semaphore_mem>>)
      %dma_wait3A = tpu.memref_slice %arg2[%mul3A_2] : memref<100352xf32, #tpu.memory_space<hbm>> -> memref<3136xf32, #tpu.memory_space<hbm>>
      %dma_wait3A_20 = tpu.memref_slice %arg2[%mul3A_2] : memref<100352xf32, #tpu.memory_space<hbm>> -> memref<3136xf32, #tpu.memory_space<hbm>>
      tpu.wait_dma2 semaphore(%run_scoped3A : memref<!tpu.dma_semaphore, #tpu.memory_space<semaphore_mem>>) src(%dma_wait3A_20 : memref<3136xf32, #tpu.memory_space<hbm>>) dst(%arg7 : memref<3136xf32, #tpu.memory_space<vmem>>)
      tpu.yield
    }) : () -> ()
    "tpu.region"() ({
      %run_scoped3A = tpu.sem_alloc : memref<!tpu.dma_semaphore, #tpu.memory_space<semaphore_mem>>
      %dma_start3A = tpu.memref_slice %arg4[%mul3A_2] : memref<100352xi32, #tpu.memory_space<hbm>> -> memref<3136xi32, #tpu.memory_space<hbm>>
      %dma_start3A_19 = tpu.memref_slice %arg4[%mul3A_2] : memref<100352xi32, #tpu.memory_space<hbm>> -> memref<3136xi32, #tpu.memory_space<hbm>>
      tpu.enqueue_dma source(%dma_start3A_19 : memref<3136xi32, #tpu.memory_space<hbm>>) target(%arg8 : memref<3136xi32, #tpu.memory_space<vmem>>) target_semaphore(%run_scoped3A : memref<!tpu.dma_semaphore, #tpu.memory_space<semaphore_mem>>)
      %dma_wait3A = tpu.memref_slice %arg4[%mul3A_2] : memref<100352xi32, #tpu.memory_space<hbm>> -> memref<3136xi32, #tpu.memory_space<hbm>>
      %dma_wait3A_20 = tpu.memref_slice %arg4[%mul3A_2] : memref<100352xi32, #tpu.memory_space<hbm>> -> memref<3136xi32, #tpu.memory_space<hbm>>
      tpu.wait_dma2 semaphore(%run_scoped3A : memref<!tpu.dma_semaphore, #tpu.memory_space<semaphore_mem>>) src(%dma_wait3A_20 : memref<3136xi32, #tpu.memory_space<hbm>>) dst(%arg8 : memref<3136xi32, #tpu.memory_space<vmem>>)
      tpu.yield
    }) : () -> ()
    "tpu.region"() ({
      %run_scoped3A = tpu.sem_alloc : memref<!tpu.dma_semaphore, #tpu.memory_space<semaphore_mem>>
      tpu.enqueue_dma source(%arg3 : memref<32xf32, #tpu.memory_space<hbm>>) target(%arg11 : memref<32xf32, #tpu.memory_space<vmem>>) target_semaphore(%run_scoped3A : memref<!tpu.dma_semaphore, #tpu.memory_space<semaphore_mem>>)
      tpu.wait_dma2 semaphore(%run_scoped3A : memref<!tpu.dma_semaphore, #tpu.memory_space<semaphore_mem>>) src(%arg3 : memref<32xf32, #tpu.memory_space<hbm>>) dst(%arg11 : memref<32xf32, #tpu.memory_space<vmem>>)
      tpu.yield
    }) : () -> ()
    %get3A = arith.constant 0 : index
    %get3A_3 = tpu.vector_load %arg11[%get3A] {strides = array<i32>} : memref<32xf32, #tpu.memory_space<vmem>>, vector<16xf32>,
    %get3A_4 = arith.constant 16 : index
    %get3A_5 = tpu.vector_load %arg11[%get3A_4] {strides = array<i32>} : memref<32xf32, #tpu.memory_space<vmem>>, vector<16xf32>,
    %max3A = arith.maximumf %get3A_3, %get3A_5 : vector<16xf32>
    %scan3A = arith.constant 0 : i32
    %scan3A_6 = arith.constant 0 : i32
    %scan3A_7 = arith.constant 196 : i32
    %scan3A_8 = arith.addi %scan3A_6, %scan3A_7 : i32
    %scan3A_9 = arith.constant 1 : i32
    %scan3A_10 = scf.for %scan3A_19 = %scan3A_6 to %scan3A_8 step %scan3A_9 iter_args(%scan3A_20 = %scan3A) -> (i32)  : i32 {
      %broadcast_in_dim3A = arith.constant 0.000000e+00 : f32
      %broadcast_in_dim3A_21 = vector.broadcast %broadcast_in_dim3A : f32 to vector<16xf32>
      %mul3A_22 = arith.constant 8 : i32
      %mul3A_23 = arith.muli %scan3A_19, %mul3A_22 : i32
      %add3A_24 = arith.constant 0 : i32
      %add3A_25 = arith.addi %mul3A_23, %add3A_24 : i32
      %mul3A_26 = arith.constant 16 : i32
      %mul3A_27 = arith.muli %add3A_25, %mul3A_26 : i32
      %swap3A = arith.index_cast %mul3A_27 : i32 to index
      %swap3A_28 = tpu.vector_load %arg10[%swap3A] {strides = array<i32>} : memref<25088xf32, #tpu.memory_space<vmem>>, vector<16xf32>,
      tpu.vector_store %arg10[%swap3A], %broadcast_in_dim3A_21 {strides = array<i32>} : memref<25088xf32, #tpu.memory_space<vmem>>, vector<16xf32>,
      %broadcast_in_dim3A_29 = arith.constant 0.000000e+00 : f32
      %broadcast_in_dim3A_30 = vector.broadcast %broadcast_in_dim3A_29 : f32 to vector<16xf32>
      %mul3A_31 = arith.constant 8 : i32
      %mul3A_32 = arith.muli %scan3A_19, %mul3A_31 : i32
      %add3A_33 = arith.constant 1 : i32
      %add3A_34 = arith.addi %mul3A_32, %add3A_33 : i32
      %mul3A_35 = arith.constant 16 : i32
      %mul3A_36 = arith.muli %add3A_34, %mul3A_35 : i32
      %swap3A_37 = arith.index_cast %mul3A_36 : i32 to index
      %swap3A_38 = tpu.vector_load %arg10[%swap3A_37] {strides = array<i32>} : memref<25088xf32, #tpu.memory_space<vmem>>, vector<16xf32>,
      tpu.vector_store %arg10[%swap3A_37], %broadcast_in_dim3A_30 {strides = array<i32>} : memref<25088xf32, #tpu.memory_space<vmem>>, vector<16xf32>,
      %broadcast_in_dim3A_39 = arith.constant 0.000000e+00 : f32
      %broadcast_in_dim3A_40 = vector.broadcast %broadcast_in_dim3A_39 : f32 to vector<16xf32>
      %mul3A_41 = arith.constant 8 : i32
      %mul3A_42 = arith.muli %scan3A_19, %mul3A_41 : i32
      %add3A_43 = arith.constant 2 : i32
      %add3A_44 = arith.addi %mul3A_42, %add3A_43 : i32
      %mul3A_45 = arith.constant 16 : i32
      %mul3A_46 = arith.muli %add3A_44, %mul3A_45 : i32
      %swap3A_47 = arith.index_cast %mul3A_46 : i32 to index
      %swap3A_48 = tpu.vector_load %arg10[%swap3A_47] {strides = array<i32>} : memref<25088xf32, #tpu.memory_space<vmem>>, vector<16xf32>,
      tpu.vector_store %arg10[%swap3A_47], %broadcast_in_dim3A_40 {strides = array<i32>} : memref<25088xf32, #tpu.memory_space<vmem>>, vector<16xf32>,
      %broadcast_in_dim3A_49 = arith.constant 0.000000e+00 : f32
      %broadcast_in_dim3A_50 = vector.broadcast %broadcast_in_dim3A_49 : f32 to vector<16xf32>
      %mul3A_51 = arith.constant 8 : i32
      %mul3A_52 = arith.muli %scan3A_19, %mul3A_51 : i32
      %add3A_53 = arith.constant 3 : i32
      %add3A_54 = arith.addi %mul3A_52, %add3A_53 : i32
      %mul3A_55 = arith.constant 16 : i32
      %mul3A_56 = arith.muli %add3A_54, %mul3A_55 : i32
      %swap3A_57 = arith.index_cast %mul3A_56 : i32 to index
      %swap3A_58 = tpu.vector_load %arg10[%swap3A_57] {strides = array<i32>} : memref<25088xf32, #tpu.memory_space<vmem>>, vector<16xf32>,
      tpu.vector_store %arg10[%swap3A_57], %broadcast_in_dim3A_50 {strides = array<i32>} : memref<25088xf32, #tpu.memory_space<vmem>>, vector<16xf32>,
      %broadcast_in_dim3A_59 = arith.constant 0.000000e+00 : f32
      %broadcast_in_dim3A_60 = vector.broadcast %broadcast_in_dim3A_59 : f32 to vector<16xf32>
      %mul3A_61 = arith.constant 8 : i32
      %mul3A_62 = arith.muli %scan3A_19, %mul3A_61 : i32
      %add3A_63 = arith.constant 4 : i32
      %add3A_64 = arith.addi %mul3A_62, %add3A_63 : i32
      %mul3A_65 = arith.constant 16 : i32
      %mul3A_66 = arith.muli %add3A_64, %mul3A_65 : i32
      %swap3A_67 = arith.index_cast %mul3A_66 : i32 to index
      %swap3A_68 = tpu.vector_load %arg10[%swap3A_67] {strides = array<i32>} : memref<25088xf32, #tpu.memory_space<vmem>>, vector<16xf32>,
      tpu.vector_store %arg10[%swap3A_67], %broadcast_in_dim3A_60 {strides = array<i32>} : memref<25088xf32, #tpu.memory_space<vmem>>, vector<16xf32>,
      %broadcast_in_dim3A_69 = arith.constant 0.000000e+00 : f32
      %broadcast_in_dim3A_70 = vector.broadcast %broadcast_in_dim3A_69 : f32 to vector<16xf32>
      %mul3A_71 = arith.constant 8 : i32
      %mul3A_72 = arith.muli %scan3A_19, %mul3A_71 : i32
      %add3A_73 = arith.constant 5 : i32
      %add3A_74 = arith.addi %mul3A_72, %add3A_73 : i32
      %mul3A_75 = arith.constant 16 : i32
      %mul3A_76 = arith.muli %add3A_74, %mul3A_75 : i32
      %swap3A_77 = arith.index_cast %mul3A_76 : i32 to index
      %swap3A_78 = tpu.vector_load %arg10[%swap3A_77] {strides = array<i32>} : memref<25088xf32, #tpu.memory_space<vmem>>, vector<16xf32>,
      tpu.vector_store %arg10[%swap3A_77], %broadcast_in_dim3A_70 {strides = array<i32>} : memref<25088xf32, #tpu.memory_space<vmem>>, vector<16xf32>,
      %broadcast_in_dim3A_79 = arith.constant 0.000000e+00 : f32
      %broadcast_in_dim3A_80 = vector.broadcast %broadcast_in_dim3A_79 : f32 to vector<16xf32>
      %mul3A_81 = arith.constant 8 : i32
      %mul3A_82 = arith.muli %scan3A_19, %mul3A_81 : i32
      %add3A_83 = arith.constant 6 : i32
      %add3A_84 = arith.addi %mul3A_82, %add3A_83 : i32
      %mul3A_85 = arith.constant 16 : i32
      %mul3A_86 = arith.muli %add3A_84, %mul3A_85 : i32
      %swap3A_87 = arith.index_cast %mul3A_86 : i32 to index
      %swap3A_88 = tpu.vector_load %arg10[%swap3A_87] {strides = array<i32>} : memref<25088xf32, #tpu.memory_space<vmem>>, vector<16xf32>,
      tpu.vector_store %arg10[%swap3A_87], %broadcast_in_dim3A_80 {strides = array<i32>} : memref<25088xf32, #tpu.memory_space<vmem>>, vector<16xf32>,
      %broadcast_in_dim3A_89 = arith.constant 0.000000e+00 : f32
      %broadcast_in_dim3A_90 = vector.broadcast %broadcast_in_dim3A_89 : f32 to vector<16xf32>
      %mul3A_91 = arith.constant 8 : i32
      %mul3A_92 = arith.muli %scan3A_19, %mul3A_91 : i32
      %add3A_93 = arith.constant 7 : i32
      %add3A_94 = arith.addi %mul3A_92, %add3A_93 : i32
      %mul3A_95 = arith.constant 16 : i32
      %mul3A_96 = arith.muli %add3A_94, %mul3A_95 : i32
      %swap3A_97 = arith.index_cast %mul3A_96 : i32 to index
      %swap3A_98 = tpu.vector_load %arg10[%swap3A_97] {strides = array<i32>} : memref<25088xf32, #tpu.memory_space<vmem>>, vector<16xf32>,
      tpu.vector_store %arg10[%swap3A_97], %broadcast_in_dim3A_90 {strides = array<i32>} : memref<25088xf32, #tpu.memory_space<vmem>>, vector<16xf32>,
      %scan3A_99 = arith.constant 0 : i32
      scf.yield %scan3A_99 : i32
    }
    %scan3A_11 = arith.constant 196 : i32
    %scan3A_12 = arith.constant 0 : i32
    %scan3A_13 = arith.constant 0 : i32
    %scan3A_14 = arith.constant 49 : i32
    %scan3A_15 = arith.addi %scan3A_13, %scan3A_14 : i32
    %scan3A_16 = arith.constant 1 : i32
    %scan3A_17 = scf.for %scan3A_19 = %scan3A_13 to %scan3A_15 step %scan3A_16 iter_args(%scan3A_20 = %scan3A_12) -> (i32)  : i32 {
      %mul3A_21 = arith.constant 4 : i32
      %mul3A_22 = arith.muli %scan3A_19, %mul3A_21 : i32
      %add3A_23 = arith.constant 0 : i32
      %add3A_24 = arith.addi %mul3A_22, %add3A_23 : i32
      %mul3A_25 = arith.constant 16 : i32
      %mul3A_26 = arith.muli %add3A_24, %mul3A_25 : i32
      %get3A_27 = arith.index_cast %mul3A_26 : i32 to index
      %get3A_28 = tpu.vector_load %arg7[%get3A_27] {strides = array<i32>} : memref<3136xf32, #tpu.memory_space<vmem>>, vector<16xf32>,
      %sub3A = arith.subf %get3A_28, %max3A : vector<16xf32>
      %exp3A = math.exp %sub3A : vector<16xf32>
      %swap3A = arith.index_cast %mul3A_26 : i32 to index
      %swap3A_29 = tpu.vector_load %arg9[%swap3A] {strides = array<i32>} : memref<3136xf32, #tpu.memory_space<vmem>>, vector<16xf32>,
      tpu.vector_store %arg9[%swap3A], %exp3A {strides = array<i32>} : memref<3136xf32, #tpu.memory_space<vmem>>, vector<16xf32>,
      %get3A_30 = arith.index_cast %mul3A_26 : i32 to index
      %get3A_31 = tpu.vector_load %arg8[%get3A_30] {strides = array<i32>} : memref<3136xi32, #tpu.memory_space<vmem>>, vector<16xi32>,
      tpu.vector_store_idx %arg10[%get3A_31], %exp3A {add = true} : memref<25088xf32, #tpu.memory_space<vmem>>[vector<16xi32>], vector<16xf32>,
      %mul3A_32 = arith.constant 4 : i32
      %mul3A_33 = arith.muli %scan3A_19, %mul3A_32 : i32
      %add3A_34 = arith.constant 1 : i32
      %add3A_35 = arith.addi %mul3A_33, %add3A_34 : i32
      %mul3A_36 = arith.constant 16 : i32
      %mul3A_37 = arith.muli %add3A_35, %mul3A_36 : i32
      %get3A_38 = arith.index_cast %mul3A_37 : i32 to index
      %get3A_39 = tpu.vector_load %arg7[%get3A_38] {strides = array<i32>} : memref<3136xf32, #tpu.memory_space<vmem>>, vector<16xf32>,
      %sub3A_40 = arith.subf %get3A_39, %max3A : vector<16xf32>
      %exp3A_41 = math.exp %sub3A_40 : vector<16xf32>
      %swap3A_42 = arith.index_cast %mul3A_37 : i32 to index
      %swap3A_43 = tpu.vector_load %arg9[%swap3A_42] {strides = array<i32>} : memref<3136xf32, #tpu.memory_space<vmem>>, vector<16xf32>,
      tpu.vector_store %arg9[%swap3A_42], %exp3A_41 {strides = array<i32>} : memref<3136xf32, #tpu.memory_space<vmem>>, vector<16xf32>,
      %get3A_44 = arith.index_cast %mul3A_37 : i32 to index
      %get3A_45 = tpu.vector_load %arg8[%get3A_44] {strides = array<i32>} : memref<3136xi32, #tpu.memory_space<vmem>>, vector<16xi32>,
      tpu.vector_store_idx %arg10[%get3A_45], %exp3A_41 {add = true} : memref<25088xf32, #tpu.memory_space<vmem>>[vector<16xi32>], vector<16xf32>,
      %mul3A_46 = arith.constant 4 : i32
      %mul3A_47 = arith.muli %scan3A_19, %mul3A_46 : i32
      %add3A_48 = arith.constant 2 : i32
      %add3A_49 = arith.addi %mul3A_47, %add3A_48 : i32
      %mul3A_50 = arith.constant 16 : i32
      %mul3A_51 = arith.muli %add3A_49, %mul3A_50 : i32
      %get3A_52 = arith.index_cast %mul3A_51 : i32 to index
      %get3A_53 = tpu.vector_load %arg7[%get3A_52] {strides = array<i32>} : memref<3136xf32, #tpu.memory_space<vmem>>, vector<16xf32>,
      %sub3A_54 = arith.subf %get3A_53, %max3A : vector<16xf32>
      %exp3A_55 = math.exp %sub3A_54 : vector<16xf32>
      %swap3A_56 = arith.index_cast %mul3A_51 : i32 to index
      %swap3A_57 = tpu.vector_load %arg9[%swap3A_56] {strides = array<i32>} : memref<3136xf32, #tpu.memory_space<vmem>>, vector<16xf32>,
      tpu.vector_store %arg9[%swap3A_56], %exp3A_55 {strides = array<i32>} : memref<3136xf32, #tpu.memory_space<vmem>>, vector<16xf32>,
      %get3A_58 = arith.index_cast %mul3A_51 : i32 to index
      %get3A_59 = tpu.vector_load %arg8[%get3A_58] {strides = array<i32>} : memref<3136xi32, #tpu.memory_space<vmem>>, vector<16xi32>,
      tpu.vector_store_idx %arg10[%get3A_59], %exp3A_55 {add = true} : memref<25088xf32, #tpu.memory_space<vmem>>[vector<16xi32>], vector<16xf32>,
      %mul3A_60 = arith.constant 4 : i32
      %mul3A_61 = arith.muli %scan3A_19, %mul3A_60 : i32
      %add3A_62 = arith.constant 3 : i32
      %add3A_63 = arith.addi %mul3A_61, %add3A_62 : i32
      %mul3A_64 = arith.constant 16 : i32
      %mul3A_65 = arith.muli %add3A_63, %mul3A_64 : i32
      %get3A_66 = arith.index_cast %mul3A_65 : i32 to index
      %get3A_67 = tpu.vector_load %arg7[%get3A_66] {strides = array<i32>} : memref<3136xf32, #tpu.memory_space<vmem>>, vector<16xf32>,
      %sub3A_68 = arith.subf %get3A_67, %max3A : vector<16xf32>
      %exp3A_69 = math.exp %sub3A_68 : vector<16xf32>
      %swap3A_70 = arith.index_cast %mul3A_65 : i32 to index
      %swap3A_71 = tpu.vector_load %arg9[%swap3A_70] {strides = array<i32>} : memref<3136xf32, #tpu.memory_space<vmem>>, vector<16xf32>,
      tpu.vector_store %arg9[%swap3A_70], %exp3A_69 {strides = array<i32>} : memref<3136xf32, #tpu.memory_space<vmem>>, vector<16xf32>,
      %get3A_72 = arith.index_cast %mul3A_65 : i32 to index
      %get3A_73 = tpu.vector_load %arg8[%get3A_72] {strides = array<i32>} : memref<3136xi32, #tpu.memory_space<vmem>>, vector<16xi32>,
      tpu.vector_store_idx %arg10[%get3A_73], %exp3A_69 {add = true} : memref<25088xf32, #tpu.memory_space<vmem>>[vector<16xi32>], vector<16xf32>,
      %scan3A_74 = arith.constant 0 : i32
      scf.yield %scan3A_74 : i32
    }
    %scan3A_18 = arith.constant 49 : i32
    "tpu.region"() ({
      %run_scoped3A = tpu.sem_alloc : memref<!tpu.dma_semaphore, #tpu.memory_space<semaphore_mem>>
      %dma_start3A = tpu.memref_slice %arg5[%mul3A_2] : memref<100352xf32, #tpu.memory_space<hbm>> -> memref<3136xf32, #tpu.memory_space<hbm>>
      %dma_start3A_19 = tpu.memref_slice %arg5[%mul3A_2] : memref<100352xf32, #tpu.memory_space<hbm>> -> memref<3136xf32, #tpu.memory_space<hbm>>
      tpu.enqueue_dma source(%arg9 : memref<3136xf32, #tpu.memory_space<vmem>>) target(%dma_start3A_19 : memref<3136xf32, #tpu.memory_space<hbm>>) target_semaphore(%run_scoped3A : memref<!tpu.dma_semaphore, #tpu.memory_space<semaphore_mem>>)
      %dma_wait3A = tpu.memref_slice %arg5[%mul3A_2] : memref<100352xf32, #tpu.memory_space<hbm>> -> memref<3136xf32, #tpu.memory_space<hbm>>
      %dma_wait3A_20 = tpu.memref_slice %arg5[%mul3A_2] : memref<100352xf32, #tpu.memory_space<hbm>> -> memref<3136xf32, #tpu.memory_space<hbm>>
      tpu.wait_dma2 semaphore(%run_scoped3A : memref<!tpu.dma_semaphore, #tpu.memory_space<semaphore_mem>>) src(%arg9 : memref<3136xf32, #tpu.memory_space<vmem>>) dst(%dma_wait3A_20 : memref<3136xf32, #tpu.memory_space<hbm>>)
      tpu.yield
    }) : () -> ()
    "tpu.region"() ({
      %run_scoped3A = tpu.sem_alloc : memref<!tpu.dma_semaphore, #tpu.memory_space<semaphore_mem>>
      %dma_start3A = arith.constant 0 : i32
      %dma_start3A_19 = tpu.memref_slice %arg6[%add3A, %dma_start3A] : memref<32x25088xf32, #tpu.memory_space<hbm>> -> memref<1x25088xf32, #tpu.memory_space<hbm>>
      %dma_start3A_20 = tpu.memref_squeeze %dma_start3A_19 : memref<1x25088xf32, #tpu.memory_space<hbm>> -> memref<25088xf32, #tpu.memory_space<hbm>>
      %dma_start3A_21 = arith.constant 0 : i32
      %dma_start3A_22 = tpu.memref_slice %arg6[%add3A, %dma_start3A_21] : memref<32x25088xf32, #tpu.memory_space<hbm>> -> memref<1x25088xf32, #tpu.memory_space<hbm>>
      %dma_start3A_23 = tpu.memref_squeeze %dma_start3A_22 : memref<1x25088xf32, #tpu.memory_space<hbm>> -> memref<25088xf32, #tpu.memory_space<hbm>>
      tpu.enqueue_dma source(%arg10 : memref<25088xf32, #tpu.memory_space<vmem>>) target(%dma_start3A_23 : memref<25088xf32, #tpu.memory_space<hbm>>) target_semaphore(%run_scoped3A : memref<!tpu.dma_semaphore, #tpu.memory_space<semaphore_mem>>)
      %dma_wait3A = arith.constant 0 : i32
      %dma_wait3A_24 = tpu.memref_slice %arg6[%add3A, %dma_wait3A] : memref<32x25088xf32, #tpu.memory_space<hbm>> -> memref<1x25088xf32, #tpu.memory_space<hbm>>
      %dma_wait3A_25 = tpu.memref_squeeze %dma_wait3A_24 : memref<1x25088xf32, #tpu.memory_space<hbm>> -> memref<25088xf32, #tpu.memory_space<hbm>>
      %dma_wait3A_26 = arith.constant 0 : i32
      %dma_wait3A_27 = tpu.memref_slice %arg6[%add3A, %dma_wait3A_26] : memref<32x25088xf32, #tpu.memory_space<hbm>> -> memref<1x25088xf32, #tpu.memory_space<hbm>>
      %dma_wait3A_28 = tpu.memref_squeeze %dma_wait3A_27 : memref<1x25088xf32, #tpu.memory_space<hbm>> -> memref<25088xf32, #tpu.memory_space<hbm>>
      tpu.wait_dma2 semaphore(%run_scoped3A : memref<!tpu.dma_semaphore, #tpu.memory_space<semaphore_mem>>) src(%arg10 : memref<25088xf32, #tpu.memory_space<vmem>>) dst(%dma_wait3A_28 : memref<25088xf32, #tpu.memory_space<hbm>>)
      tpu.yield
    }) : () -> ()
    return
  }
}

#map = affine_map<(d0, d1) -> (0, 0)>
#map1 = affine_map<(d0, d1) -> (0)>
module attributes {stable_mosaic.version = 14 : i64} {
  func.func @_gather_body(%arg0: i32, %arg1: i32, %arg2: memref<40000x128xf32, #tpu.memory_space<hbm>>, %arg3: memref<40000x128xf32, #tpu.memory_space<hbm>>, %arg4: memref<50176xi32, #tpu.memory_space<hbm>>, %arg5: memref<50176xi32, #tpu.memory_space<hbm>>, %arg6: memref<50176x128xf32, #tpu.memory_space<hbm>>, %arg7: memref<50176x128xf32, #tpu.memory_space<hbm>>, %arg8: memref<1568xi32, #tpu.memory_space<vmem>>, %arg9: memref<392x128xf32, #tpu.memory_space<vmem>>, %arg10: memref<392x128xf32, #tpu.memory_space<vmem>>, %arg11: memref<!tpu.dma_semaphore, #tpu.memory_space<semaphore_mem>>, %arg12: memref<!tpu.dma_semaphore, #tpu.memory_space<semaphore_mem>>, %arg13: memref<!tpu.dma_semaphore, #tpu.memory_space<semaphore_mem>>, %arg14: memref<!tpu.dma_semaphore, #tpu.memory_space<semaphore_mem>>) attributes {dimension_semantics = [#tpu.dimension_semantics<core_parallel>, #tpu.dimension_semantics<subcore_parallel>], iteration_bounds = array<i64: 2, 16>, scalar_prefetch = 0 : i64, scratch_operands = 7 : i64, tpu.core_type = #tpu.core_type<sc_vector_subcore>, window_params = [{transform_indices = #map}, {transform_indices = #map}, {transform_indices = #map1}, {transform_indices = #map1}, {transform_indices = #map}, {transform_indices = #map}]} {
    %mul3A = arith.constant 2 : i32
    %mul3A_0 = arith.muli %arg1, %mul3A : i32
    %add3A = arith.addi %mul3A_0, %arg0 : i32
    %mul3A_1 = arith.constant 1568 : i32
    %mul3A_2 = arith.muli %add3A, %mul3A_1 : i32
    "tpu.region"() ({
      %run_scoped3A = tpu.sem_alloc : memref<!tpu.dma_semaphore, #tpu.memory_space<semaphore_mem>>
      %dma_start3A_161 = tpu.memref_slice %arg4[%mul3A_2] : memref<50176xi32, #tpu.memory_space<hbm>> -> memref<1568xi32, #tpu.memory_space<hbm>>
      %dma_start3A_162 = tpu.memref_slice %arg4[%mul3A_2] : memref<50176xi32, #tpu.memory_space<hbm>> -> memref<1568xi32, #tpu.memory_space<hbm>>
      tpu.enqueue_dma source(%dma_start3A_162 : memref<1568xi32, #tpu.memory_space<hbm>>) target(%arg8 : memref<1568xi32, #tpu.memory_space<vmem>>) target_semaphore(%run_scoped3A : memref<!tpu.dma_semaphore, #tpu.memory_space<semaphore_mem>>)
      %dma_wait3A_163 = tpu.memref_slice %arg4[%mul3A_2] : memref<50176xi32, #tpu.memory_space<hbm>> -> memref<1568xi32, #tpu.memory_space<hbm>>
      %dma_wait3A_164 = tpu.memref_slice %arg4[%mul3A_2] : memref<50176xi32, #tpu.memory_space<hbm>> -> memref<1568xi32, #tpu.memory_space<hbm>>
      tpu.wait_dma2 semaphore(%run_scoped3A : memref<!tpu.dma_semaphore, #tpu.memory_space<semaphore_mem>>) src(%dma_wait3A_164 : memref<1568xi32, #tpu.memory_space<hbm>>) dst(%arg8 : memref<1568xi32, #tpu.memory_space<vmem>>)
      tpu.yield
    }) : () -> ()
    %dma_start3A = arith.constant 0 : i32
    %dma_start3A_3 = tpu.memref_slice %arg8[%dma_start3A] : memref<1568xi32, #tpu.memory_space<vmem>> -> memref<392xi32, #tpu.memory_space<vmem>>
    %dma_start3A_4 = arith.constant 0 : i32
    %dma_start3A_5 = arith.constant 0 : i32
    %dma_start3A_6 = tpu.memref_slice %arg2[%dma_start3A_4, %dma_start3A_5] : memref<40000x128xf32, #tpu.memory_space<hbm>> -> memref<40000x128xf32, #tpu.memory_space<hbm>>
    tpu.enqueue_indirect_dma source(%dma_start3A_6 : memref<40000x128xf32, #tpu.memory_space<hbm>>) target(%arg9 : memref<392x128xf32, #tpu.memory_space<vmem>>) offsets(%dma_start3A_3 : memref<392xi32, #tpu.memory_space<vmem>>) semaphore(%arg11 : memref<!tpu.dma_semaphore, #tpu.memory_space<semaphore_mem>>)
    %dma_start3A_7 = arith.constant 392 : i32
    %dma_start3A_8 = tpu.memref_slice %arg8[%dma_start3A_7] : memref<1568xi32, #tpu.memory_space<vmem>> -> memref<392xi32, #tpu.memory_space<vmem>>
    %dma_start3A_9 = arith.constant 0 : i32
    %dma_start3A_10 = arith.constant 0 : i32
    %dma_start3A_11 = tpu.memref_slice %arg2[%dma_start3A_9, %dma_start3A_10] : memref<40000x128xf32, #tpu.memory_space<hbm>> -> memref<40000x128xf32, #tpu.memory_space<hbm>>
    tpu.enqueue_indirect_dma source(%dma_start3A_11 : memref<40000x128xf32, #tpu.memory_space<hbm>>) target(%arg10 : memref<392x128xf32, #tpu.memory_space<vmem>>) offsets(%dma_start3A_8 : memref<392xi32, #tpu.memory_space<vmem>>) semaphore(%arg12 : memref<!tpu.dma_semaphore, #tpu.memory_space<semaphore_mem>>)
    %dma_wait3A = arith.constant 0 : i32
    %dma_wait3A_12 = tpu.memref_slice %arg8[%dma_wait3A] : memref<1568xi32, #tpu.memory_space<vmem>> -> memref<392xi32, #tpu.memory_space<vmem>>
    %dma_wait3A_13 = arith.constant 0 : i32
    %dma_wait3A_14 = arith.constant 0 : i32
    %dma_wait3A_15 = tpu.memref_slice %arg2[%dma_wait3A_13, %dma_wait3A_14] : memref<40000x128xf32, #tpu.memory_space<hbm>> -> memref<40000x128xf32, #tpu.memory_space<hbm>>
    tpu.wait_indirect_dma semaphore(%arg11 : memref<!tpu.dma_semaphore, #tpu.memory_space<semaphore_mem>>) src(%dma_wait3A_15 : memref<40000x128xf32, #tpu.memory_space<hbm>>) dst(%arg9 : memref<392x128xf32, #tpu.memory_space<vmem>>)
    %add3A_16 = arith.constant 0 : i32
    %add3A_17 = arith.addi %mul3A_2, %add3A_16 : i32
    %dma_start3A_18 = arith.constant 0 : i32
    %dma_start3A_19 = tpu.memref_slice %arg6[%add3A_17, %dma_start3A_18] : memref<50176x128xf32, #tpu.memory_space<hbm>> -> memref<392x128xf32, #tpu.memory_space<hbm>>
    %dma_start3A_20 = arith.constant 0 : i32
    %dma_start3A_21 = tpu.memref_slice %arg6[%add3A_17, %dma_start3A_20] : memref<50176x128xf32, #tpu.memory_space<hbm>> -> memref<392x128xf32, #tpu.memory_space<hbm>>
    tpu.enqueue_dma source(%arg9 : memref<392x128xf32, #tpu.memory_space<vmem>>) target(%dma_start3A_21 : memref<392x128xf32, #tpu.memory_space<hbm>>) target_semaphore(%arg13 : memref<!tpu.dma_semaphore, #tpu.memory_space<semaphore_mem>>)
    %dma_wait3A_22 = arith.constant 0 : i32
    %dma_wait3A_23 = tpu.memref_slice %arg6[%add3A_17, %dma_wait3A_22] : memref<50176x128xf32, #tpu.memory_space<hbm>> -> memref<392x128xf32, #tpu.memory_space<hbm>>
    %dma_wait3A_24 = arith.constant 0 : i32
    %dma_wait3A_25 = tpu.memref_slice %arg6[%add3A_17, %dma_wait3A_24] : memref<50176x128xf32, #tpu.memory_space<hbm>> -> memref<392x128xf32, #tpu.memory_space<hbm>>
    tpu.wait_dma2 semaphore(%arg13 : memref<!tpu.dma_semaphore, #tpu.memory_space<semaphore_mem>>) src(%arg9 : memref<392x128xf32, #tpu.memory_space<vmem>>) dst(%dma_wait3A_25 : memref<392x128xf32, #tpu.memory_space<hbm>>)
    %dma_start3A_26 = arith.constant 784 : i32
    %dma_start3A_27 = tpu.memref_slice %arg8[%dma_start3A_26] : memref<1568xi32, #tpu.memory_space<vmem>> -> memref<392xi32, #tpu.memory_space<vmem>>
    %dma_start3A_28 = arith.constant 0 : i32
    %dma_start3A_29 = arith.constant 0 : i32
    %dma_start3A_30 = tpu.memref_slice %arg2[%dma_start3A_28, %dma_start3A_29] : memref<40000x128xf32, #tpu.memory_space<hbm>> -> memref<40000x128xf32, #tpu.memory_space<hbm>>
    tpu.enqueue_indirect_dma source(%dma_start3A_30 : memref<40000x128xf32, #tpu.memory_space<hbm>>) target(%arg9 : memref<392x128xf32, #tpu.memory_space<vmem>>) offsets(%dma_start3A_27 : memref<392xi32, #tpu.memory_space<vmem>>) semaphore(%arg11 : memref<!tpu.dma_semaphore, #tpu.memory_space<semaphore_mem>>)
    %dma_wait3A_31 = arith.constant 392 : i32
    %dma_wait3A_32 = tpu.memref_slice %arg8[%dma_wait3A_31] : memref<1568xi32, #tpu.memory_space<vmem>> -> memref<392xi32, #tpu.memory_space<vmem>>
    %dma_wait3A_33 = arith.constant 0 : i32
    %dma_wait3A_34 = arith.constant 0 : i32
    %dma_wait3A_35 = tpu.memref_slice %arg2[%dma_wait3A_33, %dma_wait3A_34] : memref<40000x128xf32, #tpu.memory_space<hbm>> -> memref<40000x128xf32, #tpu.memory_space<hbm>>
    tpu.wait_indirect_dma semaphore(%arg12 : memref<!tpu.dma_semaphore, #tpu.memory_space<semaphore_mem>>) src(%dma_wait3A_35 : memref<40000x128xf32, #tpu.memory_space<hbm>>) dst(%arg10 : memref<392x128xf32, #tpu.memory_space<vmem>>)
    %add3A_36 = arith.constant 392 : i32
    %add3A_37 = arith.addi %mul3A_2, %add3A_36 : i32
    %dma_start3A_38 = arith.constant 0 : i32
    %dma_start3A_39 = tpu.memref_slice %arg6[%add3A_37, %dma_start3A_38] : memref<50176x128xf32, #tpu.memory_space<hbm>> -> memref<392x128xf32, #tpu.memory_space<hbm>>
    %dma_start3A_40 = arith.constant 0 : i32
    %dma_start3A_41 = tpu.memref_slice %arg6[%add3A_37, %dma_start3A_40] : memref<50176x128xf32, #tpu.memory_space<hbm>> -> memref<392x128xf32, #tpu.memory_space<hbm>>
    tpu.enqueue_dma source(%arg10 : memref<392x128xf32, #tpu.memory_space<vmem>>) target(%dma_start3A_41 : memref<392x128xf32, #tpu.memory_space<hbm>>) target_semaphore(%arg14 : memref<!tpu.dma_semaphore, #tpu.memory_space<semaphore_mem>>)
    %dma_wait3A_42 = arith.constant 0 : i32
    %dma_wait3A_43 = tpu.memref_slice %arg6[%add3A_37, %dma_wait3A_42] : memref<50176x128xf32, #tpu.memory_space<hbm>> -> memref<392x128xf32, #tpu.memory_space<hbm>>
    %dma_wait3A_44 = arith.constant 0 : i32
    %dma_wait3A_45 = tpu.memref_slice %arg6[%add3A_37, %dma_wait3A_44] : memref<50176x128xf32, #tpu.memory_space<hbm>> -> memref<392x128xf32, #tpu.memory_space<hbm>>
    tpu.wait_dma2 semaphore(%arg14 : memref<!tpu.dma_semaphore, #tpu.memory_space<semaphore_mem>>) src(%arg10 : memref<392x128xf32, #tpu.memory_space<vmem>>) dst(%dma_wait3A_45 : memref<392x128xf32, #tpu.memory_space<hbm>>)
    %dma_start3A_46 = arith.constant 1176 : i32
    %dma_start3A_47 = tpu.memref_slice %arg8[%dma_start3A_46] : memref<1568xi32, #tpu.memory_space<vmem>> -> memref<392xi32, #tpu.memory_space<vmem>>
    %dma_start3A_48 = arith.constant 0 : i32
    %dma_start3A_49 = arith.constant 0 : i32
    %dma_start3A_50 = tpu.memref_slice %arg2[%dma_start3A_48, %dma_start3A_49] : memref<40000x128xf32, #tpu.memory_space<hbm>> -> memref<40000x128xf32, #tpu.memory_space<hbm>>
    tpu.enqueue_indirect_dma source(%dma_start3A_50 : memref<40000x128xf32, #tpu.memory_space<hbm>>) target(%arg10 : memref<392x128xf32, #tpu.memory_space<vmem>>) offsets(%dma_start3A_47 : memref<392xi32, #tpu.memory_space<vmem>>) semaphore(%arg12 : memref<!tpu.dma_semaphore, #tpu.memory_space<semaphore_mem>>)
    %dma_wait3A_51 = arith.constant 784 : i32
    %dma_wait3A_52 = tpu.memref_slice %arg8[%dma_wait3A_51] : memref<1568xi32, #tpu.memory_space<vmem>> -> memref<392xi32, #tpu.memory_space<vmem>>
    %dma_wait3A_53 = arith.constant 0 : i32
    %dma_wait3A_54 = arith.constant 0 : i32
    %dma_wait3A_55 = tpu.memref_slice %arg2[%dma_wait3A_53, %dma_wait3A_54] : memref<40000x128xf32, #tpu.memory_space<hbm>> -> memref<40000x128xf32, #tpu.memory_space<hbm>>
    tpu.wait_indirect_dma semaphore(%arg11 : memref<!tpu.dma_semaphore, #tpu.memory_space<semaphore_mem>>) src(%dma_wait3A_55 : memref<40000x128xf32, #tpu.memory_space<hbm>>) dst(%arg9 : memref<392x128xf32, #tpu.memory_space<vmem>>)
    %add3A_56 = arith.constant 784 : i32
    %add3A_57 = arith.addi %mul3A_2, %add3A_56 : i32
    %dma_start3A_58 = arith.constant 0 : i32
    %dma_start3A_59 = tpu.memref_slice %arg6[%add3A_57, %dma_start3A_58] : memref<50176x128xf32, #tpu.memory_space<hbm>> -> memref<392x128xf32, #tpu.memory_space<hbm>>
    %dma_start3A_60 = arith.constant 0 : i32
    %dma_start3A_61 = tpu.memref_slice %arg6[%add3A_57, %dma_start3A_60] : memref<50176x128xf32, #tpu.memory_space<hbm>> -> memref<392x128xf32, #tpu.memory_space<hbm>>
    tpu.enqueue_dma source(%arg9 : memref<392x128xf32, #tpu.memory_space<vmem>>) target(%dma_start3A_61 : memref<392x128xf32, #tpu.memory_space<hbm>>) target_semaphore(%arg13 : memref<!tpu.dma_semaphore, #tpu.memory_space<semaphore_mem>>)
    %dma_wait3A_62 = arith.constant 1176 : i32
    %dma_wait3A_63 = tpu.memref_slice %arg8[%dma_wait3A_62] : memref<1568xi32, #tpu.memory_space<vmem>> -> memref<392xi32, #tpu.memory_space<vmem>>
    %dma_wait3A_64 = arith.constant 0 : i32
    %dma_wait3A_65 = arith.constant 0 : i32
    %dma_wait3A_66 = tpu.memref_slice %arg2[%dma_wait3A_64, %dma_wait3A_65] : memref<40000x128xf32, #tpu.memory_space<hbm>> -> memref<40000x128xf32, #tpu.memory_space<hbm>>
    tpu.wait_indirect_dma semaphore(%arg12 : memref<!tpu.dma_semaphore, #tpu.memory_space<semaphore_mem>>) src(%dma_wait3A_66 : memref<40000x128xf32, #tpu.memory_space<hbm>>) dst(%arg10 : memref<392x128xf32, #tpu.memory_space<vmem>>)
    %add3A_67 = arith.constant 1176 : i32
    %add3A_68 = arith.addi %mul3A_2, %add3A_67 : i32
    %dma_start3A_69 = arith.constant 0 : i32
    %dma_start3A_70 = tpu.memref_slice %arg6[%add3A_68, %dma_start3A_69] : memref<50176x128xf32, #tpu.memory_space<hbm>> -> memref<392x128xf32, #tpu.memory_space<hbm>>
    %dma_start3A_71 = arith.constant 0 : i32
    %dma_start3A_72 = tpu.memref_slice %arg6[%add3A_68, %dma_start3A_71] : memref<50176x128xf32, #tpu.memory_space<hbm>> -> memref<392x128xf32, #tpu.memory_space<hbm>>
    tpu.enqueue_dma source(%arg10 : memref<392x128xf32, #tpu.memory_space<vmem>>) target(%dma_start3A_72 : memref<392x128xf32, #tpu.memory_space<hbm>>) target_semaphore(%arg14 : memref<!tpu.dma_semaphore, #tpu.memory_space<semaphore_mem>>)
    %dma_wait3A_73 = arith.constant 0 : i32
    %dma_wait3A_74 = tpu.memref_slice %arg6[%add3A_57, %dma_wait3A_73] : memref<50176x128xf32, #tpu.memory_space<hbm>> -> memref<392x128xf32, #tpu.memory_space<hbm>>
    %dma_wait3A_75 = arith.constant 0 : i32
    %dma_wait3A_76 = tpu.memref_slice %arg6[%add3A_57, %dma_wait3A_75] : memref<50176x128xf32, #tpu.memory_space<hbm>> -> memref<392x128xf32, #tpu.memory_space<hbm>>
    tpu.wait_dma2 semaphore(%arg13 : memref<!tpu.dma_semaphore, #tpu.memory_space<semaphore_mem>>) src(%arg9 : memref<392x128xf32, #tpu.memory_space<vmem>>) dst(%dma_wait3A_76 : memref<392x128xf32, #tpu.memory_space<hbm>>)
    %dma_wait3A_77 = arith.constant 0 : i32
    %dma_wait3A_78 = tpu.memref_slice %arg6[%add3A_68, %dma_wait3A_77] : memref<50176x128xf32, #tpu.memory_space<hbm>> -> memref<392x128xf32, #tpu.memory_space<hbm>>
    %dma_wait3A_79 = arith.constant 0 : i32
    %dma_wait3A_80 = tpu.memref_slice %arg6[%add3A_68, %dma_wait3A_79] : memref<50176x128xf32, #tpu.memory_space<hbm>> -> memref<392x128xf32, #tpu.memory_space<hbm>>
    tpu.wait_dma2 semaphore(%arg14 : memref<!tpu.dma_semaphore, #tpu.memory_space<semaphore_mem>>) src(%arg10 : memref<392x128xf32, #tpu.memory_space<vmem>>) dst(%dma_wait3A_80 : memref<392x128xf32, #tpu.memory_space<hbm>>)
    "tpu.region"() ({
      %run_scoped3A = tpu.sem_alloc : memref<!tpu.dma_semaphore, #tpu.memory_space<semaphore_mem>>
      %dma_start3A_161 = tpu.memref_slice %arg5[%mul3A_2] : memref<50176xi32, #tpu.memory_space<hbm>> -> memref<1568xi32, #tpu.memory_space<hbm>>
      %dma_start3A_162 = tpu.memref_slice %arg5[%mul3A_2] : memref<50176xi32, #tpu.memory_space<hbm>> -> memref<1568xi32, #tpu.memory_space<hbm>>
      tpu.enqueue_dma source(%dma_start3A_162 : memref<1568xi32, #tpu.memory_space<hbm>>) target(%arg8 : memref<1568xi32, #tpu.memory_space<vmem>>) target_semaphore(%run_scoped3A : memref<!tpu.dma_semaphore, #tpu.memory_space<semaphore_mem>>)
      %dma_wait3A_163 = tpu.memref_slice %arg5[%mul3A_2] : memref<50176xi32, #tpu.memory_space<hbm>> -> memref<1568xi32, #tpu.memory_space<hbm>>
      %dma_wait3A_164 = tpu.memref_slice %arg5[%mul3A_2] : memref<50176xi32, #tpu.memory_space<hbm>> -> memref<1568xi32, #tpu.memory_space<hbm>>
      tpu.wait_dma2 semaphore(%run_scoped3A : memref<!tpu.dma_semaphore, #tpu.memory_space<semaphore_mem>>) src(%dma_wait3A_164 : memref<1568xi32, #tpu.memory_space<hbm>>) dst(%arg8 : memref<1568xi32, #tpu.memory_space<vmem>>)
      tpu.yield
    }) : () -> ()
    %dma_start3A_81 = arith.constant 0 : i32
    %dma_start3A_82 = tpu.memref_slice %arg8[%dma_start3A_81] : memref<1568xi32, #tpu.memory_space<vmem>> -> memref<392xi32, #tpu.memory_space<vmem>>
    %dma_start3A_83 = arith.constant 0 : i32
    %dma_start3A_84 = arith.constant 0 : i32
    %dma_start3A_85 = tpu.memref_slice %arg3[%dma_start3A_83, %dma_start3A_84] : memref<40000x128xf32, #tpu.memory_space<hbm>> -> memref<40000x128xf32, #tpu.memory_space<hbm>>
    tpu.enqueue_indirect_dma source(%dma_start3A_85 : memref<40000x128xf32, #tpu.memory_space<hbm>>) target(%arg9 : memref<392x128xf32, #tpu.memory_space<vmem>>) offsets(%dma_start3A_82 : memref<392xi32, #tpu.memory_space<vmem>>) semaphore(%arg11 : memref<!tpu.dma_semaphore, #tpu.memory_space<semaphore_mem>>)
    %dma_start3A_86 = arith.constant 392 : i32
    %dma_start3A_87 = tpu.memref_slice %arg8[%dma_start3A_86] : memref<1568xi32, #tpu.memory_space<vmem>> -> memref<392xi32, #tpu.memory_space<vmem>>
    %dma_start3A_88 = arith.constant 0 : i32
    %dma_start3A_89 = arith.constant 0 : i32
    %dma_start3A_90 = tpu.memref_slice %arg3[%dma_start3A_88, %dma_start3A_89] : memref<40000x128xf32, #tpu.memory_space<hbm>> -> memref<40000x128xf32, #tpu.memory_space<hbm>>
    tpu.enqueue_indirect_dma source(%dma_start3A_90 : memref<40000x128xf32, #tpu.memory_space<hbm>>) target(%arg10 : memref<392x128xf32, #tpu.memory_space<vmem>>) offsets(%dma_start3A_87 : memref<392xi32, #tpu.memory_space<vmem>>) semaphore(%arg12 : memref<!tpu.dma_semaphore, #tpu.memory_space<semaphore_mem>>)
    %dma_wait3A_91 = arith.constant 0 : i32
    %dma_wait3A_92 = tpu.memref_slice %arg8[%dma_wait3A_91] : memref<1568xi32, #tpu.memory_space<vmem>> -> memref<392xi32, #tpu.memory_space<vmem>>
    %dma_wait3A_93 = arith.constant 0 : i32
    %dma_wait3A_94 = arith.constant 0 : i32
    %dma_wait3A_95 = tpu.memref_slice %arg3[%dma_wait3A_93, %dma_wait3A_94] : memref<40000x128xf32, #tpu.memory_space<hbm>> -> memref<40000x128xf32, #tpu.memory_space<hbm>>
    tpu.wait_indirect_dma semaphore(%arg11 : memref<!tpu.dma_semaphore, #tpu.memory_space<semaphore_mem>>) src(%dma_wait3A_95 : memref<40000x128xf32, #tpu.memory_space<hbm>>) dst(%arg9 : memref<392x128xf32, #tpu.memory_space<vmem>>)
    %add3A_96 = arith.constant 0 : i32
    %add3A_97 = arith.addi %mul3A_2, %add3A_96 : i32
    %dma_start3A_98 = arith.constant 0 : i32
    %dma_start3A_99 = tpu.memref_slice %arg7[%add3A_97, %dma_start3A_98] : memref<50176x128xf32, #tpu.memory_space<hbm>> -> memref<392x128xf32, #tpu.memory_space<hbm>>
    %dma_start3A_100 = arith.constant 0 : i32
    %dma_start3A_101 = tpu.memref_slice %arg7[%add3A_97, %dma_start3A_100] : memref<50176x128xf32, #tpu.memory_space<hbm>> -> memref<392x128xf32, #tpu.memory_space<hbm>>
    tpu.enqueue_dma source(%arg9 : memref<392x128xf32, #tpu.memory_space<vmem>>) target(%dma_start3A_101 : memref<392x128xf32, #tpu.memory_space<hbm>>) target_semaphore(%arg13 : memref<!tpu.dma_semaphore, #tpu.memory_space<semaphore_mem>>)
    %dma_wait3A_102 = arith.constant 0 : i32
    %dma_wait3A_103 = tpu.memref_slice %arg7[%add3A_97, %dma_wait3A_102] : memref<50176x128xf32, #tpu.memory_space<hbm>> -> memref<392x128xf32, #tpu.memory_space<hbm>>
    %dma_wait3A_104 = arith.constant 0 : i32
    %dma_wait3A_105 = tpu.memref_slice %arg7[%add3A_97, %dma_wait3A_104] : memref<50176x128xf32, #tpu.memory_space<hbm>> -> memref<392x128xf32, #tpu.memory_space<hbm>>
    tpu.wait_dma2 semaphore(%arg13 : memref<!tpu.dma_semaphore, #tpu.memory_space<semaphore_mem>>) src(%arg9 : memref<392x128xf32, #tpu.memory_space<vmem>>) dst(%dma_wait3A_105 : memref<392x128xf32, #tpu.memory_space<hbm>>)
    %dma_start3A_106 = arith.constant 784 : i32
    %dma_start3A_107 = tpu.memref_slice %arg8[%dma_start3A_106] : memref<1568xi32, #tpu.memory_space<vmem>> -> memref<392xi32, #tpu.memory_space<vmem>>
    %dma_start3A_108 = arith.constant 0 : i32
    %dma_start3A_109 = arith.constant 0 : i32
    %dma_start3A_110 = tpu.memref_slice %arg3[%dma_start3A_108, %dma_start3A_109] : memref<40000x128xf32, #tpu.memory_space<hbm>> -> memref<40000x128xf32, #tpu.memory_space<hbm>>
    tpu.enqueue_indirect_dma source(%dma_start3A_110 : memref<40000x128xf32, #tpu.memory_space<hbm>>) target(%arg9 : memref<392x128xf32, #tpu.memory_space<vmem>>) offsets(%dma_start3A_107 : memref<392xi32, #tpu.memory_space<vmem>>) semaphore(%arg11 : memref<!tpu.dma_semaphore, #tpu.memory_space<semaphore_mem>>)
    %dma_wait3A_111 = arith.constant 392 : i32
    %dma_wait3A_112 = tpu.memref_slice %arg8[%dma_wait3A_111] : memref<1568xi32, #tpu.memory_space<vmem>> -> memref<392xi32, #tpu.memory_space<vmem>>
    %dma_wait3A_113 = arith.constant 0 : i32
    %dma_wait3A_114 = arith.constant 0 : i32
    %dma_wait3A_115 = tpu.memref_slice %arg3[%dma_wait3A_113, %dma_wait3A_114] : memref<40000x128xf32, #tpu.memory_space<hbm>> -> memref<40000x128xf32, #tpu.memory_space<hbm>>
    tpu.wait_indirect_dma semaphore(%arg12 : memref<!tpu.dma_semaphore, #tpu.memory_space<semaphore_mem>>) src(%dma_wait3A_115 : memref<40000x128xf32, #tpu.memory_space<hbm>>) dst(%arg10 : memref<392x128xf32, #tpu.memory_space<vmem>>)
    %add3A_116 = arith.constant 392 : i32
    %add3A_117 = arith.addi %mul3A_2, %add3A_116 : i32
    %dma_start3A_118 = arith.constant 0 : i32
    %dma_start3A_119 = tpu.memref_slice %arg7[%add3A_117, %dma_start3A_118] : memref<50176x128xf32, #tpu.memory_space<hbm>> -> memref<392x128xf32, #tpu.memory_space<hbm>>
    %dma_start3A_120 = arith.constant 0 : i32
    %dma_start3A_121 = tpu.memref_slice %arg7[%add3A_117, %dma_start3A_120] : memref<50176x128xf32, #tpu.memory_space<hbm>> -> memref<392x128xf32, #tpu.memory_space<hbm>>
    tpu.enqueue_dma source(%arg10 : memref<392x128xf32, #tpu.memory_space<vmem>>) target(%dma_start3A_121 : memref<392x128xf32, #tpu.memory_space<hbm>>) target_semaphore(%arg14 : memref<!tpu.dma_semaphore, #tpu.memory_space<semaphore_mem>>)
    %dma_wait3A_122 = arith.constant 0 : i32
    %dma_wait3A_123 = tpu.memref_slice %arg7[%add3A_117, %dma_wait3A_122] : memref<50176x128xf32, #tpu.memory_space<hbm>> -> memref<392x128xf32, #tpu.memory_space<hbm>>
    %dma_wait3A_124 = arith.constant 0 : i32
    %dma_wait3A_125 = tpu.memref_slice %arg7[%add3A_117, %dma_wait3A_124] : memref<50176x128xf32, #tpu.memory_space<hbm>> -> memref<392x128xf32, #tpu.memory_space<hbm>>
    tpu.wait_dma2 semaphore(%arg14 : memref<!tpu.dma_semaphore, #tpu.memory_space<semaphore_mem>>) src(%arg10 : memref<392x128xf32, #tpu.memory_space<vmem>>) dst(%dma_wait3A_125 : memref<392x128xf32, #tpu.memory_space<hbm>>)
    %dma_start3A_126 = arith.constant 1176 : i32
    %dma_start3A_127 = tpu.memref_slice %arg8[%dma_start3A_126] : memref<1568xi32, #tpu.memory_space<vmem>> -> memref<392xi32, #tpu.memory_space<vmem>>
    %dma_start3A_128 = arith.constant 0 : i32
    %dma_start3A_129 = arith.constant 0 : i32
    %dma_start3A_130 = tpu.memref_slice %arg3[%dma_start3A_128, %dma_start3A_129] : memref<40000x128xf32, #tpu.memory_space<hbm>> -> memref<40000x128xf32, #tpu.memory_space<hbm>>
    tpu.enqueue_indirect_dma source(%dma_start3A_130 : memref<40000x128xf32, #tpu.memory_space<hbm>>) target(%arg10 : memref<392x128xf32, #tpu.memory_space<vmem>>) offsets(%dma_start3A_127 : memref<392xi32, #tpu.memory_space<vmem>>) semaphore(%arg12 : memref<!tpu.dma_semaphore, #tpu.memory_space<semaphore_mem>>)
    %dma_wait3A_131 = arith.constant 784 : i32
    %dma_wait3A_132 = tpu.memref_slice %arg8[%dma_wait3A_131] : memref<1568xi32, #tpu.memory_space<vmem>> -> memref<392xi32, #tpu.memory_space<vmem>>
    %dma_wait3A_133 = arith.constant 0 : i32
    %dma_wait3A_134 = arith.constant 0 : i32
    %dma_wait3A_135 = tpu.memref_slice %arg3[%dma_wait3A_133, %dma_wait3A_134] : memref<40000x128xf32, #tpu.memory_space<hbm>> -> memref<40000x128xf32, #tpu.memory_space<hbm>>
    tpu.wait_indirect_dma semaphore(%arg11 : memref<!tpu.dma_semaphore, #tpu.memory_space<semaphore_mem>>) src(%dma_wait3A_135 : memref<40000x128xf32, #tpu.memory_space<hbm>>) dst(%arg9 : memref<392x128xf32, #tpu.memory_space<vmem>>)
    %add3A_136 = arith.constant 784 : i32
    %add3A_137 = arith.addi %mul3A_2, %add3A_136 : i32
    %dma_start3A_138 = arith.constant 0 : i32
    %dma_start3A_139 = tpu.memref_slice %arg7[%add3A_137, %dma_start3A_138] : memref<50176x128xf32, #tpu.memory_space<hbm>> -> memref<392x128xf32, #tpu.memory_space<hbm>>
    %dma_start3A_140 = arith.constant 0 : i32
    %dma_start3A_141 = tpu.memref_slice %arg7[%add3A_137, %dma_start3A_140] : memref<50176x128xf32, #tpu.memory_space<hbm>> -> memref<392x128xf32, #tpu.memory_space<hbm>>
    tpu.enqueue_dma source(%arg9 : memref<392x128xf32, #tpu.memory_space<vmem>>) target(%dma_start3A_141 : memref<392x128xf32, #tpu.memory_space<hbm>>) target_semaphore(%arg13 : memref<!tpu.dma_semaphore, #tpu.memory_space<semaphore_mem>>)
    %dma_wait3A_142 = arith.constant 1176 : i32
    %dma_wait3A_143 = tpu.memref_slice %arg8[%dma_wait3A_142] : memref<1568xi32, #tpu.memory_space<vmem>> -> memref<392xi32, #tpu.memory_space<vmem>>
    %dma_wait3A_144 = arith.constant 0 : i32
    %dma_wait3A_145 = arith.constant 0 : i32
    %dma_wait3A_146 = tpu.memref_slice %arg3[%dma_wait3A_144, %dma_wait3A_145] : memref<40000x128xf32, #tpu.memory_space<hbm>> -> memref<40000x128xf32, #tpu.memory_space<hbm>>
    tpu.wait_indirect_dma semaphore(%arg12 : memref<!tpu.dma_semaphore, #tpu.memory_space<semaphore_mem>>) src(%dma_wait3A_146 : memref<40000x128xf32, #tpu.memory_space<hbm>>) dst(%arg10 : memref<392x128xf32, #tpu.memory_space<vmem>>)
    %add3A_147 = arith.constant 1176 : i32
    %add3A_148 = arith.addi %mul3A_2, %add3A_147 : i32
    %dma_start3A_149 = arith.constant 0 : i32
    %dma_start3A_150 = tpu.memref_slice %arg7[%add3A_148, %dma_start3A_149] : memref<50176x128xf32, #tpu.memory_space<hbm>> -> memref<392x128xf32, #tpu.memory_space<hbm>>
    %dma_start3A_151 = arith.constant 0 : i32
    %dma_start3A_152 = tpu.memref_slice %arg7[%add3A_148, %dma_start3A_151] : memref<50176x128xf32, #tpu.memory_space<hbm>> -> memref<392x128xf32, #tpu.memory_space<hbm>>
    tpu.enqueue_dma source(%arg10 : memref<392x128xf32, #tpu.memory_space<vmem>>) target(%dma_start3A_152 : memref<392x128xf32, #tpu.memory_space<hbm>>) target_semaphore(%arg14 : memref<!tpu.dma_semaphore, #tpu.memory_space<semaphore_mem>>)
    %dma_wait3A_153 = arith.constant 0 : i32
    %dma_wait3A_154 = tpu.memref_slice %arg7[%add3A_137, %dma_wait3A_153] : memref<50176x128xf32, #tpu.memory_space<hbm>> -> memref<392x128xf32, #tpu.memory_space<hbm>>
    %dma_wait3A_155 = arith.constant 0 : i32
    %dma_wait3A_156 = tpu.memref_slice %arg7[%add3A_137, %dma_wait3A_155] : memref<50176x128xf32, #tpu.memory_space<hbm>> -> memref<392x128xf32, #tpu.memory_space<hbm>>
    tpu.wait_dma2 semaphore(%arg13 : memref<!tpu.dma_semaphore, #tpu.memory_space<semaphore_mem>>) src(%arg9 : memref<392x128xf32, #tpu.memory_space<vmem>>) dst(%dma_wait3A_156 : memref<392x128xf32, #tpu.memory_space<hbm>>)
    %dma_wait3A_157 = arith.constant 0 : i32
    %dma_wait3A_158 = tpu.memref_slice %arg7[%add3A_148, %dma_wait3A_157] : memref<50176x128xf32, #tpu.memory_space<hbm>> -> memref<392x128xf32, #tpu.memory_space<hbm>>
    %dma_wait3A_159 = arith.constant 0 : i32
    %dma_wait3A_160 = tpu.memref_slice %arg7[%add3A_148, %dma_wait3A_159] : memref<50176x128xf32, #tpu.memory_space<hbm>> -> memref<392x128xf32, #tpu.memory_space<hbm>>
    tpu.wait_dma2 semaphore(%arg14 : memref<!tpu.dma_semaphore, #tpu.memory_space<semaphore_mem>>) src(%arg10 : memref<392x128xf32, #tpu.memory_space<vmem>>) dst(%dma_wait3A_160 : memref<392x128xf32, #tpu.memory_space<hbm>>)
    return
  }
}

#map = affine_map<(d0, d1) -> (0)>
#map1 = affine_map<(d0, d1) -> (0, 0)>
module attributes {stable_mosaic.version = 14 : i64} {
  func.func @_soft_body(%arg0: i32, %arg1: i32, %arg2: memref<100352xf32, #tpu.memory_space<hbm>>, %arg3: memref<100352xi32, #tpu.memory_space<hbm>>, %arg4: memref<25088xf32, #tpu.memory_space<hbm>>, %arg5: memref<100352xi32, #tpu.memory_space<hbm>>, %arg6: memref<100352xf32, #tpu.memory_space<hbm>>, %arg7: memref<32x64xf32, #tpu.memory_space<hbm>>, %arg8: memref<3136xf32, #tpu.memory_space<vmem>>, %arg9: memref<3136xi32, #tpu.memory_space<vmem>>, %arg10: memref<3136xi32, #tpu.memory_space<vmem>>, %arg11: memref<25088xf32, #tpu.memory_space<vmem>>, %arg12: memref<3136xf32, #tpu.memory_space<vmem>>, %arg13: memref<64xf32, #tpu.memory_space<vmem>>) attributes {dimension_semantics = [#tpu.dimension_semantics<core_parallel>, #tpu.dimension_semantics<subcore_parallel>], iteration_bounds = array<i64: 2, 16>, scalar_prefetch = 0 : i64, scratch_operands = 6 : i64, tpu.core_type = #tpu.core_type<sc_vector_subcore>, window_params = [{transform_indices = #map}, {transform_indices = #map}, {transform_indices = #map}, {transform_indices = #map}, {transform_indices = #map}, {transform_indices = #map1}]} {
    %mul3A = arith.constant 2 : i32
    %mul3A_0 = arith.muli %arg1, %mul3A : i32
    %add3A = arith.addi %mul3A_0, %arg0 : i32
    %mul3A_1 = arith.constant 3136 : i32
    %mul3A_2 = arith.muli %add3A, %mul3A_1 : i32
    "tpu.region"() ({
      %run_scoped3A = tpu.sem_alloc : memref<!tpu.dma_semaphore, #tpu.memory_space<semaphore_mem>>
      %dma_start3A = tpu.memref_slice %arg2[%mul3A_2] : memref<100352xf32, #tpu.memory_space<hbm>> -> memref<3136xf32, #tpu.memory_space<hbm>>
      %dma_start3A_23 = tpu.memref_slice %arg2[%mul3A_2] : memref<100352xf32, #tpu.memory_space<hbm>> -> memref<3136xf32, #tpu.memory_space<hbm>>
      tpu.enqueue_dma source(%dma_start3A_23 : memref<3136xf32, #tpu.memory_space<hbm>>) target(%arg8 : memref<3136xf32, #tpu.memory_space<vmem>>) target_semaphore(%run_scoped3A : memref<!tpu.dma_semaphore, #tpu.memory_space<semaphore_mem>>)
      %dma_wait3A = tpu.memref_slice %arg2[%mul3A_2] : memref<100352xf32, #tpu.memory_space<hbm>> -> memref<3136xf32, #tpu.memory_space<hbm>>
      %dma_wait3A_24 = tpu.memref_slice %arg2[%mul3A_2] : memref<100352xf32, #tpu.memory_space<hbm>> -> memref<3136xf32, #tpu.memory_space<hbm>>
      tpu.wait_dma2 semaphore(%run_scoped3A : memref<!tpu.dma_semaphore, #tpu.memory_space<semaphore_mem>>) src(%dma_wait3A_24 : memref<3136xf32, #tpu.memory_space<hbm>>) dst(%arg8 : memref<3136xf32, #tpu.memory_space<vmem>>)
      tpu.yield
    }) : () -> ()
    "tpu.region"() ({
      %run_scoped3A = tpu.sem_alloc : memref<!tpu.dma_semaphore, #tpu.memory_space<semaphore_mem>>
      %dma_start3A = tpu.memref_slice %arg3[%mul3A_2] : memref<100352xi32, #tpu.memory_space<hbm>> -> memref<3136xi32, #tpu.memory_space<hbm>>
      %dma_start3A_23 = tpu.memref_slice %arg3[%mul3A_2] : memref<100352xi32, #tpu.memory_space<hbm>> -> memref<3136xi32, #tpu.memory_space<hbm>>
      tpu.enqueue_dma source(%dma_start3A_23 : memref<3136xi32, #tpu.memory_space<hbm>>) target(%arg9 : memref<3136xi32, #tpu.memory_space<vmem>>) target_semaphore(%run_scoped3A : memref<!tpu.dma_semaphore, #tpu.memory_space<semaphore_mem>>)
      %dma_wait3A = tpu.memref_slice %arg3[%mul3A_2] : memref<100352xi32, #tpu.memory_space<hbm>> -> memref<3136xi32, #tpu.memory_space<hbm>>
      %dma_wait3A_24 = tpu.memref_slice %arg3[%mul3A_2] : memref<100352xi32, #tpu.memory_space<hbm>> -> memref<3136xi32, #tpu.memory_space<hbm>>
      tpu.wait_dma2 semaphore(%run_scoped3A : memref<!tpu.dma_semaphore, #tpu.memory_space<semaphore_mem>>) src(%dma_wait3A_24 : memref<3136xi32, #tpu.memory_space<hbm>>) dst(%arg9 : memref<3136xi32, #tpu.memory_space<vmem>>)
      tpu.yield
    }) : () -> ()
    "tpu.region"() ({
      %run_scoped3A = tpu.sem_alloc : memref<!tpu.dma_semaphore, #tpu.memory_space<semaphore_mem>>
      %dma_start3A = tpu.memref_slice %arg5[%mul3A_2] : memref<100352xi32, #tpu.memory_space<hbm>> -> memref<3136xi32, #tpu.memory_space<hbm>>
      %dma_start3A_23 = tpu.memref_slice %arg5[%mul3A_2] : memref<100352xi32, #tpu.memory_space<hbm>> -> memref<3136xi32, #tpu.memory_space<hbm>>
      tpu.enqueue_dma source(%dma_start3A_23 : memref<3136xi32, #tpu.memory_space<hbm>>) target(%arg10 : memref<3136xi32, #tpu.memory_space<vmem>>) target_semaphore(%run_scoped3A : memref<!tpu.dma_semaphore, #tpu.memory_space<semaphore_mem>>)
      %dma_wait3A = tpu.memref_slice %arg5[%mul3A_2] : memref<100352xi32, #tpu.memory_space<hbm>> -> memref<3136xi32, #tpu.memory_space<hbm>>
      %dma_wait3A_24 = tpu.memref_slice %arg5[%mul3A_2] : memref<100352xi32, #tpu.memory_space<hbm>> -> memref<3136xi32, #tpu.memory_space<hbm>>
      tpu.wait_dma2 semaphore(%run_scoped3A : memref<!tpu.dma_semaphore, #tpu.memory_space<semaphore_mem>>) src(%dma_wait3A_24 : memref<3136xi32, #tpu.memory_space<hbm>>) dst(%arg10 : memref<3136xi32, #tpu.memory_space<vmem>>)
      tpu.yield
    }) : () -> ()
    "tpu.region"() ({
      %run_scoped3A = tpu.sem_alloc : memref<!tpu.dma_semaphore, #tpu.memory_space<semaphore_mem>>
      tpu.enqueue_dma source(%arg4 : memref<25088xf32, #tpu.memory_space<hbm>>) target(%arg11 : memref<25088xf32, #tpu.memory_space<vmem>>) target_semaphore(%run_scoped3A : memref<!tpu.dma_semaphore, #tpu.memory_space<semaphore_mem>>)
      tpu.wait_dma2 semaphore(%run_scoped3A : memref<!tpu.dma_semaphore, #tpu.memory_space<semaphore_mem>>) src(%arg4 : memref<25088xf32, #tpu.memory_space<hbm>>) dst(%arg11 : memref<25088xf32, #tpu.memory_space<vmem>>)
      tpu.yield
    }) : () -> ()
    %broadcast_in_dim3A = arith.constant 0.000000e+00 : f32
    %broadcast_in_dim3A_3 = vector.broadcast %broadcast_in_dim3A : f32 to vector<16xf32>
    %swap3A = arith.constant 0 : index
    %swap3A_4 = tpu.vector_load %arg13[%swap3A] {strides = array<i32>} : memref<64xf32, #tpu.memory_space<vmem>>, vector<16xf32>,
    tpu.vector_store %arg13[%swap3A], %broadcast_in_dim3A_3 {strides = array<i32>} : memref<64xf32, #tpu.memory_space<vmem>>, vector<16xf32>,
    %broadcast_in_dim3A_5 = arith.constant 0.000000e+00 : f32
    %broadcast_in_dim3A_6 = vector.broadcast %broadcast_in_dim3A_5 : f32 to vector<16xf32>
    %swap3A_7 = arith.constant 16 : index
    %swap3A_8 = tpu.vector_load %arg13[%swap3A_7] {strides = array<i32>} : memref<64xf32, #tpu.memory_space<vmem>>, vector<16xf32>,
    tpu.vector_store %arg13[%swap3A_7], %broadcast_in_dim3A_6 {strides = array<i32>} : memref<64xf32, #tpu.memory_space<vmem>>, vector<16xf32>,
    %broadcast_in_dim3A_9 = arith.constant 0.000000e+00 : f32
    %broadcast_in_dim3A_10 = vector.broadcast %broadcast_in_dim3A_9 : f32 to vector<16xf32>
    %swap3A_11 = arith.constant 32 : index
    %swap3A_12 = tpu.vector_load %arg13[%swap3A_11] {strides = array<i32>} : memref<64xf32, #tpu.memory_space<vmem>>, vector<16xf32>,
    tpu.vector_store %arg13[%swap3A_11], %broadcast_in_dim3A_10 {strides = array<i32>} : memref<64xf32, #tpu.memory_space<vmem>>, vector<16xf32>,
    %broadcast_in_dim3A_13 = arith.constant 0.000000e+00 : f32
    %broadcast_in_dim3A_14 = vector.broadcast %broadcast_in_dim3A_13 : f32 to vector<16xf32>
    %swap3A_15 = arith.constant 48 : index
    %swap3A_16 = tpu.vector_load %arg13[%swap3A_15] {strides = array<i32>} : memref<64xf32, #tpu.memory_space<vmem>>, vector<16xf32>,
    tpu.vector_store %arg13[%swap3A_15], %broadcast_in_dim3A_14 {strides = array<i32>} : memref<64xf32, #tpu.memory_space<vmem>>, vector<16xf32>,
    %scan3A = arith.constant 0 : i32
    %scan3A_17 = arith.constant 0 : i32
    %scan3A_18 = arith.constant 49 : i32
    %scan3A_19 = arith.addi %scan3A_17, %scan3A_18 : i32
    %scan3A_20 = arith.constant 1 : i32
    %scan3A_21 = scf.for %scan3A_23 = %scan3A_17 to %scan3A_19 step %scan3A_20 iter_args(%scan3A_24 = %scan3A) -> (i32)  : i32 {
      %mul3A_25 = arith.constant 4 : i32
      %mul3A_26 = arith.muli %scan3A_23, %mul3A_25 : i32
      %add3A_27 = arith.constant 0 : i32
      %add3A_28 = arith.addi %mul3A_26, %add3A_27 : i32
      %mul3A_29 = arith.constant 16 : i32
      %mul3A_30 = arith.muli %add3A_28, %mul3A_29 : i32
      %get3A = arith.index_cast %mul3A_30 : i32 to index
      %get3A_31 = tpu.vector_load %arg9[%get3A] {strides = array<i32>} : memref<3136xi32, #tpu.memory_space<vmem>>, vector<16xi32>,
      %gather3A = tpu.vector_load_idx %arg11[%get3A_31] : memref<25088xf32, #tpu.memory_space<vmem>>[vector<16xi32>], vector<16xf32>,
      %get3A_32 = arith.index_cast %mul3A_30 : i32 to index
      %get3A_33 = tpu.vector_load %arg8[%get3A_32] {strides = array<i32>} : memref<3136xf32, #tpu.memory_space<vmem>>, vector<16xf32>,
      %max3A = arith.constant 1.000000e-30 : f32
      %max3A_34 = vector.broadcast %max3A : f32 to vector<16xf32>
      %max3A_35 = arith.maximumf %gather3A, %max3A_34 : vector<16xf32>
      %div3A = arith.divf %get3A_33, %max3A_35 : vector<16xf32>
      %swap3A_36 = arith.index_cast %mul3A_30 : i32 to index
      %swap3A_37 = tpu.vector_load %arg12[%swap3A_36] {strides = array<i32>} : memref<3136xf32, #tpu.memory_space<vmem>>, vector<16xf32>,
      tpu.vector_store %arg12[%swap3A_36], %div3A {strides = array<i32>} : memref<3136xf32, #tpu.memory_space<vmem>>, vector<16xf32>,
      %get3A_38 = arith.index_cast %mul3A_30 : i32 to index
      %get3A_39 = tpu.vector_load %arg10[%get3A_38] {strides = array<i32>} : memref<3136xi32, #tpu.memory_space<vmem>>, vector<16xi32>,
      tpu.vector_store_idx %arg13[%get3A_39], %div3A {add = true} : memref<64xf32, #tpu.memory_space<vmem>>[vector<16xi32>], vector<16xf32>,
      %mul3A_40 = arith.constant 4 : i32
      %mul3A_41 = arith.muli %scan3A_23, %mul3A_40 : i32
      %add3A_42 = arith.constant 1 : i32
      %add3A_43 = arith.addi %mul3A_41, %add3A_42 : i32
      %mul3A_44 = arith.constant 16 : i32
      %mul3A_45 = arith.muli %add3A_43, %mul3A_44 : i32
      %get3A_46 = arith.index_cast %mul3A_45 : i32 to index
      %get3A_47 = tpu.vector_load %arg9[%get3A_46] {strides = array<i32>} : memref<3136xi32, #tpu.memory_space<vmem>>, vector<16xi32>,
      %gather3A_48 = tpu.vector_load_idx %arg11[%get3A_47] : memref<25088xf32, #tpu.memory_space<vmem>>[vector<16xi32>], vector<16xf32>,
      %get3A_49 = arith.index_cast %mul3A_45 : i32 to index
      %get3A_50 = tpu.vector_load %arg8[%get3A_49] {strides = array<i32>} : memref<3136xf32, #tpu.memory_space<vmem>>, vector<16xf32>,
      %max3A_51 = arith.constant 1.000000e-30 : f32
      %max3A_52 = vector.broadcast %max3A_51 : f32 to vector<16xf32>
      %max3A_53 = arith.maximumf %gather3A_48, %max3A_52 : vector<16xf32>
      %div3A_54 = arith.divf %get3A_50, %max3A_53 : vector<16xf32>
      %swap3A_55 = arith.index_cast %mul3A_45 : i32 to index
      %swap3A_56 = tpu.vector_load %arg12[%swap3A_55] {strides = array<i32>} : memref<3136xf32, #tpu.memory_space<vmem>>, vector<16xf32>,
      tpu.vector_store %arg12[%swap3A_55], %div3A_54 {strides = array<i32>} : memref<3136xf32, #tpu.memory_space<vmem>>, vector<16xf32>,
      %get3A_57 = arith.index_cast %mul3A_45 : i32 to index
      %get3A_58 = tpu.vector_load %arg10[%get3A_57] {strides = array<i32>} : memref<3136xi32, #tpu.memory_space<vmem>>, vector<16xi32>,
      tpu.vector_store_idx %arg13[%get3A_58], %div3A_54 {add = true} : memref<64xf32, #tpu.memory_space<vmem>>[vector<16xi32>], vector<16xf32>,
      %mul3A_59 = arith.constant 4 : i32
      %mul3A_60 = arith.muli %scan3A_23, %mul3A_59 : i32
      %add3A_61 = arith.constant 2 : i32
      %add3A_62 = arith.addi %mul3A_60, %add3A_61 : i32
      %mul3A_63 = arith.constant 16 : i32
      %mul3A_64 = arith.muli %add3A_62, %mul3A_63 : i32
      %get3A_65 = arith.index_cast %mul3A_64 : i32 to index
      %get3A_66 = tpu.vector_load %arg9[%get3A_65] {strides = array<i32>} : memref<3136xi32, #tpu.memory_space<vmem>>, vector<16xi32>,
      %gather3A_67 = tpu.vector_load_idx %arg11[%get3A_66] : memref<25088xf32, #tpu.memory_space<vmem>>[vector<16xi32>], vector<16xf32>,
      %get3A_68 = arith.index_cast %mul3A_64 : i32 to index
      %get3A_69 = tpu.vector_load %arg8[%get3A_68] {strides = array<i32>} : memref<3136xf32, #tpu.memory_space<vmem>>, vector<16xf32>,
      %max3A_70 = arith.constant 1.000000e-30 : f32
      %max3A_71 = vector.broadcast %max3A_70 : f32 to vector<16xf32>
      %max3A_72 = arith.maximumf %gather3A_67, %max3A_71 : vector<16xf32>
      %div3A_73 = arith.divf %get3A_69, %max3A_72 : vector<16xf32>
      %swap3A_74 = arith.index_cast %mul3A_64 : i32 to index
      %swap3A_75 = tpu.vector_load %arg12[%swap3A_74] {strides = array<i32>} : memref<3136xf32, #tpu.memory_space<vmem>>, vector<16xf32>,
      tpu.vector_store %arg12[%swap3A_74], %div3A_73 {strides = array<i32>} : memref<3136xf32, #tpu.memory_space<vmem>>, vector<16xf32>,
      %get3A_76 = arith.index_cast %mul3A_64 : i32 to index
      %get3A_77 = tpu.vector_load %arg10[%get3A_76] {strides = array<i32>} : memref<3136xi32, #tpu.memory_space<vmem>>, vector<16xi32>,
      tpu.vector_store_idx %arg13[%get3A_77], %div3A_73 {add = true} : memref<64xf32, #tpu.memory_space<vmem>>[vector<16xi32>], vector<16xf32>,
      %mul3A_78 = arith.constant 4 : i32
      %mul3A_79 = arith.muli %scan3A_23, %mul3A_78 : i32
      %add3A_80 = arith.constant 3 : i32
      %add3A_81 = arith.addi %mul3A_79, %add3A_80 : i32
      %mul3A_82 = arith.constant 16 : i32
      %mul3A_83 = arith.muli %add3A_81, %mul3A_82 : i32
      %get3A_84 = arith.index_cast %mul3A_83 : i32 to index
      %get3A_85 = tpu.vector_load %arg9[%get3A_84] {strides = array<i32>} : memref<3136xi32, #tpu.memory_space<vmem>>, vector<16xi32>,
      %gather3A_86 = tpu.vector_load_idx %arg11[%get3A_85] : memref<25088xf32, #tpu.memory_space<vmem>>[vector<16xi32>], vector<16xf32>,
      %get3A_87 = arith.index_cast %mul3A_83 : i32 to index
      %get3A_88 = tpu.vector_load %arg8[%get3A_87] {strides = array<i32>} : memref<3136xf32, #tpu.memory_space<vmem>>, vector<16xf32>,
      %max3A_89 = arith.constant 1.000000e-30 : f32
      %max3A_90 = vector.broadcast %max3A_89 : f32 to vector<16xf32>
      %max3A_91 = arith.maximumf %gather3A_86, %max3A_90 : vector<16xf32>
      %div3A_92 = arith.divf %get3A_88, %max3A_91 : vector<16xf32>
      %swap3A_93 = arith.index_cast %mul3A_83 : i32 to index
      %swap3A_94 = tpu.vector_load %arg12[%swap3A_93] {strides = array<i32>} : memref<3136xf32, #tpu.memory_space<vmem>>, vector<16xf32>,
      tpu.vector_store %arg12[%swap3A_93], %div3A_92 {strides = array<i32>} : memref<3136xf32, #tpu.memory_space<vmem>>, vector<16xf32>,
      %get3A_95 = arith.index_cast %mul3A_83 : i32 to index
      %get3A_96 = tpu.vector_load %arg10[%get3A_95] {strides = array<i32>} : memref<3136xi32, #tpu.memory_space<vmem>>, vector<16xi32>,
      tpu.vector_store_idx %arg13[%get3A_96], %div3A_92 {add = true} : memref<64xf32, #tpu.memory_space<vmem>>[vector<16xi32>], vector<16xf32>,
      %scan3A_97 = arith.constant 0 : i32
      scf.yield %scan3A_97 : i32
    }
    %scan3A_22 = arith.constant 49 : i32
    "tpu.region"() ({
      %run_scoped3A = tpu.sem_alloc : memref<!tpu.dma_semaphore, #tpu.memory_space<semaphore_mem>>
      %dma_start3A = tpu.memref_slice %arg6[%mul3A_2] : memref<100352xf32, #tpu.memory_space<hbm>> -> memref<3136xf32, #tpu.memory_space<hbm>>
      %dma_start3A_23 = tpu.memref_slice %arg6[%mul3A_2] : memref<100352xf32, #tpu.memory_space<hbm>> -> memref<3136xf32, #tpu.memory_space<hbm>>
      tpu.enqueue_dma source(%arg12 : memref<3136xf32, #tpu.memory_space<vmem>>) target(%dma_start3A_23 : memref<3136xf32, #tpu.memory_space<hbm>>) target_semaphore(%run_scoped3A : memref<!tpu.dma_semaphore, #tpu.memory_space<semaphore_mem>>)
      %dma_wait3A = tpu.memref_slice %arg6[%mul3A_2] : memref<100352xf32, #tpu.memory_space<hbm>> -> memref<3136xf32, #tpu.memory_space<hbm>>
      %dma_wait3A_24 = tpu.memref_slice %arg6[%mul3A_2] : memref<100352xf32, #tpu.memory_space<hbm>> -> memref<3136xf32, #tpu.memory_space<hbm>>
      tpu.wait_dma2 semaphore(%run_scoped3A : memref<!tpu.dma_semaphore, #tpu.memory_space<semaphore_mem>>) src(%arg12 : memref<3136xf32, #tpu.memory_space<vmem>>) dst(%dma_wait3A_24 : memref<3136xf32, #tpu.memory_space<hbm>>)
      tpu.yield
    }) : () -> ()
    "tpu.region"() ({
      %run_scoped3A = tpu.sem_alloc : memref<!tpu.dma_semaphore, #tpu.memory_space<semaphore_mem>>
      %dma_start3A = arith.constant 0 : i32
      %dma_start3A_23 = tpu.memref_slice %arg7[%add3A, %dma_start3A] : memref<32x64xf32, #tpu.memory_space<hbm>> -> memref<1x64xf32, #tpu.memory_space<hbm>>
      %dma_start3A_24 = tpu.memref_squeeze %dma_start3A_23 : memref<1x64xf32, #tpu.memory_space<hbm>> -> memref<64xf32, #tpu.memory_space<hbm>>
      %dma_start3A_25 = arith.constant 0 : i32
      %dma_start3A_26 = tpu.memref_slice %arg7[%add3A, %dma_start3A_25] : memref<32x64xf32, #tpu.memory_space<hbm>> -> memref<1x64xf32, #tpu.memory_space<hbm>>
      %dma_start3A_27 = tpu.memref_squeeze %dma_start3A_26 : memref<1x64xf32, #tpu.memory_space<hbm>> -> memref<64xf32, #tpu.memory_space<hbm>>
      tpu.enqueue_dma source(%arg13 : memref<64xf32, #tpu.memory_space<vmem>>) target(%dma_start3A_27 : memref<64xf32, #tpu.memory_space<hbm>>) target_semaphore(%run_scoped3A : memref<!tpu.dma_semaphore, #tpu.memory_space<semaphore_mem>>)
      %dma_wait3A = arith.constant 0 : i32
      %dma_wait3A_28 = tpu.memref_slice %arg7[%add3A, %dma_wait3A] : memref<32x64xf32, #tpu.memory_space<hbm>> -> memref<1x64xf32, #tpu.memory_space<hbm>>
      %dma_wait3A_29 = tpu.memref_squeeze %dma_wait3A_28 : memref<1x64xf32, #tpu.memory_space<hbm>> -> memref<64xf32, #tpu.memory_space<hbm>>
      %dma_wait3A_30 = arith.constant 0 : i32
      %dma_wait3A_31 = tpu.memref_slice %arg7[%add3A, %dma_wait3A_30] : memref<32x64xf32, #tpu.memory_space<hbm>> -> memref<1x64xf32, #tpu.memory_space<hbm>>
      %dma_wait3A_32 = tpu.memref_squeeze %dma_wait3A_31 : memref<1x64xf32, #tpu.memory_space<hbm>> -> memref<64xf32, #tpu.memory_space<hbm>>
      tpu.wait_dma2 semaphore(%run_scoped3A : memref<!tpu.dma_semaphore, #tpu.memory_space<semaphore_mem>>) src(%arg13 : memref<64xf32, #tpu.memory_space<vmem>>) dst(%dma_wait3A_32 : memref<64xf32, #tpu.memory_space<hbm>>)
      tpu.yield
    }) : () -> ()
    return
  }
}

#map = affine_map<(d0, d1) -> (0)>
#map1 = affine_map<(d0, d1) -> (0, 0)>
module attributes {stable_mosaic.version = 14 : i64} {
  func.func @_aggregate_body(%arg0: i32, %arg1: i32, %arg2: memref<100352xf32, #tpu.memory_space<hbm>>, %arg3: memref<100352xi32, #tpu.memory_space<hbm>>, %arg4: memref<100352xi32, #tpu.memory_space<hbm>>, %arg5: memref<2048xf32, #tpu.memory_space<hbm>>, %arg6: memref<32x25088xf32, #tpu.memory_space<hbm>>, %arg7: memref<3136xf32, #tpu.memory_space<vmem>>, %arg8: memref<3136xi32, #tpu.memory_space<vmem>>, %arg9: memref<3136xi32, #tpu.memory_space<vmem>>, %arg10: memref<2048xf32, #tpu.memory_space<vmem>>, %arg11: memref<64xf32, #tpu.memory_space<vmem>>, %arg12: memref<25088xf32, #tpu.memory_space<vmem>>) attributes {dimension_semantics = [#tpu.dimension_semantics<core_parallel>, #tpu.dimension_semantics<subcore_parallel>], iteration_bounds = array<i64: 2, 16>, scalar_prefetch = 0 : i64, scratch_operands = 6 : i64, tpu.core_type = #tpu.core_type<sc_vector_subcore>, window_params = [{transform_indices = #map}, {transform_indices = #map}, {transform_indices = #map}, {transform_indices = #map}, {transform_indices = #map1}]} {
    %mul3A = arith.constant 2 : i32
    %mul3A_0 = arith.muli %arg1, %mul3A : i32
    %add3A = arith.addi %mul3A_0, %arg0 : i32
    %mul3A_1 = arith.constant 3136 : i32
    %mul3A_2 = arith.muli %add3A, %mul3A_1 : i32
    "tpu.region"() ({
      %run_scoped3A = tpu.sem_alloc : memref<!tpu.dma_semaphore, #tpu.memory_space<semaphore_mem>>
      %dma_start3A = tpu.memref_slice %arg2[%mul3A_2] : memref<100352xf32, #tpu.memory_space<hbm>> -> memref<3136xf32, #tpu.memory_space<hbm>>
      %dma_start3A_74 = tpu.memref_slice %arg2[%mul3A_2] : memref<100352xf32, #tpu.memory_space<hbm>> -> memref<3136xf32, #tpu.memory_space<hbm>>
      tpu.enqueue_dma source(%dma_start3A_74 : memref<3136xf32, #tpu.memory_space<hbm>>) target(%arg7 : memref<3136xf32, #tpu.memory_space<vmem>>) target_semaphore(%run_scoped3A : memref<!tpu.dma_semaphore, #tpu.memory_space<semaphore_mem>>)
      %dma_wait3A = tpu.memref_slice %arg2[%mul3A_2] : memref<100352xf32, #tpu.memory_space<hbm>> -> memref<3136xf32, #tpu.memory_space<hbm>>
      %dma_wait3A_75 = tpu.memref_slice %arg2[%mul3A_2] : memref<100352xf32, #tpu.memory_space<hbm>> -> memref<3136xf32, #tpu.memory_space<hbm>>
      tpu.wait_dma2 semaphore(%run_scoped3A : memref<!tpu.dma_semaphore, #tpu.memory_space<semaphore_mem>>) src(%dma_wait3A_75 : memref<3136xf32, #tpu.memory_space<hbm>>) dst(%arg7 : memref<3136xf32, #tpu.memory_space<vmem>>)
      tpu.yield
    }) : () -> ()
    "tpu.region"() ({
      %run_scoped3A = tpu.sem_alloc : memref<!tpu.dma_semaphore, #tpu.memory_space<semaphore_mem>>
      %dma_start3A = tpu.memref_slice %arg3[%mul3A_2] : memref<100352xi32, #tpu.memory_space<hbm>> -> memref<3136xi32, #tpu.memory_space<hbm>>
      %dma_start3A_74 = tpu.memref_slice %arg3[%mul3A_2] : memref<100352xi32, #tpu.memory_space<hbm>> -> memref<3136xi32, #tpu.memory_space<hbm>>
      tpu.enqueue_dma source(%dma_start3A_74 : memref<3136xi32, #tpu.memory_space<hbm>>) target(%arg8 : memref<3136xi32, #tpu.memory_space<vmem>>) target_semaphore(%run_scoped3A : memref<!tpu.dma_semaphore, #tpu.memory_space<semaphore_mem>>)
      %dma_wait3A = tpu.memref_slice %arg3[%mul3A_2] : memref<100352xi32, #tpu.memory_space<hbm>> -> memref<3136xi32, #tpu.memory_space<hbm>>
      %dma_wait3A_75 = tpu.memref_slice %arg3[%mul3A_2] : memref<100352xi32, #tpu.memory_space<hbm>> -> memref<3136xi32, #tpu.memory_space<hbm>>
      tpu.wait_dma2 semaphore(%run_scoped3A : memref<!tpu.dma_semaphore, #tpu.memory_space<semaphore_mem>>) src(%dma_wait3A_75 : memref<3136xi32, #tpu.memory_space<hbm>>) dst(%arg8 : memref<3136xi32, #tpu.memory_space<vmem>>)
      tpu.yield
    }) : () -> ()
    "tpu.region"() ({
      %run_scoped3A = tpu.sem_alloc : memref<!tpu.dma_semaphore, #tpu.memory_space<semaphore_mem>>
      %dma_start3A = tpu.memref_slice %arg4[%mul3A_2] : memref<100352xi32, #tpu.memory_space<hbm>> -> memref<3136xi32, #tpu.memory_space<hbm>>
      %dma_start3A_74 = tpu.memref_slice %arg4[%mul3A_2] : memref<100352xi32, #tpu.memory_space<hbm>> -> memref<3136xi32, #tpu.memory_space<hbm>>
      tpu.enqueue_dma source(%dma_start3A_74 : memref<3136xi32, #tpu.memory_space<hbm>>) target(%arg9 : memref<3136xi32, #tpu.memory_space<vmem>>) target_semaphore(%run_scoped3A : memref<!tpu.dma_semaphore, #tpu.memory_space<semaphore_mem>>)
      %dma_wait3A = tpu.memref_slice %arg4[%mul3A_2] : memref<100352xi32, #tpu.memory_space<hbm>> -> memref<3136xi32, #tpu.memory_space<hbm>>
      %dma_wait3A_75 = tpu.memref_slice %arg4[%mul3A_2] : memref<100352xi32, #tpu.memory_space<hbm>> -> memref<3136xi32, #tpu.memory_space<hbm>>
      tpu.wait_dma2 semaphore(%run_scoped3A : memref<!tpu.dma_semaphore, #tpu.memory_space<semaphore_mem>>) src(%dma_wait3A_75 : memref<3136xi32, #tpu.memory_space<hbm>>) dst(%arg9 : memref<3136xi32, #tpu.memory_space<vmem>>)
      tpu.yield
    }) : () -> ()
    "tpu.region"() ({
      %run_scoped3A = tpu.sem_alloc : memref<!tpu.dma_semaphore, #tpu.memory_space<semaphore_mem>>
      tpu.enqueue_dma source(%arg5 : memref<2048xf32, #tpu.memory_space<hbm>>) target(%arg10 : memref<2048xf32, #tpu.memory_space<vmem>>) target_semaphore(%run_scoped3A : memref<!tpu.dma_semaphore, #tpu.memory_space<semaphore_mem>>)
      tpu.wait_dma2 semaphore(%run_scoped3A : memref<!tpu.dma_semaphore, #tpu.memory_space<semaphore_mem>>) src(%arg5 : memref<2048xf32, #tpu.memory_space<hbm>>) dst(%arg10 : memref<2048xf32, #tpu.memory_space<vmem>>)
      tpu.yield
    }) : () -> ()
    %broadcast_in_dim3A = arith.constant 0.000000e+00 : f32
    %broadcast_in_dim3A_3 = vector.broadcast %broadcast_in_dim3A : f32 to vector<16xf32>
    %swap3A = arith.constant 0 : index
    %swap3A_4 = tpu.vector_load %arg11[%swap3A] {strides = array<i32>} : memref<64xf32, #tpu.memory_space<vmem>>, vector<16xf32>,
    tpu.vector_store %arg11[%swap3A], %broadcast_in_dim3A_3 {strides = array<i32>} : memref<64xf32, #tpu.memory_space<vmem>>, vector<16xf32>,
    %broadcast_in_dim3A_5 = arith.constant 0.000000e+00 : f32
    %broadcast_in_dim3A_6 = vector.broadcast %broadcast_in_dim3A_5 : f32 to vector<16xf32>
    %swap3A_7 = arith.constant 16 : index
    %swap3A_8 = tpu.vector_load %arg11[%swap3A_7] {strides = array<i32>} : memref<64xf32, #tpu.memory_space<vmem>>, vector<16xf32>,
    tpu.vector_store %arg11[%swap3A_7], %broadcast_in_dim3A_6 {strides = array<i32>} : memref<64xf32, #tpu.memory_space<vmem>>, vector<16xf32>,
    %broadcast_in_dim3A_9 = arith.constant 0.000000e+00 : f32
    %broadcast_in_dim3A_10 = vector.broadcast %broadcast_in_dim3A_9 : f32 to vector<16xf32>
    %swap3A_11 = arith.constant 32 : index
    %swap3A_12 = tpu.vector_load %arg11[%swap3A_11] {strides = array<i32>} : memref<64xf32, #tpu.memory_space<vmem>>, vector<16xf32>,
    tpu.vector_store %arg11[%swap3A_11], %broadcast_in_dim3A_10 {strides = array<i32>} : memref<64xf32, #tpu.memory_space<vmem>>, vector<16xf32>,
    %broadcast_in_dim3A_13 = arith.constant 0.000000e+00 : f32
    %broadcast_in_dim3A_14 = vector.broadcast %broadcast_in_dim3A_13 : f32 to vector<16xf32>
    %swap3A_15 = arith.constant 48 : index
    %swap3A_16 = tpu.vector_load %arg11[%swap3A_15] {strides = array<i32>} : memref<64xf32, #tpu.memory_space<vmem>>, vector<16xf32>,
    tpu.vector_store %arg11[%swap3A_15], %broadcast_in_dim3A_14 {strides = array<i32>} : memref<64xf32, #tpu.memory_space<vmem>>, vector<16xf32>,
    %scan3A = arith.constant 0 : i32
    %scan3A_17 = arith.constant 0 : i32
    %scan3A_18 = arith.constant 32 : i32
    %scan3A_19 = arith.addi %scan3A_17, %scan3A_18 : i32
    %scan3A_20 = arith.constant 1 : i32
    %scan3A_21 = scf.for %scan3A_74 = %scan3A_17 to %scan3A_19 step %scan3A_20 iter_args(%scan3A_75 = %scan3A) -> (i32)  : i32 {
      %get3A_76 = arith.constant 0 : index
      %get3A_77 = tpu.vector_load %arg11[%get3A_76] {strides = array<i32>} : memref<64xf32, #tpu.memory_space<vmem>>, vector<16xf32>,
      %mul3A_78 = arith.constant 64 : i32
      %mul3A_79 = arith.muli %scan3A_74, %mul3A_78 : i32
      %add3A_80 = arith.constant 0 : i32
      %add3A_81 = arith.addi %mul3A_79, %add3A_80 : i32
      %get3A_82 = arith.index_cast %add3A_81 : i32 to index
      %get3A_83 = tpu.vector_load %arg10[%get3A_82] {strides = array<i32>} : memref<2048xf32, #tpu.memory_space<vmem>>, vector<16xf32>,
      %add3A_84 = arith.addf %get3A_77, %get3A_83 : vector<16xf32>
      %swap3A_85 = arith.constant 0 : index
      %swap3A_86 = tpu.vector_load %arg11[%swap3A_85] {strides = array<i32>} : memref<64xf32, #tpu.memory_space<vmem>>, vector<16xf32>,
      tpu.vector_store %arg11[%swap3A_85], %add3A_84 {strides = array<i32>} : memref<64xf32, #tpu.memory_space<vmem>>, vector<16xf32>,
      %get3A_87 = arith.constant 16 : index
      %get3A_88 = tpu.vector_load %arg11[%get3A_87] {strides = array<i32>} : memref<64xf32, #tpu.memory_space<vmem>>, vector<16xf32>,
      %mul3A_89 = arith.constant 64 : i32
      %mul3A_90 = arith.muli %scan3A_74, %mul3A_89 : i32
      %add3A_91 = arith.constant 16 : i32
      %add3A_92 = arith.addi %mul3A_90, %add3A_91 : i32
      %get3A_93 = arith.index_cast %add3A_92 : i32 to index
      %get3A_94 = tpu.vector_load %arg10[%get3A_93] {strides = array<i32>} : memref<2048xf32, #tpu.memory_space<vmem>>, vector<16xf32>,
      %add3A_95 = arith.addf %get3A_88, %get3A_94 : vector<16xf32>
      %swap3A_96 = arith.constant 16 : index
      %swap3A_97 = tpu.vector_load %arg11[%swap3A_96] {strides = array<i32>} : memref<64xf32, #tpu.memory_space<vmem>>, vector<16xf32>,
      tpu.vector_store %arg11[%swap3A_96], %add3A_95 {strides = array<i32>} : memref<64xf32, #tpu.memory_space<vmem>>, vector<16xf32>,
      %get3A_98 = arith.constant 32 : index
      %get3A_99 = tpu.vector_load %arg11[%get3A_98] {strides = array<i32>} : memref<64xf32, #tpu.memory_space<vmem>>, vector<16xf32>,
      %mul3A_100 = arith.constant 64 : i32
      %mul3A_101 = arith.muli %scan3A_74, %mul3A_100 : i32
      %add3A_102 = arith.constant 32 : i32
      %add3A_103 = arith.addi %mul3A_101, %add3A_102 : i32
      %get3A_104 = arith.index_cast %add3A_103 : i32 to index
      %get3A_105 = tpu.vector_load %arg10[%get3A_104] {strides = array<i32>} : memref<2048xf32, #tpu.memory_space<vmem>>, vector<16xf32>,
      %add3A_106 = arith.addf %get3A_99, %get3A_105 : vector<16xf32>
      %swap3A_107 = arith.constant 32 : index
      %swap3A_108 = tpu.vector_load %arg11[%swap3A_107] {strides = array<i32>} : memref<64xf32, #tpu.memory_space<vmem>>, vector<16xf32>,
      tpu.vector_store %arg11[%swap3A_107], %add3A_106 {strides = array<i32>} : memref<64xf32, #tpu.memory_space<vmem>>, vector<16xf32>,
      %get3A_109 = arith.constant 48 : index
      %get3A_110 = tpu.vector_load %arg11[%get3A_109] {strides = array<i32>} : memref<64xf32, #tpu.memory_space<vmem>>, vector<16xf32>,
      %mul3A_111 = arith.constant 64 : i32
      %mul3A_112 = arith.muli %scan3A_74, %mul3A_111 : i32
      %add3A_113 = arith.constant 48 : i32
      %add3A_114 = arith.addi %mul3A_112, %add3A_113 : i32
      %get3A_115 = arith.index_cast %add3A_114 : i32 to index
      %get3A_116 = tpu.vector_load %arg10[%get3A_115] {strides = array<i32>} : memref<2048xf32, #tpu.memory_space<vmem>>, vector<16xf32>,
      %add3A_117 = arith.addf %get3A_110, %get3A_116 : vector<16xf32>
      %swap3A_118 = arith.constant 48 : index
      %swap3A_119 = tpu.vector_load %arg11[%swap3A_118] {strides = array<i32>} : memref<64xf32, #tpu.memory_space<vmem>>, vector<16xf32>,
      tpu.vector_store %arg11[%swap3A_118], %add3A_117 {strides = array<i32>} : memref<64xf32, #tpu.memory_space<vmem>>, vector<16xf32>,
      %scan3A_120 = arith.constant 0 : i32
      scf.yield %scan3A_120 : i32
    }
    %scan3A_22 = arith.constant 32 : i32
    %get3A = arith.constant 0 : index
    %get3A_23 = tpu.vector_load %arg11[%get3A] {strides = array<i32>} : memref<64xf32, #tpu.memory_space<vmem>>, vector<16xf32>,
    %max3A = arith.constant 1.000000e-30 : f32
    %max3A_24 = vector.broadcast %max3A : f32 to vector<16xf32>
    %max3A_25 = arith.maximumf %get3A_23, %max3A_24 : vector<16xf32>
    %div3A = arith.constant 1.000000e+00 : f32
    %div3A_26 = vector.broadcast %div3A : f32 to vector<16xf32>
    %div3A_27 = arith.divf %div3A_26, %max3A_25 : vector<16xf32>
    %swap3A_28 = arith.constant 0 : index
    %swap3A_29 = tpu.vector_load %arg11[%swap3A_28] {strides = array<i32>} : memref<64xf32, #tpu.memory_space<vmem>>, vector<16xf32>,
    tpu.vector_store %arg11[%swap3A_28], %div3A_27 {strides = array<i32>} : memref<64xf32, #tpu.memory_space<vmem>>, vector<16xf32>,
    %get3A_30 = arith.constant 16 : index
    %get3A_31 = tpu.vector_load %arg11[%get3A_30] {strides = array<i32>} : memref<64xf32, #tpu.memory_space<vmem>>, vector<16xf32>,
    %max3A_32 = arith.constant 1.000000e-30 : f32
    %max3A_33 = vector.broadcast %max3A_32 : f32 to vector<16xf32>
    %max3A_34 = arith.maximumf %get3A_31, %max3A_33 : vector<16xf32>
    %div3A_35 = arith.constant 1.000000e+00 : f32
    %div3A_36 = vector.broadcast %div3A_35 : f32 to vector<16xf32>
    %div3A_37 = arith.divf %div3A_36, %max3A_34 : vector<16xf32>
    %swap3A_38 = arith.constant 16 : index
    %swap3A_39 = tpu.vector_load %arg11[%swap3A_38] {strides = array<i32>} : memref<64xf32, #tpu.memory_space<vmem>>, vector<16xf32>,
    tpu.vector_store %arg11[%swap3A_38], %div3A_37 {strides = array<i32>} : memref<64xf32, #tpu.memory_space<vmem>>, vector<16xf32>,
    %get3A_40 = arith.constant 32 : index
    %get3A_41 = tpu.vector_load %arg11[%get3A_40] {strides = array<i32>} : memref<64xf32, #tpu.memory_space<vmem>>, vector<16xf32>,
    %max3A_42 = arith.constant 1.000000e-30 : f32
    %max3A_43 = vector.broadcast %max3A_42 : f32 to vector<16xf32>
    %max3A_44 = arith.maximumf %get3A_41, %max3A_43 : vector<16xf32>
    %div3A_45 = arith.constant 1.000000e+00 : f32
    %div3A_46 = vector.broadcast %div3A_45 : f32 to vector<16xf32>
    %div3A_47 = arith.divf %div3A_46, %max3A_44 : vector<16xf32>
    %swap3A_48 = arith.constant 32 : index
    %swap3A_49 = tpu.vector_load %arg11[%swap3A_48] {strides = array<i32>} : memref<64xf32, #tpu.memory_space<vmem>>, vector<16xf32>,
    tpu.vector_store %arg11[%swap3A_48], %div3A_47 {strides = array<i32>} : memref<64xf32, #tpu.memory_space<vmem>>, vector<16xf32>,
    %get3A_50 = arith.constant 48 : index
    %get3A_51 = tpu.vector_load %arg11[%get3A_50] {strides = array<i32>} : memref<64xf32, #tpu.memory_space<vmem>>, vector<16xf32>,
    %max3A_52 = arith.constant 1.000000e-30 : f32
    %max3A_53 = vector.broadcast %max3A_52 : f32 to vector<16xf32>
    %max3A_54 = arith.maximumf %get3A_51, %max3A_53 : vector<16xf32>
    %div3A_55 = arith.constant 1.000000e+00 : f32
    %div3A_56 = vector.broadcast %div3A_55 : f32 to vector<16xf32>
    %div3A_57 = arith.divf %div3A_56, %max3A_54 : vector<16xf32>
    %swap3A_58 = arith.constant 48 : index
    %swap3A_59 = tpu.vector_load %arg11[%swap3A_58] {strides = array<i32>} : memref<64xf32, #tpu.memory_space<vmem>>, vector<16xf32>,
    tpu.vector_store %arg11[%swap3A_58], %div3A_57 {strides = array<i32>} : memref<64xf32, #tpu.memory_space<vmem>>, vector<16xf32>,
    %scan3A_60 = arith.constant 0 : i32
    %scan3A_61 = arith.constant 0 : i32
    %scan3A_62 = arith.constant 196 : i32
    %scan3A_63 = arith.addi %scan3A_61, %scan3A_62 : i32
    %scan3A_64 = arith.constant 1 : i32
    %scan3A_65 = scf.for %scan3A_74 = %scan3A_61 to %scan3A_63 step %scan3A_64 iter_args(%scan3A_75 = %scan3A_60) -> (i32)  : i32 {
      %broadcast_in_dim3A_76 = arith.constant 0.000000e+00 : f32
      %broadcast_in_dim3A_77 = vector.broadcast %broadcast_in_dim3A_76 : f32 to vector<16xf32>
      %mul3A_78 = arith.constant 8 : i32
      %mul3A_79 = arith.muli %scan3A_74, %mul3A_78 : i32
      %add3A_80 = arith.constant 0 : i32
      %add3A_81 = arith.addi %mul3A_79, %add3A_80 : i32
      %mul3A_82 = arith.constant 16 : i32
      %mul3A_83 = arith.muli %add3A_81, %mul3A_82 : i32
      %swap3A_84 = arith.index_cast %mul3A_83 : i32 to index
      %swap3A_85 = tpu.vector_load %arg12[%swap3A_84] {strides = array<i32>} : memref<25088xf32, #tpu.memory_space<vmem>>, vector<16xf32>,
      tpu.vector_store %arg12[%swap3A_84], %broadcast_in_dim3A_77 {strides = array<i32>} : memref<25088xf32, #tpu.memory_space<vmem>>, vector<16xf32>,
      %broadcast_in_dim3A_86 = arith.constant 0.000000e+00 : f32
      %broadcast_in_dim3A_87 = vector.broadcast %broadcast_in_dim3A_86 : f32 to vector<16xf32>
      %mul3A_88 = arith.constant 8 : i32
      %mul3A_89 = arith.muli %scan3A_74, %mul3A_88 : i32
      %add3A_90 = arith.constant 1 : i32
      %add3A_91 = arith.addi %mul3A_89, %add3A_90 : i32
      %mul3A_92 = arith.constant 16 : i32
      %mul3A_93 = arith.muli %add3A_91, %mul3A_92 : i32
      %swap3A_94 = arith.index_cast %mul3A_93 : i32 to index
      %swap3A_95 = tpu.vector_load %arg12[%swap3A_94] {strides = array<i32>} : memref<25088xf32, #tpu.memory_space<vmem>>, vector<16xf32>,
      tpu.vector_store %arg12[%swap3A_94], %broadcast_in_dim3A_87 {strides = array<i32>} : memref<25088xf32, #tpu.memory_space<vmem>>, vector<16xf32>,
      %broadcast_in_dim3A_96 = arith.constant 0.000000e+00 : f32
      %broadcast_in_dim3A_97 = vector.broadcast %broadcast_in_dim3A_96 : f32 to vector<16xf32>
      %mul3A_98 = arith.constant 8 : i32
      %mul3A_99 = arith.muli %scan3A_74, %mul3A_98 : i32
      %add3A_100 = arith.constant 2 : i32
      %add3A_101 = arith.addi %mul3A_99, %add3A_100 : i32
      %mul3A_102 = arith.constant 16 : i32
      %mul3A_103 = arith.muli %add3A_101, %mul3A_102 : i32
      %swap3A_104 = arith.index_cast %mul3A_103 : i32 to index
      %swap3A_105 = tpu.vector_load %arg12[%swap3A_104] {strides = array<i32>} : memref<25088xf32, #tpu.memory_space<vmem>>, vector<16xf32>,
      tpu.vector_store %arg12[%swap3A_104], %broadcast_in_dim3A_97 {strides = array<i32>} : memref<25088xf32, #tpu.memory_space<vmem>>, vector<16xf32>,
      %broadcast_in_dim3A_106 = arith.constant 0.000000e+00 : f32
      %broadcast_in_dim3A_107 = vector.broadcast %broadcast_in_dim3A_106 : f32 to vector<16xf32>
      %mul3A_108 = arith.constant 8 : i32
      %mul3A_109 = arith.muli %scan3A_74, %mul3A_108 : i32
      %add3A_110 = arith.constant 3 : i32
      %add3A_111 = arith.addi %mul3A_109, %add3A_110 : i32
      %mul3A_112 = arith.constant 16 : i32
      %mul3A_113 = arith.muli %add3A_111, %mul3A_112 : i32
      %swap3A_114 = arith.index_cast %mul3A_113 : i32 to index
      %swap3A_115 = tpu.vector_load %arg12[%swap3A_114] {strides = array<i32>} : memref<25088xf32, #tpu.memory_space<vmem>>, vector<16xf32>,
      tpu.vector_store %arg12[%swap3A_114], %broadcast_in_dim3A_107 {strides = array<i32>} : memref<25088xf32, #tpu.memory_space<vmem>>, vector<16xf32>,
      %broadcast_in_dim3A_116 = arith.constant 0.000000e+00 : f32
      %broadcast_in_dim3A_117 = vector.broadcast %broadcast_in_dim3A_116 : f32 to vector<16xf32>
      %mul3A_118 = arith.constant 8 : i32
      %mul3A_119 = arith.muli %scan3A_74, %mul3A_118 : i32
      %add3A_120 = arith.constant 4 : i32
      %add3A_121 = arith.addi %mul3A_119, %add3A_120 : i32
      %mul3A_122 = arith.constant 16 : i32
      %mul3A_123 = arith.muli %add3A_121, %mul3A_122 : i32
      %swap3A_124 = arith.index_cast %mul3A_123 : i32 to index
      %swap3A_125 = tpu.vector_load %arg12[%swap3A_124] {strides = array<i32>} : memref<25088xf32, #tpu.memory_space<vmem>>, vector<16xf32>,
      tpu.vector_store %arg12[%swap3A_124], %broadcast_in_dim3A_117 {strides = array<i32>} : memref<25088xf32, #tpu.memory_space<vmem>>, vector<16xf32>,
      %broadcast_in_dim3A_126 = arith.constant 0.000000e+00 : f32
      %broadcast_in_dim3A_127 = vector.broadcast %broadcast_in_dim3A_126 : f32 to vector<16xf32>
      %mul3A_128 = arith.constant 8 : i32
      %mul3A_129 = arith.muli %scan3A_74, %mul3A_128 : i32
      %add3A_130 = arith.constant 5 : i32
      %add3A_131 = arith.addi %mul3A_129, %add3A_130 : i32
      %mul3A_132 = arith.constant 16 : i32
      %mul3A_133 = arith.muli %add3A_131, %mul3A_132 : i32
      %swap3A_134 = arith.index_cast %mul3A_133 : i32 to index
      %swap3A_135 = tpu.vector_load %arg12[%swap3A_134] {strides = array<i32>} : memref<25088xf32, #tpu.memory_space<vmem>>, vector<16xf32>,
      tpu.vector_store %arg12[%swap3A_134], %broadcast_in_dim3A_127 {strides = array<i32>} : memref<25088xf32, #tpu.memory_space<vmem>>, vector<16xf32>,
      %broadcast_in_dim3A_136 = arith.constant 0.000000e+00 : f32
      %broadcast_in_dim3A_137 = vector.broadcast %broadcast_in_dim3A_136 : f32 to vector<16xf32>
      %mul3A_138 = arith.constant 8 : i32
      %mul3A_139 = arith.muli %scan3A_74, %mul3A_138 : i32
      %add3A_140 = arith.constant 6 : i32
      %add3A_141 = arith.addi %mul3A_139, %add3A_140 : i32
      %mul3A_142 = arith.constant 16 : i32
      %mul3A_143 = arith.muli %add3A_141, %mul3A_142 : i32
      %swap3A_144 = arith.index_cast %mul3A_143 : i32 to index
      %swap3A_145 = tpu.vector_load %arg12[%swap3A_144] {strides = array<i32>} : memref<25088xf32, #tpu.memory_space<vmem>>, vector<16xf32>,
      tpu.vector_store %arg12[%swap3A_144], %broadcast_in_dim3A_137 {strides = array<i32>} : memref<25088xf32, #tpu.memory_space<vmem>>, vector<16xf32>,
      %broadcast_in_dim3A_146 = arith.constant 0.000000e+00 : f32
      %broadcast_in_dim3A_147 = vector.broadcast %broadcast_in_dim3A_146 : f32 to vector<16xf32>
      %mul3A_148 = arith.constant 8 : i32
      %mul3A_149 = arith.muli %scan3A_74, %mul3A_148 : i32
      %add3A_150 = arith.constant 7 : i32
      %add3A_151 = arith.addi %mul3A_149, %add3A_150 : i32
      %mul3A_152 = arith.constant 16 : i32
      %mul3A_153 = arith.muli %add3A_151, %mul3A_152 : i32
      %swap3A_154 = arith.index_cast %mul3A_153 : i32 to index
      %swap3A_155 = tpu.vector_load %arg12[%swap3A_154] {strides = array<i32>} : memref<25088xf32, #tpu.memory_space<vmem>>, vector<16xf32>,
      tpu.vector_store %arg12[%swap3A_154], %broadcast_in_dim3A_147 {strides = array<i32>} : memref<25088xf32, #tpu.memory_space<vmem>>, vector<16xf32>,
      %scan3A_156 = arith.constant 0 : i32
      scf.yield %scan3A_156 : i32
    }
    %scan3A_66 = arith.constant 196 : i32
    %scan3A_67 = arith.constant 0 : i32
    %scan3A_68 = arith.constant 0 : i32
    %scan3A_69 = arith.constant 49 : i32
    %scan3A_70 = arith.addi %scan3A_68, %scan3A_69 : i32
    %scan3A_71 = arith.constant 1 : i32
    %scan3A_72 = scf.for %scan3A_74 = %scan3A_68 to %scan3A_70 step %scan3A_71 iter_args(%scan3A_75 = %scan3A_67) -> (i32)  : i32 {
      %mul3A_76 = arith.constant 4 : i32
      %mul3A_77 = arith.muli %scan3A_74, %mul3A_76 : i32
      %add3A_78 = arith.constant 0 : i32
      %add3A_79 = arith.addi %mul3A_77, %add3A_78 : i32
      %mul3A_80 = arith.constant 16 : i32
      %mul3A_81 = arith.muli %add3A_79, %mul3A_80 : i32
      %get3A_82 = arith.index_cast %mul3A_81 : i32 to index
      %get3A_83 = tpu.vector_load %arg8[%get3A_82] {strides = array<i32>} : memref<3136xi32, #tpu.memory_space<vmem>>, vector<16xi32>,
      %gather3A = tpu.vector_load_idx %arg11[%get3A_83] : memref<64xf32, #tpu.memory_space<vmem>>[vector<16xi32>], vector<16xf32>,
      %get3A_84 = arith.index_cast %mul3A_81 : i32 to index
      %get3A_85 = tpu.vector_load %arg9[%get3A_84] {strides = array<i32>} : memref<3136xi32, #tpu.memory_space<vmem>>, vector<16xi32>,
      %get3A_86 = arith.index_cast %mul3A_81 : i32 to index
      %get3A_87 = tpu.vector_load %arg7[%get3A_86] {strides = array<i32>} : memref<3136xf32, #tpu.memory_space<vmem>>, vector<16xf32>,
      %mul3A_88 = arith.mulf %get3A_87, %gather3A : vector<16xf32>
      tpu.vector_store_idx %arg12[%get3A_85], %mul3A_88 {add = true} : memref<25088xf32, #tpu.memory_space<vmem>>[vector<16xi32>], vector<16xf32>,
      %mul3A_89 = arith.constant 4 : i32
      %mul3A_90 = arith.muli %scan3A_74, %mul3A_89 : i32
      %add3A_91 = arith.constant 1 : i32
      %add3A_92 = arith.addi %mul3A_90, %add3A_91 : i32
      %mul3A_93 = arith.constant 16 : i32
      %mul3A_94 = arith.muli %add3A_92, %mul3A_93 : i32
      %get3A_95 = arith.index_cast %mul3A_94 : i32 to index
      %get3A_96 = tpu.vector_load %arg8[%get3A_95] {strides = array<i32>} : memref<3136xi32, #tpu.memory_space<vmem>>, vector<16xi32>,
      %gather3A_97 = tpu.vector_load_idx %arg11[%get3A_96] : memref<64xf32, #tpu.memory_space<vmem>>[vector<16xi32>], vector<16xf32>,
      %get3A_98 = arith.index_cast %mul3A_94 : i32 to index
      %get3A_99 = tpu.vector_load %arg9[%get3A_98] {strides = array<i32>} : memref<3136xi32, #tpu.memory_space<vmem>>, vector<16xi32>,
      %get3A_100 = arith.index_cast %mul3A_94 : i32 to index
      %get3A_101 = tpu.vector_load %arg7[%get3A_100] {strides = array<i32>} : memref<3136xf32, #tpu.memory_space<vmem>>, vector<16xf32>,
      %mul3A_102 = arith.mulf %get3A_101, %gather3A_97 : vector<16xf32>
      tpu.vector_store_idx %arg12[%get3A_99], %mul3A_102 {add = true} : memref<25088xf32, #tpu.memory_space<vmem>>[vector<16xi32>], vector<16xf32>,
      %mul3A_103 = arith.constant 4 : i32
      %mul3A_104 = arith.muli %scan3A_74, %mul3A_103 : i32
      %add3A_105 = arith.constant 2 : i32
      %add3A_106 = arith.addi %mul3A_104, %add3A_105 : i32
      %mul3A_107 = arith.constant 16 : i32
      %mul3A_108 = arith.muli %add3A_106, %mul3A_107 : i32
      %get3A_109 = arith.index_cast %mul3A_108 : i32 to index
      %get3A_110 = tpu.vector_load %arg8[%get3A_109] {strides = array<i32>} : memref<3136xi32, #tpu.memory_space<vmem>>, vector<16xi32>,
      %gather3A_111 = tpu.vector_load_idx %arg11[%get3A_110] : memref<64xf32, #tpu.memory_space<vmem>>[vector<16xi32>], vector<16xf32>,
      %get3A_112 = arith.index_cast %mul3A_108 : i32 to index
      %get3A_113 = tpu.vector_load %arg9[%get3A_112] {strides = array<i32>} : memref<3136xi32, #tpu.memory_space<vmem>>, vector<16xi32>,
      %get3A_114 = arith.index_cast %mul3A_108 : i32 to index
      %get3A_115 = tpu.vector_load %arg7[%get3A_114] {strides = array<i32>} : memref<3136xf32, #tpu.memory_space<vmem>>, vector<16xf32>,
      %mul3A_116 = arith.mulf %get3A_115, %gather3A_111 : vector<16xf32>
      tpu.vector_store_idx %arg12[%get3A_113], %mul3A_116 {add = true} : memref<25088xf32, #tpu.memory_space<vmem>>[vector<16xi32>], vector<16xf32>,
      %mul3A_117 = arith.constant 4 : i32
      %mul3A_118 = arith.muli %scan3A_74, %mul3A_117 : i32
      %add3A_119 = arith.constant 3 : i32
      %add3A_120 = arith.addi %mul3A_118, %add3A_119 : i32
      %mul3A_121 = arith.constant 16 : i32
      %mul3A_122 = arith.muli %add3A_120, %mul3A_121 : i32
      %get3A_123 = arith.index_cast %mul3A_122 : i32 to index
      %get3A_124 = tpu.vector_load %arg8[%get3A_123] {strides = array<i32>} : memref<3136xi32, #tpu.memory_space<vmem>>, vector<16xi32>,
      %gather3A_125 = tpu.vector_load_idx %arg11[%get3A_124] : memref<64xf32, #tpu.memory_space<vmem>>[vector<16xi32>], vector<16xf32>,
      %get3A_126 = arith.index_cast %mul3A_122 : i32 to index
      %get3A_127 = tpu.vector_load %arg9[%get3A_126] {strides = array<i32>} : memref<3136xi32, #tpu.memory_space<vmem>>, vector<16xi32>,
      %get3A_128 = arith.index_cast %mul3A_122 : i32 to index
      %get3A_129 = tpu.vector_load %arg7[%get3A_128] {strides = array<i32>} : memref<3136xf32, #tpu.memory_space<vmem>>, vector<16xf32>,
      %mul3A_130 = arith.mulf %get3A_129, %gather3A_125 : vector<16xf32>
      tpu.vector_store_idx %arg12[%get3A_127], %mul3A_130 {add = true} : memref<25088xf32, #tpu.memory_space<vmem>>[vector<16xi32>], vector<16xf32>,
      %scan3A_131 = arith.constant 0 : i32
      scf.yield %scan3A_131 : i32
    }
    %scan3A_73 = arith.constant 49 : i32
    "tpu.region"() ({
      %run_scoped3A = tpu.sem_alloc : memref<!tpu.dma_semaphore, #tpu.memory_space<semaphore_mem>>
      %dma_start3A = arith.constant 0 : i32
      %dma_start3A_74 = tpu.memref_slice %arg6[%add3A, %dma_start3A] : memref<32x25088xf32, #tpu.memory_space<hbm>> -> memref<1x25088xf32, #tpu.memory_space<hbm>>
      %dma_start3A_75 = tpu.memref_squeeze %dma_start3A_74 : memref<1x25088xf32, #tpu.memory_space<hbm>> -> memref<25088xf32, #tpu.memory_space<hbm>>
      %dma_start3A_76 = arith.constant 0 : i32
      %dma_start3A_77 = tpu.memref_slice %arg6[%add3A, %dma_start3A_76] : memref<32x25088xf32, #tpu.memory_space<hbm>> -> memref<1x25088xf32, #tpu.memory_space<hbm>>
      %dma_start3A_78 = tpu.memref_squeeze %dma_start3A_77 : memref<1x25088xf32, #tpu.memory_space<hbm>> -> memref<25088xf32, #tpu.memory_space<hbm>>
      tpu.enqueue_dma source(%arg12 : memref<25088xf32, #tpu.memory_space<vmem>>) target(%dma_start3A_78 : memref<25088xf32, #tpu.memory_space<hbm>>) target_semaphore(%run_scoped3A : memref<!tpu.dma_semaphore, #tpu.memory_space<semaphore_mem>>)
      %dma_wait3A = arith.constant 0 : i32
      %dma_wait3A_79 = tpu.memref_slice %arg6[%add3A, %dma_wait3A] : memref<32x25088xf32, #tpu.memory_space<hbm>> -> memref<1x25088xf32, #tpu.memory_space<hbm>>
      %dma_wait3A_80 = tpu.memref_squeeze %dma_wait3A_79 : memref<1x25088xf32, #tpu.memory_space<hbm>> -> memref<25088xf32, #tpu.memory_space<hbm>>
      %dma_wait3A_81 = arith.constant 0 : i32
      %dma_wait3A_82 = tpu.memref_slice %arg6[%add3A, %dma_wait3A_81] : memref<32x25088xf32, #tpu.memory_space<hbm>> -> memref<1x25088xf32, #tpu.memory_space<hbm>>
      %dma_wait3A_83 = tpu.memref_squeeze %dma_wait3A_82 : memref<1x25088xf32, #tpu.memory_space<hbm>> -> memref<25088xf32, #tpu.memory_space<hbm>>
      tpu.wait_dma2 semaphore(%run_scoped3A : memref<!tpu.dma_semaphore, #tpu.memory_space<semaphore_mem>>) src(%arg12 : memref<25088xf32, #tpu.memory_space<vmem>>) dst(%dma_wait3A_83 : memref<25088xf32, #tpu.memory_space<hbm>>)
      tpu.yield
    }) : () -> ()
    return
  }
}

module attributes {stable_mosaic.version = 14 : i64} {
  func.func @_memproj_body(%arg0: i32, %arg1: memref<2048x512xf32, #tpu.memory_space<vmem>>, %arg2: memref<512x256xf32, #tpu.memory_space<vmem>>, %arg3: memref<2048x128xf32, #tpu.memory_space<vmem>>, %arg4: memref<2048x128xf32, #tpu.memory_space<vmem>>) attributes {dimension_semantics = [#tpu.dimension_semantics<arbitrary>], iteration_bounds = array<i64: 20>, scalar_prefetch = 0 : i64, scratch_operands = 0 : i64, tpu.core_type = #tpu.core_type<tc>, window_params = [{transform_indices = @transform_0, window_bounds = array<i64: 2048, 512>}, {pipeline_mode = #tpu.pipeline_mode<synchronous>, transform_indices = @transform_1, window_bounds = array<i64: 512, 256>}, {transform_indices = @transform_2, window_bounds = array<i64: 2048, 128>}, {transform_indices = @transform_3, window_bounds = array<i64: 2048, 128>}]} {
    %get3A = arith.constant 0 : index
    %get3A_0 = arith.constant 0 : index
    %get3A_1 = vector.load %arg1[%get3A, %get3A_0] : memref<2048x512xf32, #tpu.memory_space<vmem>>, vector<2048x512xf32>
    %convert_element_type3A = arith.truncf %get3A_1 : vector<2048x512xf32> to vector<2048x512xbf16>
    %get3A_2 = arith.constant 0 : index
    %get3A_3 = arith.constant 0 : index
    %get3A_4 = vector.load %arg2[%get3A_2, %get3A_3] : memref<512x256xf32, #tpu.memory_space<vmem>>, vector<512x256xf32>
    %convert_element_type3A_5 = arith.truncf %get3A_4 : vector<512x256xf32> to vector<512x256xbf16>
    %dot_general3A = arith.constant dense<0.000000e+00> : vector<2048x256xf32>
    %dot_general3A_6 = tpu.matmul %convert_element_type3A, %convert_element_type3A_5, %dot_general3A {dimension_numbers = #tpu.dot_dimension_numbers<[1], [0], [0], [1], [0, 0, 1, 1], [], []>, transpose_lhs_hint = false} : vector<2048x512xbf16>, vector<512x256xbf16>, vector<2048x256xf32> -> vector<2048x256xf32>
    %slice3A = vector.extract_strided_slice %dot_general3A_6 {offsets = [0, 0], sizes = [2048, 128], strides = [1, 1]} : vector<2048x256xf32> to vector<2048x128xf32>
    %swap3A = arith.constant 0 : index
    %swap3A_7 = arith.constant 0 : index
    %swap3A_8 = vector.load %arg3[%swap3A, %swap3A_7] : memref<2048x128xf32, #tpu.memory_space<vmem>>, vector<2048x128xf32>
    tpu.vector_store %arg3[%swap3A, %swap3A_7], %slice3A {strides = array<i32>} : memref<2048x128xf32, #tpu.memory_space<vmem>>, vector<2048x128xf32>,
    %slice3A_9 = vector.extract_strided_slice %dot_general3A_6 {offsets = [0, 128], sizes = [2048, 128], strides = [1, 1]} : vector<2048x256xf32> to vector<2048x128xf32>
    %swap3A_10 = arith.constant 0 : index
    %swap3A_11 = arith.constant 0 : index
    %swap3A_12 = vector.load %arg4[%swap3A_10, %swap3A_11] : memref<2048x128xf32, #tpu.memory_space<vmem>>, vector<2048x128xf32>
    tpu.vector_store %arg4[%swap3A_10, %swap3A_11], %slice3A_9 {strides = array<i32>} : memref<2048x128xf32, #tpu.memory_space<vmem>>, vector<2048x128xf32>,
    return
  }
  func.func @transform_0(%arg0: i32) -> (i32, i32) {
    %c0_i32 = arith.constant 0 : i32
    %c0_i32_0 = arith.constant 0 : i32
    return %arg0, %c0_i32 : i32, i32
  }
  func.func @transform_1(%arg0: i32) -> (i32, i32) {
    %c0_i32 = arith.constant 0 : i32
    %c0_i32_0 = arith.constant 0 : i32
    %c0_i32_1 = arith.constant 0 : i32
    return %c0_i32, %c0_i32_0 : i32, i32
  }
  func.func @transform_2(%arg0: i32) -> (i32, i32) {
    %c0_i32 = arith.constant 0 : i32
    %c0_i32_0 = arith.constant 0 : i32
    return %arg0, %c0_i32 : i32, i32
  }
  func.func @transform_3(%arg0: i32) -> (i32, i32) {
    %c0_i32 = arith.constant 0 : i32
    %c0_i32_0 = arith.constant 0 : i32
    return %arg0, %c0_i32 : i32, i32
  }
}

module attributes {stable_mosaic.version = 14 : i64} {
  func.func @_prep_body(%arg0: memref<512x128xf32, #tpu.memory_space<vmem>>, %arg1: memref<640x128xf32, #tpu.memory_space<vmem>>, %arg2: memref<640x128xf32, #tpu.memory_space<vmem>>, %arg3: memref<128xf32, #tpu.memory_space<vmem>>, %arg4: memref<128xf32, #tpu.memory_space<vmem>>, %arg5: memref<128xf32, #tpu.memory_space<vmem>>, %arg6: memref<64x512xf32, #tpu.memory_space<vmem>>, %arg7: memref<64x512xf32, #tpu.memory_space<vmem>>, %arg8: memref<64x512xf32, #tpu.memory_space<vmem>>, %arg9: memref<512x256xf32, #tpu.memory_space<vmem>>, %arg10: memref<512x256xf32, #tpu.memory_space<vmem>>, %arg11: memref<64x128xf32, #tpu.memory_space<vmem>>, %arg12: memref<64x128xf32, #tpu.memory_space<vmem>>, %arg13: memref<512x256xbf16, #tpu.memory_space<vmem>>) attributes {dimension_semantics = [], scalar_prefetch = 0 : i64, scratch_operands = 0 : i64, tpu.core_type = #tpu.core_type<tc>} {
    %get3A = arith.constant 0 : index
    %get3A_0 = arith.constant 0 : index
    %get3A_1 = vector.load %arg0[%get3A, %get3A_0] : memref<512x128xf32, #tpu.memory_space<vmem>>, vector<512x128xf32>
    %get3A_2 = arith.constant 0 : index
    %get3A_3 = arith.constant 0 : index
    %get3A_4 = vector.load %arg1[%get3A_2, %get3A_3] : memref<640x128xf32, #tpu.memory_space<vmem>>, vector<640x128xf32>
    %get3A_5 = arith.constant 0 : index
    %get3A_6 = arith.constant 0 : index
    %get3A_7 = vector.load %arg2[%get3A_5, %get3A_6] : memref<640x128xf32, #tpu.memory_space<vmem>>, vector<640x128xf32>
    %slice3A = vector.extract_strided_slice %get3A_4 {offsets = [0, 0], sizes = [128, 128], strides = [1, 1]} : vector<640x128xf32> to vector<128x128xf32>
    %dot_general3A = arith.constant dense<0.000000e+00> : vector<512x128xf32>
    %dot_general3A_8 = tpu.matmul %get3A_1, %slice3A, %dot_general3A {dimension_numbers = #tpu.dot_dimension_numbers<[1], [0], [0], [1], [0, 0, 1, 1], [], []>, transpose_lhs_hint = false} : vector<512x128xf32>, vector<128x128xf32>, vector<512x128xf32> -> vector<512x128xf32>
    %swap3A = arith.constant 0 : index
    %swap3A_9 = arith.constant 0 : index
    %swap3A_10 = vector.load %arg9[%swap3A, %swap3A_9] : memref<512x256xf32, #tpu.memory_space<vmem>>, vector<512x128xf32>
    tpu.vector_store %arg9[%swap3A, %swap3A_9], %dot_general3A_8 {strides = array<i32>} : memref<512x256xf32, #tpu.memory_space<vmem>>, vector<512x128xf32>,
    %slice3A_11 = vector.extract_strided_slice %get3A_7 {offsets = [0, 0], sizes = [128, 128], strides = [1, 1]} : vector<640x128xf32> to vector<128x128xf32>
    %dot_general3A_12 = arith.constant dense<0.000000e+00> : vector<512x128xf32>
    %dot_general3A_13 = tpu.matmul %get3A_1, %slice3A_11, %dot_general3A_12 {dimension_numbers = #tpu.dot_dimension_numbers<[1], [0], [0], [1], [0, 0, 1, 1], [], []>, transpose_lhs_hint = false} : vector<512x128xf32>, vector<128x128xf32>, vector<512x128xf32> -> vector<512x128xf32>
    %swap3A_14 = arith.constant 0 : index
    %swap3A_15 = arith.constant 128 : index
    %swap3A_16 = vector.load %arg9[%swap3A_14, %swap3A_15] : memref<512x256xf32, #tpu.memory_space<vmem>>, vector<512x128xf32>
    tpu.vector_store %arg9[%swap3A_14, %swap3A_15], %dot_general3A_13 {strides = array<i32>} : memref<512x256xf32, #tpu.memory_space<vmem>>, vector<512x128xf32>,
    %slice3A_17 = vector.extract_strided_slice %get3A_4 {offsets = [128, 0], sizes = [128, 128], strides = [1, 1]} : vector<640x128xf32> to vector<128x128xf32>
    %dot_general3A_18 = arith.constant dense<0.000000e+00> : vector<512x128xf32>
    %dot_general3A_19 = tpu.matmul %get3A_1, %slice3A_17, %dot_general3A_18 {dimension_numbers = #tpu.dot_dimension_numbers<[1], [0], [0], [1], [0, 0, 1, 1], [], []>, transpose_lhs_hint = false} : vector<512x128xf32>, vector<128x128xf32>, vector<512x128xf32> -> vector<512x128xf32>
    %swap3A_20 = arith.constant 0 : index
    %swap3A_21 = arith.constant 0 : index
    %swap3A_22 = vector.load %arg10[%swap3A_20, %swap3A_21] : memref<512x256xf32, #tpu.memory_space<vmem>>, vector<512x128xf32>
    tpu.vector_store %arg10[%swap3A_20, %swap3A_21], %dot_general3A_19 {strides = array<i32>} : memref<512x256xf32, #tpu.memory_space<vmem>>, vector<512x128xf32>,
    %slice3A_23 = vector.extract_strided_slice %get3A_7 {offsets = [128, 0], sizes = [128, 128], strides = [1, 1]} : vector<640x128xf32> to vector<128x128xf32>
    %dot_general3A_24 = arith.constant dense<0.000000e+00> : vector<512x128xf32>
    %dot_general3A_25 = tpu.matmul %get3A_1, %slice3A_23, %dot_general3A_24 {dimension_numbers = #tpu.dot_dimension_numbers<[1], [0], [0], [1], [0, 0, 1, 1], [], []>, transpose_lhs_hint = false} : vector<512x128xf32>, vector<128x128xf32>, vector<512x128xf32> -> vector<512x128xf32>
    %swap3A_26 = arith.constant 0 : index
    %swap3A_27 = arith.constant 128 : index
    %swap3A_28 = vector.load %arg10[%swap3A_26, %swap3A_27] : memref<512x256xf32, #tpu.memory_space<vmem>>, vector<512x128xf32>
    tpu.vector_store %arg10[%swap3A_26, %swap3A_27], %dot_general3A_25 {strides = array<i32>} : memref<512x256xf32, #tpu.memory_space<vmem>>, vector<512x128xf32>,
    %get3A_29 = arith.constant 0 : index
    %get3A_30 = arith.constant 0 : index
    %get3A_31 = vector.load %arg6[%get3A_29, %get3A_30] : memref<64x512xf32, #tpu.memory_space<vmem>>, vector<64x512xf32>
    %dot_general3A_32 = arith.constant dense<0.000000e+00> : vector<64x128xf32>
    %dot_general3A_33 = tpu.matmul %get3A_31, %get3A_1, %dot_general3A_32 {dimension_numbers = #tpu.dot_dimension_numbers<[1], [0], [0], [1], [0, 0, 1, 1], [], []>, transpose_lhs_hint = false} : vector<64x512xf32>, vector<512x128xf32>, vector<64x128xf32> -> vector<64x128xf32>
    %get3A_34 = arith.constant 0 : index
    %get3A_35 = arith.constant 0 : index
    %get3A_36 = vector.load %arg7[%get3A_34, %get3A_35] : memref<64x512xf32, #tpu.memory_space<vmem>>, vector<64x512xf32>
    %dot_general3A_37 = arith.constant dense<0.000000e+00> : vector<64x128xf32>
    %dot_general3A_38 = tpu.matmul %get3A_36, %get3A_1, %dot_general3A_37 {dimension_numbers = #tpu.dot_dimension_numbers<[1], [0], [0], [1], [0, 0, 1, 1], [], []>, transpose_lhs_hint = false} : vector<64x512xf32>, vector<512x128xf32>, vector<64x128xf32> -> vector<64x128xf32>
    %get3A_39 = arith.constant 0 : index
    %get3A_40 = arith.constant 0 : index
    %get3A_41 = vector.load %arg8[%get3A_39, %get3A_40] : memref<64x512xf32, #tpu.memory_space<vmem>>, vector<64x512xf32>
    %dot_general3A_42 = arith.constant dense<0.000000e+00> : vector<64x128xf32>
    %dot_general3A_43 = tpu.matmul %get3A_41, %get3A_1, %dot_general3A_42 {dimension_numbers = #tpu.dot_dimension_numbers<[1], [0], [0], [1], [0, 0, 1, 1], [], []>, transpose_lhs_hint = false} : vector<64x512xf32>, vector<512x128xf32>, vector<64x128xf32> -> vector<64x128xf32>
    %get3A_44 = arith.constant 0 : index
    %get3A_45 = vector.load %arg3[%get3A_44] : memref<128xf32, #tpu.memory_space<vmem>>, vector<128xf32>
    %reshape3A = vector.shape_cast %get3A_45 : vector<128xf32> to vector<1x128xf32>
    %slice3A_46 = vector.extract_strided_slice %get3A_4 {offsets = [0, 0], sizes = [128, 128], strides = [1, 1]} : vector<640x128xf32> to vector<128x128xf32>
    %slice3A_47 = vector.extract_strided_slice %get3A_4 {offsets = [128, 0], sizes = [128, 128], strides = [1, 1]} : vector<640x128xf32> to vector<128x128xf32>
    %add3A = arith.addf %slice3A_46, %slice3A_47 : vector<128x128xf32>
    %slice3A_48 = vector.extract_strided_slice %get3A_4 {offsets = [256, 0], sizes = [128, 128], strides = [1, 1]} : vector<640x128xf32> to vector<128x128xf32>
    %add3A_49 = arith.addf %add3A, %slice3A_48 : vector<128x128xf32>
    %slice3A_50 = vector.extract_strided_slice %get3A_4 {offsets = [384, 0], sizes = [128, 128], strides = [1, 1]} : vector<640x128xf32> to vector<128x128xf32>
    %add3A_51 = arith.addf %add3A_49, %slice3A_50 : vector<128x128xf32>
    %slice3A_52 = vector.extract_strided_slice %get3A_4 {offsets = [512, 0], sizes = [128, 128], strides = [1, 1]} : vector<640x128xf32> to vector<128x128xf32>
    %add3A_53 = arith.addf %add3A_51, %slice3A_52 : vector<128x128xf32>
    %slice3A_54 = vector.extract_strided_slice %get3A_7 {offsets = [0, 0], sizes = [128, 128], strides = [1, 1]} : vector<640x128xf32> to vector<128x128xf32>
    %slice3A_55 = vector.extract_strided_slice %get3A_7 {offsets = [128, 0], sizes = [128, 128], strides = [1, 1]} : vector<640x128xf32> to vector<128x128xf32>
    %add3A_56 = arith.addf %slice3A_54, %slice3A_55 : vector<128x128xf32>
    %slice3A_57 = vector.extract_strided_slice %get3A_7 {offsets = [256, 0], sizes = [128, 128], strides = [1, 1]} : vector<640x128xf32> to vector<128x128xf32>
    %add3A_58 = arith.addf %add3A_56, %slice3A_57 : vector<128x128xf32>
    %slice3A_59 = vector.extract_strided_slice %get3A_7 {offsets = [384, 0], sizes = [128, 128], strides = [1, 1]} : vector<640x128xf32> to vector<128x128xf32>
    %add3A_60 = arith.addf %add3A_58, %slice3A_59 : vector<128x128xf32>
    %slice3A_61 = vector.extract_strided_slice %get3A_7 {offsets = [512, 0], sizes = [128, 128], strides = [1, 1]} : vector<640x128xf32> to vector<128x128xf32>
    %add3A_62 = arith.addf %add3A_60, %slice3A_61 : vector<128x128xf32>
    %slice3A_63 = vector.extract_strided_slice %get3A_4 {offsets = [256, 0], sizes = [128, 128], strides = [1, 1]} : vector<640x128xf32> to vector<128x128xf32>
    %dot_general3A_64 = arith.constant dense<0.000000e+00> : vector<64x128xf32>
    %dot_general3A_65 = tpu.matmul %dot_general3A_33, %slice3A_63, %dot_general3A_64 {dimension_numbers = #tpu.dot_dimension_numbers<[1], [0], [0], [1], [0, 0, 1, 1], [], []>, transpose_lhs_hint = false} : vector<64x128xf32>, vector<128x128xf32>, vector<64x128xf32> -> vector<64x128xf32>
    %slice3A_66 = vector.extract_strided_slice %get3A_4 {offsets = [384, 0], sizes = [128, 128], strides = [1, 1]} : vector<640x128xf32> to vector<128x128xf32>
    %dot_general3A_67 = arith.constant dense<0.000000e+00> : vector<64x128xf32>
    %dot_general3A_68 = tpu.matmul %dot_general3A_38, %slice3A_66, %dot_general3A_67 {dimension_numbers = #tpu.dot_dimension_numbers<[1], [0], [0], [1], [0, 0, 1, 1], [], []>, transpose_lhs_hint = false} : vector<64x128xf32>, vector<128x128xf32>, vector<64x128xf32> -> vector<64x128xf32>
    %add3A_69 = arith.addf %dot_general3A_65, %dot_general3A_68 : vector<64x128xf32>
    %slice3A_70 = vector.extract_strided_slice %get3A_4 {offsets = [512, 0], sizes = [128, 128], strides = [1, 1]} : vector<640x128xf32> to vector<128x128xf32>
    %dot_general3A_71 = arith.constant dense<0.000000e+00> : vector<64x128xf32>
    %dot_general3A_72 = tpu.matmul %dot_general3A_43, %slice3A_70, %dot_general3A_71 {dimension_numbers = #tpu.dot_dimension_numbers<[1], [0], [0], [1], [0, 0, 1, 1], [], []>, transpose_lhs_hint = false} : vector<64x128xf32>, vector<128x128xf32>, vector<64x128xf32> -> vector<64x128xf32>
    %add3A_73 = arith.addf %add3A_69, %dot_general3A_72 : vector<64x128xf32>
    %dot_general3A_74 = arith.constant dense<0.000000e+00> : vector<1x128xf32>
    %dot_general3A_75 = tpu.matmul %reshape3A, %add3A_53, %dot_general3A_74 {dimension_numbers = #tpu.dot_dimension_numbers<[1], [0], [0], [1], [0, 0, 1, 1], [], []>, transpose_lhs_hint = false} : vector<1x128xf32>, vector<128x128xf32>, vector<1x128xf32> -> vector<1x128xf32>
    %add3A_76 = vector.broadcast %dot_general3A_75 : vector<1x128xf32> to vector<64x128xf32>
    %add3A_77 = arith.addf %add3A_73, %add3A_76 : vector<64x128xf32>
    %get3A_78 = arith.constant 0 : index
    %get3A_79 = vector.load %arg4[%get3A_78] : memref<128xf32, #tpu.memory_space<vmem>>, vector<128xf32>
    %reshape3A_80 = vector.shape_cast %get3A_79 : vector<128xf32> to vector<1x128xf32>
    %add3A_81 = vector.broadcast %reshape3A_80 : vector<1x128xf32> to vector<64x128xf32>
    %add3A_82 = arith.addf %add3A_77, %add3A_81 : vector<64x128xf32>
    %swap3A_83 = arith.constant 0 : index
    %swap3A_84 = arith.constant 0 : index
    %swap3A_85 = vector.load %arg11[%swap3A_83, %swap3A_84] : memref<64x128xf32, #tpu.memory_space<vmem>>, vector<64x128xf32>
    tpu.vector_store %arg11[%swap3A_83, %swap3A_84], %add3A_82 {strides = array<i32>} : memref<64x128xf32, #tpu.memory_space<vmem>>, vector<64x128xf32>,
    %slice3A_86 = vector.extract_strided_slice %get3A_7 {offsets = [256, 0], sizes = [128, 128], strides = [1, 1]} : vector<640x128xf32> to vector<128x128xf32>
    %dot_general3A_87 = arith.constant dense<0.000000e+00> : vector<64x128xf32>
    %dot_general3A_88 = tpu.matmul %dot_general3A_33, %slice3A_86, %dot_general3A_87 {dimension_numbers = #tpu.dot_dimension_numbers<[1], [0], [0], [1], [0, 0, 1, 1], [], []>, transpose_lhs_hint = false} : vector<64x128xf32>, vector<128x128xf32>, vector<64x128xf32> -> vector<64x128xf32>
    %slice3A_89 = vector.extract_strided_slice %get3A_7 {offsets = [384, 0], sizes = [128, 128], strides = [1, 1]} : vector<640x128xf32> to vector<128x128xf32>
    %dot_general3A_90 = arith.constant dense<0.000000e+00> : vector<64x128xf32>
    %dot_general3A_91 = tpu.matmul %dot_general3A_38, %slice3A_89, %dot_general3A_90 {dimension_numbers = #tpu.dot_dimension_numbers<[1], [0], [0], [1], [0, 0, 1, 1], [], []>, transpose_lhs_hint = false} : vector<64x128xf32>, vector<128x128xf32>, vector<64x128xf32> -> vector<64x128xf32>
    %add3A_92 = arith.addf %dot_general3A_88, %dot_general3A_91 : vector<64x128xf32>
    %slice3A_93 = vector.extract_strided_slice %get3A_7 {offsets = [512, 0], sizes = [128, 128], strides = [1, 1]} : vector<640x128xf32> to vector<128x128xf32>
    %dot_general3A_94 = arith.constant dense<0.000000e+00> : vector<64x128xf32>
    %dot_general3A_95 = tpu.matmul %dot_general3A_43, %slice3A_93, %dot_general3A_94 {dimension_numbers = #tpu.dot_dimension_numbers<[1], [0], [0], [1], [0, 0, 1, 1], [], []>, transpose_lhs_hint = false} : vector<64x128xf32>, vector<128x128xf32>, vector<64x128xf32> -> vector<64x128xf32>
    %add3A_96 = arith.addf %add3A_92, %dot_general3A_95 : vector<64x128xf32>
    %dot_general3A_97 = arith.constant dense<0.000000e+00> : vector<1x128xf32>
    %dot_general3A_98 = tpu.matmul %reshape3A, %add3A_62, %dot_general3A_97 {dimension_numbers = #tpu.dot_dimension_numbers<[1], [0], [0], [1], [0, 0, 1, 1], [], []>, transpose_lhs_hint = false} : vector<1x128xf32>, vector<128x128xf32>, vector<1x128xf32> -> vector<1x128xf32>
    %add3A_99 = vector.broadcast %dot_general3A_98 : vector<1x128xf32> to vector<64x128xf32>
    %add3A_100 = arith.addf %add3A_96, %add3A_99 : vector<64x128xf32>
    %get3A_101 = arith.constant 0 : index
    %get3A_102 = vector.load %arg5[%get3A_101] : memref<128xf32, #tpu.memory_space<vmem>>, vector<128xf32>
    %reshape3A_103 = vector.shape_cast %get3A_102 : vector<128xf32> to vector<1x128xf32>
    %add3A_104 = vector.broadcast %reshape3A_103 : vector<1x128xf32> to vector<64x128xf32>
    %add3A_105 = arith.addf %add3A_100, %add3A_104 : vector<64x128xf32>
    %swap3A_106 = arith.constant 0 : index
    %swap3A_107 = arith.constant 0 : index
    %swap3A_108 = vector.load %arg12[%swap3A_106, %swap3A_107] : memref<64x128xf32, #tpu.memory_space<vmem>>, vector<64x128xf32>
    tpu.vector_store %arg12[%swap3A_106, %swap3A_107], %add3A_105 {strides = array<i32>} : memref<64x128xf32, #tpu.memory_space<vmem>>, vector<64x128xf32>,
    %get3A_109 = arith.constant 0 : index
    %get3A_110 = arith.constant 0 : index
    %get3A_111 = vector.load %arg10[%get3A_109, %get3A_110] : memref<512x256xf32, #tpu.memory_space<vmem>>, vector<512x256xf32>
    %convert_element_type3A = arith.truncf %get3A_111 : vector<512x256xf32> to vector<512x256xbf16>
    %swap3A_112 = arith.constant 0 : index
    %swap3A_113 = arith.constant 0 : index
    %swap3A_114 = vector.load %arg13[%swap3A_112, %swap3A_113] : memref<512x256xbf16, #tpu.memory_space<vmem>>, vector<512x256xbf16>
    tpu.vector_store %arg13[%swap3A_112, %swap3A_113], %convert_element_type3A {strides = array<i32>} : memref<512x256xbf16, #tpu.memory_space<vmem>>, vector<512x256xbf16>,
    return
  }
}

module attributes {stable_mosaic.version = 14 : i64} {
  func.func @_edge_body(%arg0: i32, %arg1: memref<1024x512xf32, #tpu.memory_space<vmem>>, %arg2: memref<1024x128xf32, #tpu.memory_space<vmem>>, %arg3: memref<1024x128xf32, #tpu.memory_space<vmem>>, %arg4: memref<1x1x1024xf32, #tpu.memory_space<vmem>>, %arg5: memref<1x1x1024xi32, #tpu.memory_space<vmem>>, %arg6: memref<512x256xbf16, #tpu.memory_space<vmem>>, %arg7: memref<64x128xf32, #tpu.memory_space<vmem>>, %arg8: memref<64x128xf32, #tpu.memory_space<vmem>>, %arg9: memref<128x128xf32, #tpu.memory_space<vmem>>, %arg10: memref<128xf32, #tpu.memory_space<vmem>>, %arg11: memref<1x1x1024xf32, #tpu.memory_space<vmem>>, %arg12: memref<1x16xf32, #tpu.memory_space<vmem>>) attributes {dimension_semantics = [#tpu.dimension_semantics<arbitrary>], iteration_bounds = array<i64: 49>, scalar_prefetch = 0 : i64, scratch_operands = 0 : i64, tpu.core_type = #tpu.core_type<tc>, window_params = [{transform_indices = @transform_0, window_bounds = array<i64: 1024, 512>}, {transform_indices = @transform_1, window_bounds = array<i64: 1024, 128>}, {transform_indices = @transform_2, window_bounds = array<i64: 1024, 128>}, {transform_indices = @transform_3, window_bounds = array<i64: 1, 1, 1024>}, {transform_indices = @transform_4, window_bounds = array<i64: 1, 1, 1024>}, {pipeline_mode = #tpu.pipeline_mode<synchronous>, transform_indices = @transform_5, window_bounds = array<i64: 512, 256>}, {pipeline_mode = #tpu.pipeline_mode<synchronous>, transform_indices = @transform_6, window_bounds = array<i64: 64, 128>}, {pipeline_mode = #tpu.pipeline_mode<synchronous>, transform_indices = @transform_7, window_bounds = array<i64: 64, 128>}, {pipeline_mode = #tpu.pipeline_mode<synchronous>, transform_indices = @transform_8, window_bounds = array<i64: 128, 128>}, {pipeline_mode = #tpu.pipeline_mode<synchronous>, transform_indices = @transform_9, window_bounds = array<i64: 128>}, {transform_indices = @transform_10, window_bounds = array<i64: 1, 1, 1024>}, {pipeline_mode = #tpu.pipeline_mode<synchronous>, transform_indices = @transform_11, window_bounds = array<i64: 1, 16>}]} {
    %get3A = arith.constant 0 : index
    %get3A_0 = arith.constant 0 : index
    %get3A_1 = vector.load %arg6[%get3A, %get3A_0] : memref<512x256xbf16, #tpu.memory_space<vmem>>, vector<512x256xbf16>
    %get3A_2 = arith.constant 0 : index
    %get3A_3 = arith.constant 0 : index
    %get3A_4 = vector.load %arg1[%get3A_2, %get3A_3] : memref<1024x512xf32, #tpu.memory_space<vmem>>, vector<1024x512xf32>
    %convert_element_type3A = arith.truncf %get3A_4 : vector<1024x512xf32> to vector<1024x512xbf16>
    %dot_general3A = arith.constant dense<0.000000e+00> : vector<256x1024xf32>
    %dot_general3A_5 = tpu.matmul %get3A_1, %convert_element_type3A, %dot_general3A {dimension_numbers = #tpu.dot_dimension_numbers<[0], [1], [1], [0], [0, 1, 1, 0], [], []>, transpose_lhs_hint = false} : vector<512x256xbf16>, vector<1024x512xbf16>, vector<256x1024xf32> -> vector<256x1024xf32>
    %iota3A = tpu.iota {dimensions = array<i32: 0>} : vector<128x128xi32>
    %iota3A_6 = tpu.iota {dimensions = array<i32: 1>} : vector<128x128xi32>
    %eq3A = arith.cmpi eq, %iota3A, %iota3A_6 : vector<128x128xi32>
    %convert_element_type3A_7 = arith.extui %eq3A : vector<128x128xi1> to vector<128x128xi32>
    %convert_element_type3A_8 = arith.sitofp %convert_element_type3A_7 : vector<128x128xi32> to vector<128x128xf32>
    %get3A_9 = arith.constant 0 : index
    %get3A_10 = arith.constant 0 : index
    %get3A_11 = vector.load %arg2[%get3A_9, %get3A_10] : memref<1024x128xf32, #tpu.memory_space<vmem>>, vector<1024x128xf32>
    %dot_general3A_12 = arith.constant dense<0.000000e+00> : vector<128x1024xf32>
    %dot_general3A_13 = tpu.matmul %convert_element_type3A_8, %get3A_11, %dot_general3A_12 {dimension_numbers = #tpu.dot_dimension_numbers<[0], [1], [1], [0], [0, 1, 1, 0], [], []>, transpose_lhs_hint = false} : vector<128x128xf32>, vector<1024x128xf32>, vector<128x1024xf32> -> vector<128x1024xf32>
    %get3A_14 = arith.constant 0 : index
    %get3A_15 = arith.constant 0 : index
    %get3A_16 = vector.load %arg3[%get3A_14, %get3A_15] : memref<1024x128xf32, #tpu.memory_space<vmem>>, vector<1024x128xf32>
    %dot_general3A_17 = arith.constant dense<0.000000e+00> : vector<128x1024xf32>
    %dot_general3A_18 = tpu.matmul %convert_element_type3A_8, %get3A_16, %dot_general3A_17 {dimension_numbers = #tpu.dot_dimension_numbers<[0], [1], [1], [0], [0, 1, 1, 0], [], []>, transpose_lhs_hint = false} : vector<128x128xf32>, vector<1024x128xf32>, vector<128x1024xf32> -> vector<128x1024xf32>
    %get3A_19 = arith.constant 0 : index
    %get3A_20 = arith.constant 0 : index
    %get3A_21 = arith.constant 0 : index
    %get3A_22 = vector.load %arg5[%get3A_19, %get3A_20, %get3A_21] : memref<1x1x1024xi32, #tpu.memory_space<vmem>>, vector<1x1x1024xi32>
    %reshape3A = vector.shape_cast %get3A_22 : vector<1x1x1024xi32> to vector<1x1024xi32>
    %iota3A_23 = tpu.iota {dimensions = array<i32: 0>} : vector<64x1xi32>
    %eq3A_24 = vector.broadcast %iota3A_23 : vector<64x1xi32> to vector<64x1024xi32>
    %eq3A_25 = vector.broadcast %reshape3A : vector<1x1024xi32> to vector<64x1024xi32>
    %eq3A_26 = arith.cmpi eq, %eq3A_24, %eq3A_25 : vector<64x1024xi32>
    %convert_element_type3A_27 = arith.extui %eq3A_26 : vector<64x1024xi1> to vector<64x1024xi32>
    %convert_element_type3A_28 = arith.sitofp %convert_element_type3A_27 : vector<64x1024xi32> to vector<64x1024xf32>
    %get3A_29 = arith.constant 0 : index
    %get3A_30 = arith.constant 0 : index
    %get3A_31 = vector.load %arg7[%get3A_29, %get3A_30] : memref<64x128xf32, #tpu.memory_space<vmem>>, vector<64x128xf32>
    %dot_general3A_32 = arith.constant dense<0.000000e+00> : vector<128x1024xf32>
    %dot_general3A_33 = tpu.matmul %get3A_31, %convert_element_type3A_28, %dot_general3A_32 {dimension_numbers = #tpu.dot_dimension_numbers<[0], [0], [1], [1], [0, 1, 1, 1], [], []>, transpose_lhs_hint = false} : vector<64x128xf32>, vector<64x1024xf32>, vector<128x1024xf32> -> vector<128x1024xf32>
    %get3A_34 = arith.constant 0 : index
    %get3A_35 = arith.constant 0 : index
    %get3A_36 = vector.load %arg8[%get3A_34, %get3A_35] : memref<64x128xf32, #tpu.memory_space<vmem>>, vector<64x128xf32>
    %dot_general3A_37 = arith.constant dense<0.000000e+00> : vector<128x1024xf32>
    %dot_general3A_38 = tpu.matmul %get3A_36, %convert_element_type3A_28, %dot_general3A_37 {dimension_numbers = #tpu.dot_dimension_numbers<[0], [0], [1], [1], [0, 1, 1, 1], [], []>, transpose_lhs_hint = false} : vector<64x128xf32>, vector<64x1024xf32>, vector<128x1024xf32> -> vector<128x1024xf32>
    %slice3A = vector.extract_strided_slice %dot_general3A_5 {offsets = [0, 0], sizes = [128, 1024], strides = [1, 1]} : vector<256x1024xf32> to vector<128x1024xf32>
    %add3A = arith.addf %dot_general3A_13, %slice3A : vector<128x1024xf32>
    %add3A_39 = arith.addf %add3A, %dot_general3A_33 : vector<128x1024xf32>
    %slice3A_40 = vector.extract_strided_slice %dot_general3A_5 {offsets = [128, 0], sizes = [128, 1024], strides = [1, 1]} : vector<256x1024xf32> to vector<128x1024xf32>
    %add3A_41 = arith.addf %dot_general3A_18, %slice3A_40 : vector<128x1024xf32>
    %add3A_42 = arith.addf %add3A_41, %dot_general3A_38 : vector<128x1024xf32>
    %ge3A = arith.constant 0.000000e+00 : f32
    %ge3A_43 = vector.broadcast %ge3A : f32 to vector<128x1024xf32>
    %ge3A_44 = arith.cmpf oge, %add3A_39, %ge3A_43 : vector<128x1024xf32>
    %mul3A = arith.constant 0.00999999977 : f32
    %mul3A_45 = vector.broadcast %mul3A : f32 to vector<128x1024xf32>
    %mul3A_46 = arith.mulf %mul3A_45, %add3A_39 : vector<128x1024xf32>
    %select_n3A = arith.select %ge3A_44, %add3A_39, %mul3A_46 : vector<128x1024xi1>, vector<128x1024xf32>
    %ge3A_47 = arith.constant 0.000000e+00 : f32
    %ge3A_48 = vector.broadcast %ge3A_47 : f32 to vector<128x1024xf32>
    %ge3A_49 = arith.cmpf oge, %add3A_42, %ge3A_48 : vector<128x1024xf32>
    %mul3A_50 = arith.constant 0.00999999977 : f32
    %mul3A_51 = vector.broadcast %mul3A_50 : f32 to vector<128x1024xf32>
    %mul3A_52 = arith.mulf %mul3A_51, %add3A_42 : vector<128x1024xf32>
    %select_n3A_53 = arith.select %ge3A_49, %add3A_42, %mul3A_52 : vector<128x1024xi1>, vector<128x1024xf32>
    %get3A_54 = arith.constant 0 : index
    %get3A_55 = arith.constant 0 : index
    %get3A_56 = vector.load %arg9[%get3A_54, %get3A_55] : memref<128x128xf32, #tpu.memory_space<vmem>>, vector<128x128xf32>
    %convert_element_type3A_57 = arith.truncf %get3A_56 : vector<128x128xf32> to vector<128x128xbf16>
    %convert_element_type3A_58 = arith.truncf %select_n3A_53 : vector<128x1024xf32> to vector<128x1024xbf16>
    %dot_general3A_59 = arith.constant dense<0.000000e+00> : vector<128x1024xf32>
    %dot_general3A_60 = tpu.matmul %convert_element_type3A_57, %convert_element_type3A_58, %dot_general3A_59 {dimension_numbers = #tpu.dot_dimension_numbers<[0], [0], [1], [1], [0, 1, 1, 1], [], []>, transpose_lhs_hint = false} : vector<128x128xbf16>, vector<128x1024xbf16>, vector<128x1024xf32> -> vector<128x1024xf32>
    %get3A_61 = arith.constant 0 : index
    %get3A_62 = vector.load %arg10[%get3A_61] : memref<128xf32, #tpu.memory_space<vmem>>, vector<128xf32>
    %reshape3A_63 = vector.shape_cast %get3A_62 : vector<128xf32> to vector<128x1xf32>
    %add3A_64 = vector.broadcast %reshape3A_63 : vector<128x1xf32> to vector<128x1024xf32>
    %add3A_65 = arith.addf %dot_general3A_60, %add3A_64 : vector<128x1024xf32>
    %broadcast_in_dim3A = arith.constant 1.000000e+00 : f32
    %broadcast_in_dim3A_66 = vector.broadcast %broadcast_in_dim3A : f32 to vector<1x128xf32>
    %mul3A_67 = arith.mulf %select_n3A, %add3A_65 : vector<128x1024xf32>
    %dot_general3A_68 = arith.constant dense<0.000000e+00> : vector<1x1024xf32>
    %dot_general3A_69 = tpu.matmul %broadcast_in_dim3A_66, %mul3A_67, %dot_general3A_68 {dimension_numbers = #tpu.dot_dimension_numbers<[1], [0], [0], [1], [0, 0, 1, 1], [], []>, transpose_lhs_hint = false} : vector<1x128xf32>, vector<128x1024xf32>, vector<1x1024xf32> -> vector<1x1024xf32>
    %get3A_70 = arith.constant 0 : index
    %get3A_71 = arith.constant 0 : index
    %get3A_72 = arith.constant 0 : index
    %get3A_73 = vector.load %arg4[%get3A_70, %get3A_71, %get3A_72] : memref<1x1x1024xf32, #tpu.memory_space<vmem>>, vector<1x1x1024xf32>
    %reshape3A_74 = vector.shape_cast %get3A_73 : vector<1x1x1024xf32> to vector<1x1024xf32>
    %mul3A_75 = arith.mulf %dot_general3A_69, %reshape3A_74 : vector<1x1024xf32>
    %add3A_76 = arith.constant 0 : i32
    %add3A_77 = arith.addi %arg0, %add3A_76 : i32
    %mul3A_78 = arith.constant 1024 : i32
    %mul3A_79 = arith.muli %add3A_77, %mul3A_78 : i32
    %iota3A_80 = tpu.iota {dimensions = array<i32: 1>} : vector<1x1024xi32>
    %add3A_81 = vector.broadcast %mul3A_79 : i32 to vector<1x1024xi32>
    %add3A_82 = arith.addi %add3A_81, %iota3A_80 : vector<1x1024xi32>
    %lt3A = arith.constant 100000 : i32
    %lt3A_83 = vector.broadcast %lt3A : i32 to vector<1x1024xi32>
    %lt3A_84 = arith.cmpi slt, %add3A_82, %lt3A_83 : vector<1x1024xi32>
    %jit3A = arith.constant 0xFF800000 : f32
    %broadcast_in_dim3A_85 = vector.broadcast %jit3A : f32 to vector<1x1024xf32>
    %select_n3A_86 = arith.select %lt3A_84, %mul3A_75, %broadcast_in_dim3A_85 : vector<1x1024xi1>, vector<1x1024xf32>
    %reshape3A_87 = vector.shape_cast %select_n3A_86 : vector<1x1024xf32> to vector<1x1x1024xf32>
    %swap3A = arith.constant 0 : index
    %swap3A_88 = arith.constant 0 : index
    %swap3A_89 = arith.constant 0 : index
    %swap3A_90 = vector.load %arg11[%swap3A, %swap3A_88, %swap3A_89] : memref<1x1x1024xf32, #tpu.memory_space<vmem>>, vector<1x1x1024xf32>
    tpu.vector_store %arg11[%swap3A, %swap3A_88, %swap3A_89], %reshape3A_87 {strides = array<i32>} : memref<1x1x1024xf32, #tpu.memory_space<vmem>>, vector<1x1x1024xf32>,
    %eq3A_91 = arith.constant 0 : i32
    %eq3A_92 = arith.cmpi eq, %arg0, %eq3A_91 : i32
    %convert_element_type3A_93 = arith.extui %eq3A_92 : i1 to i32
    %cond3A = arith.constant 0 : i32
    %cond3A_94 = arith.cmpi ne, %convert_element_type3A_93, %cond3A : i32
    scf.if %cond3A_94 {
      %broadcast_in_dim3A_106 = arith.constant 0xFF800000 : f32
      %broadcast_in_dim3A_107 = vector.broadcast %broadcast_in_dim3A_106 : f32 to vector<1x16xf32>
      %swap3A_108 = arith.constant 0 : index
      %swap3A_109 = arith.constant 0 : index
      %swap3A_110 = vector.load %arg12[%swap3A_108, %swap3A_109] : memref<1x16xf32, #tpu.memory_space<vmem>>, vector<1x16xf32>
      tpu.vector_store %arg12[%swap3A_108, %swap3A_109], %broadcast_in_dim3A_107 {strides = array<i32>} : memref<1x16xf32, #tpu.memory_space<vmem>>, vector<1x16xf32>,
    } else {
    }
    %get3A_95 = arith.constant 0 : index
    %get3A_96 = arith.constant 0 : index
    %get3A_97 = vector.load %arg12[%get3A_95, %get3A_96] : memref<1x16xf32, #tpu.memory_space<vmem>>, vector<1x16xf32>
    %reduce_max3A = vector.shape_cast %select_n3A_86 : vector<1x1024xf32> to vector<1x1x1024xf32>
    %reduce_max3A_98 = arith.constant dense<0xFF800000> : vector<1xf32>
    %reduce_max3A_99 = vector.multi_reduction <maximumf>, %reduce_max3A, %reduce_max3A_98 [1, 2] : vector<1x1x1024xf32> to vector<1xf32>
    %reduce_max3A_100 = vector.shape_cast %reduce_max3A_99 : vector<1xf32> to vector<1x1x1xf32>
    %reduce_max3A_101 = vector.extract %reduce_max3A_100[0, 0, 0] : f32 from vector<1x1x1xf32>
    %max3A = vector.broadcast %reduce_max3A_101 : f32 to vector<1x16xf32>
    %max3A_102 = arith.maximumf %get3A_97, %max3A : vector<1x16xf32>
    %swap3A_103 = arith.constant 0 : index
    %swap3A_104 = arith.constant 0 : index
    %swap3A_105 = vector.load %arg12[%swap3A_103, %swap3A_104] : memref<1x16xf32, #tpu.memory_space<vmem>>, vector<1x16xf32>
    tpu.vector_store %arg12[%swap3A_103, %swap3A_104], %max3A_102 {strides = array<i32>} : memref<1x16xf32, #tpu.memory_space<vmem>>, vector<1x16xf32>,
    return
  }
  func.func @transform_0(%arg0: i32) -> (i32, i32) {
    %add3A = arith.constant 0 : i32
    %add3A_0 = arith.addi %arg0, %add3A : i32
    %c0_i32 = arith.constant 0 : i32
    %c0_i32_1 = arith.constant 0 : i32
    return %add3A_0, %c0_i32 : i32, i32
  }
  func.func @transform_1(%arg0: i32) -> (i32, i32) {
    %c0_i32 = arith.constant 0 : i32
    %c0_i32_0 = arith.constant 0 : i32
    return %arg0, %c0_i32 : i32, i32
  }
  func.func @transform_2(%arg0: i32) -> (i32, i32) {
    %c0_i32 = arith.constant 0 : i32
    %c0_i32_0 = arith.constant 0 : i32
    return %arg0, %c0_i32 : i32, i32
  }
  func.func @transform_3(%arg0: i32) -> (i32, i32, i32) {
    %add3A = arith.constant 0 : i32
    %add3A_0 = arith.addi %arg0, %add3A : i32
    %c0_i32 = arith.constant 0 : i32
    %c0_i32_1 = arith.constant 0 : i32
    %c0_i32_2 = arith.constant 0 : i32
    return %add3A_0, %c0_i32, %c0_i32_1 : i32, i32, i32
  }
  func.func @transform_4(%arg0: i32) -> (i32, i32, i32) {
    %add3A = arith.constant 0 : i32
    %add3A_0 = arith.addi %arg0, %add3A : i32
    %c0_i32 = arith.constant 0 : i32
    %c0_i32_1 = arith.constant 0 : i32
    %c0_i32_2 = arith.constant 0 : i32
    return %add3A_0, %c0_i32, %c0_i32_1 : i32, i32, i32
  }
  func.func @transform_5(%arg0: i32) -> (i32, i32) {
    %c0_i32 = arith.constant 0 : i32
    %c0_i32_0 = arith.constant 0 : i32
    %c0_i32_1 = arith.constant 0 : i32
    return %c0_i32, %c0_i32_0 : i32, i32
  }
  func.func @transform_6(%arg0: i32) -> (i32, i32) {
    %c0_i32 = arith.constant 0 : i32
    %c0_i32_0 = arith.constant 0 : i32
    %c0_i32_1 = arith.constant 0 : i32
    return %c0_i32, %c0_i32_0 : i32, i32
  }
  func.func @transform_7(%arg0: i32) -> (i32, i32) {
    %c0_i32 = arith.constant 0 : i32
    %c0_i32_0 = arith.constant 0 : i32
    %c0_i32_1 = arith.constant 0 : i32
    return %c0_i32, %c0_i32_0 : i32, i32
  }
  func.func @transform_8(%arg0: i32) -> (i32, i32) {
    %c0_i32 = arith.constant 0 : i32
    %c0_i32_0 = arith.constant 0 : i32
    %c0_i32_1 = arith.constant 0 : i32
    return %c0_i32, %c0_i32_0 : i32, i32
  }
  func.func @transform_9(%arg0: i32) -> i32 {
    %c0_i32 = arith.constant 0 : i32
    %c0_i32_0 = arith.constant 0 : i32
    return %c0_i32 : i32
  }
  func.func @transform_10(%arg0: i32) -> (i32, i32, i32) {
    %c0_i32 = arith.constant 0 : i32
    %c0_i32_0 = arith.constant 0 : i32
    %c0_i32_1 = arith.constant 0 : i32
    return %arg0, %c0_i32, %c0_i32_0 : i32, i32, i32
  }
  func.func @transform_11(%arg0: i32) -> (i32, i32) {
    %c0_i32 = arith.constant 0 : i32
    %c0_i32_0 = arith.constant 0 : i32
    %c0_i32_1 = arith.constant 0 : i32
    return %c0_i32, %c0_i32_0 : i32, i32
  }
}

module attributes {stable_mosaic.version = 14 : i64} {
  func.func @_edge_body(%arg0: i32, %arg1: memref<1024x512xf32, #tpu.memory_space<vmem>>, %arg2: memref<1024x128xf32, #tpu.memory_space<vmem>>, %arg3: memref<1024x128xf32, #tpu.memory_space<vmem>>, %arg4: memref<1x1x1024xf32, #tpu.memory_space<vmem>>, %arg5: memref<1x1x1024xi32, #tpu.memory_space<vmem>>, %arg6: memref<512x256xbf16, #tpu.memory_space<vmem>>, %arg7: memref<64x128xf32, #tpu.memory_space<vmem>>, %arg8: memref<64x128xf32, #tpu.memory_space<vmem>>, %arg9: memref<128x128xf32, #tpu.memory_space<vmem>>, %arg10: memref<128xf32, #tpu.memory_space<vmem>>, %arg11: memref<1x1x1024xf32, #tpu.memory_space<vmem>>, %arg12: memref<1x16xf32, #tpu.memory_space<vmem>>) attributes {dimension_semantics = [#tpu.dimension_semantics<arbitrary>], iteration_bounds = array<i64: 49>, scalar_prefetch = 0 : i64, scratch_operands = 0 : i64, tpu.core_type = #tpu.core_type<tc>, window_params = [{transform_indices = @transform_0, window_bounds = array<i64: 1024, 512>}, {transform_indices = @transform_1, window_bounds = array<i64: 1024, 128>}, {transform_indices = @transform_2, window_bounds = array<i64: 1024, 128>}, {transform_indices = @transform_3, window_bounds = array<i64: 1, 1, 1024>}, {transform_indices = @transform_4, window_bounds = array<i64: 1, 1, 1024>}, {pipeline_mode = #tpu.pipeline_mode<synchronous>, transform_indices = @transform_5, window_bounds = array<i64: 512, 256>}, {pipeline_mode = #tpu.pipeline_mode<synchronous>, transform_indices = @transform_6, window_bounds = array<i64: 64, 128>}, {pipeline_mode = #tpu.pipeline_mode<synchronous>, transform_indices = @transform_7, window_bounds = array<i64: 64, 128>}, {pipeline_mode = #tpu.pipeline_mode<synchronous>, transform_indices = @transform_8, window_bounds = array<i64: 128, 128>}, {pipeline_mode = #tpu.pipeline_mode<synchronous>, transform_indices = @transform_9, window_bounds = array<i64: 128>}, {transform_indices = @transform_10, window_bounds = array<i64: 1, 1, 1024>}, {pipeline_mode = #tpu.pipeline_mode<synchronous>, transform_indices = @transform_11, window_bounds = array<i64: 1, 16>}]} {
    %get3A = arith.constant 0 : index
    %get3A_0 = arith.constant 0 : index
    %get3A_1 = vector.load %arg6[%get3A, %get3A_0] : memref<512x256xbf16, #tpu.memory_space<vmem>>, vector<512x256xbf16>
    %get3A_2 = arith.constant 0 : index
    %get3A_3 = arith.constant 0 : index
    %get3A_4 = vector.load %arg1[%get3A_2, %get3A_3] : memref<1024x512xf32, #tpu.memory_space<vmem>>, vector<1024x512xf32>
    %convert_element_type3A = arith.truncf %get3A_4 : vector<1024x512xf32> to vector<1024x512xbf16>
    %dot_general3A = arith.constant dense<0.000000e+00> : vector<256x1024xf32>
    %dot_general3A_5 = tpu.matmul %get3A_1, %convert_element_type3A, %dot_general3A {dimension_numbers = #tpu.dot_dimension_numbers<[0], [1], [1], [0], [0, 1, 1, 0], [], []>, transpose_lhs_hint = false} : vector<512x256xbf16>, vector<1024x512xbf16>, vector<256x1024xf32> -> vector<256x1024xf32>
    %iota3A = tpu.iota {dimensions = array<i32: 0>} : vector<128x128xi32>
    %iota3A_6 = tpu.iota {dimensions = array<i32: 1>} : vector<128x128xi32>
    %eq3A = arith.cmpi eq, %iota3A, %iota3A_6 : vector<128x128xi32>
    %convert_element_type3A_7 = arith.extui %eq3A : vector<128x128xi1> to vector<128x128xi32>
    %convert_element_type3A_8 = arith.sitofp %convert_element_type3A_7 : vector<128x128xi32> to vector<128x128xf32>
    %get3A_9 = arith.constant 0 : index
    %get3A_10 = arith.constant 0 : index
    %get3A_11 = vector.load %arg2[%get3A_9, %get3A_10] : memref<1024x128xf32, #tpu.memory_space<vmem>>, vector<1024x128xf32>
    %dot_general3A_12 = arith.constant dense<0.000000e+00> : vector<128x1024xf32>
    %dot_general3A_13 = tpu.matmul %convert_element_type3A_8, %get3A_11, %dot_general3A_12 {dimension_numbers = #tpu.dot_dimension_numbers<[0], [1], [1], [0], [0, 1, 1, 0], [], []>, transpose_lhs_hint = false} : vector<128x128xf32>, vector<1024x128xf32>, vector<128x1024xf32> -> vector<128x1024xf32>
    %get3A_14 = arith.constant 0 : index
    %get3A_15 = arith.constant 0 : index
    %get3A_16 = vector.load %arg3[%get3A_14, %get3A_15] : memref<1024x128xf32, #tpu.memory_space<vmem>>, vector<1024x128xf32>
    %dot_general3A_17 = arith.constant dense<0.000000e+00> : vector<128x1024xf32>
    %dot_general3A_18 = tpu.matmul %convert_element_type3A_8, %get3A_16, %dot_general3A_17 {dimension_numbers = #tpu.dot_dimension_numbers<[0], [1], [1], [0], [0, 1, 1, 0], [], []>, transpose_lhs_hint = false} : vector<128x128xf32>, vector<1024x128xf32>, vector<128x1024xf32> -> vector<128x1024xf32>
    %get3A_19 = arith.constant 0 : index
    %get3A_20 = arith.constant 0 : index
    %get3A_21 = arith.constant 0 : index
    %get3A_22 = vector.load %arg5[%get3A_19, %get3A_20, %get3A_21] : memref<1x1x1024xi32, #tpu.memory_space<vmem>>, vector<1x1x1024xi32>
    %reshape3A = vector.shape_cast %get3A_22 : vector<1x1x1024xi32> to vector<1x1024xi32>
    %iota3A_23 = tpu.iota {dimensions = array<i32: 0>} : vector<64x1xi32>
    %eq3A_24 = vector.broadcast %iota3A_23 : vector<64x1xi32> to vector<64x1024xi32>
    %eq3A_25 = vector.broadcast %reshape3A : vector<1x1024xi32> to vector<64x1024xi32>
    %eq3A_26 = arith.cmpi eq, %eq3A_24, %eq3A_25 : vector<64x1024xi32>
    %convert_element_type3A_27 = arith.extui %eq3A_26 : vector<64x1024xi1> to vector<64x1024xi32>
    %convert_element_type3A_28 = arith.sitofp %convert_element_type3A_27 : vector<64x1024xi32> to vector<64x1024xf32>
    %get3A_29 = arith.constant 0 : index
    %get3A_30 = arith.constant 0 : index
    %get3A_31 = vector.load %arg7[%get3A_29, %get3A_30] : memref<64x128xf32, #tpu.memory_space<vmem>>, vector<64x128xf32>
    %dot_general3A_32 = arith.constant dense<0.000000e+00> : vector<128x1024xf32>
    %dot_general3A_33 = tpu.matmul %get3A_31, %convert_element_type3A_28, %dot_general3A_32 {dimension_numbers = #tpu.dot_dimension_numbers<[0], [0], [1], [1], [0, 1, 1, 1], [], []>, transpose_lhs_hint = false} : vector<64x128xf32>, vector<64x1024xf32>, vector<128x1024xf32> -> vector<128x1024xf32>
    %get3A_34 = arith.constant 0 : index
    %get3A_35 = arith.constant 0 : index
    %get3A_36 = vector.load %arg8[%get3A_34, %get3A_35] : memref<64x128xf32, #tpu.memory_space<vmem>>, vector<64x128xf32>
    %dot_general3A_37 = arith.constant dense<0.000000e+00> : vector<128x1024xf32>
    %dot_general3A_38 = tpu.matmul %get3A_36, %convert_element_type3A_28, %dot_general3A_37 {dimension_numbers = #tpu.dot_dimension_numbers<[0], [0], [1], [1], [0, 1, 1, 1], [], []>, transpose_lhs_hint = false} : vector<64x128xf32>, vector<64x1024xf32>, vector<128x1024xf32> -> vector<128x1024xf32>
    %slice3A = vector.extract_strided_slice %dot_general3A_5 {offsets = [0, 0], sizes = [128, 1024], strides = [1, 1]} : vector<256x1024xf32> to vector<128x1024xf32>
    %add3A = arith.addf %dot_general3A_13, %slice3A : vector<128x1024xf32>
    %add3A_39 = arith.addf %add3A, %dot_general3A_33 : vector<128x1024xf32>
    %slice3A_40 = vector.extract_strided_slice %dot_general3A_5 {offsets = [128, 0], sizes = [128, 1024], strides = [1, 1]} : vector<256x1024xf32> to vector<128x1024xf32>
    %add3A_41 = arith.addf %dot_general3A_18, %slice3A_40 : vector<128x1024xf32>
    %add3A_42 = arith.addf %add3A_41, %dot_general3A_38 : vector<128x1024xf32>
    %ge3A = arith.constant 0.000000e+00 : f32
    %ge3A_43 = vector.broadcast %ge3A : f32 to vector<128x1024xf32>
    %ge3A_44 = arith.cmpf oge, %add3A_39, %ge3A_43 : vector<128x1024xf32>
    %mul3A = arith.constant 0.00999999977 : f32
    %mul3A_45 = vector.broadcast %mul3A : f32 to vector<128x1024xf32>
    %mul3A_46 = arith.mulf %mul3A_45, %add3A_39 : vector<128x1024xf32>
    %select_n3A = arith.select %ge3A_44, %add3A_39, %mul3A_46 : vector<128x1024xi1>, vector<128x1024xf32>
    %ge3A_47 = arith.constant 0.000000e+00 : f32
    %ge3A_48 = vector.broadcast %ge3A_47 : f32 to vector<128x1024xf32>
    %ge3A_49 = arith.cmpf oge, %add3A_42, %ge3A_48 : vector<128x1024xf32>
    %mul3A_50 = arith.constant 0.00999999977 : f32
    %mul3A_51 = vector.broadcast %mul3A_50 : f32 to vector<128x1024xf32>
    %mul3A_52 = arith.mulf %mul3A_51, %add3A_42 : vector<128x1024xf32>
    %select_n3A_53 = arith.select %ge3A_49, %add3A_42, %mul3A_52 : vector<128x1024xi1>, vector<128x1024xf32>
    %get3A_54 = arith.constant 0 : index
    %get3A_55 = arith.constant 0 : index
    %get3A_56 = vector.load %arg9[%get3A_54, %get3A_55] : memref<128x128xf32, #tpu.memory_space<vmem>>, vector<128x128xf32>
    %convert_element_type3A_57 = arith.truncf %get3A_56 : vector<128x128xf32> to vector<128x128xbf16>
    %convert_element_type3A_58 = arith.truncf %select_n3A_53 : vector<128x1024xf32> to vector<128x1024xbf16>
    %dot_general3A_59 = arith.constant dense<0.000000e+00> : vector<128x1024xf32>
    %dot_general3A_60 = tpu.matmul %convert_element_type3A_57, %convert_element_type3A_58, %dot_general3A_59 {dimension_numbers = #tpu.dot_dimension_numbers<[0], [0], [1], [1], [0, 1, 1, 1], [], []>, transpose_lhs_hint = false} : vector<128x128xbf16>, vector<128x1024xbf16>, vector<128x1024xf32> -> vector<128x1024xf32>
    %get3A_61 = arith.constant 0 : index
    %get3A_62 = vector.load %arg10[%get3A_61] : memref<128xf32, #tpu.memory_space<vmem>>, vector<128xf32>
    %reshape3A_63 = vector.shape_cast %get3A_62 : vector<128xf32> to vector<128x1xf32>
    %add3A_64 = vector.broadcast %reshape3A_63 : vector<128x1xf32> to vector<128x1024xf32>
    %add3A_65 = arith.addf %dot_general3A_60, %add3A_64 : vector<128x1024xf32>
    %broadcast_in_dim3A = arith.constant 1.000000e+00 : f32
    %broadcast_in_dim3A_66 = vector.broadcast %broadcast_in_dim3A : f32 to vector<1x128xf32>
    %mul3A_67 = arith.mulf %select_n3A, %add3A_65 : vector<128x1024xf32>
    %dot_general3A_68 = arith.constant dense<0.000000e+00> : vector<1x1024xf32>
    %dot_general3A_69 = tpu.matmul %broadcast_in_dim3A_66, %mul3A_67, %dot_general3A_68 {dimension_numbers = #tpu.dot_dimension_numbers<[1], [0], [0], [1], [0, 0, 1, 1], [], []>, transpose_lhs_hint = false} : vector<1x128xf32>, vector<128x1024xf32>, vector<1x1024xf32> -> vector<1x1024xf32>
    %get3A_70 = arith.constant 0 : index
    %get3A_71 = arith.constant 0 : index
    %get3A_72 = arith.constant 0 : index
    %get3A_73 = vector.load %arg4[%get3A_70, %get3A_71, %get3A_72] : memref<1x1x1024xf32, #tpu.memory_space<vmem>>, vector<1x1x1024xf32>
    %reshape3A_74 = vector.shape_cast %get3A_73 : vector<1x1x1024xf32> to vector<1x1024xf32>
    %mul3A_75 = arith.mulf %dot_general3A_69, %reshape3A_74 : vector<1x1024xf32>
    %add3A_76 = arith.constant 49 : i32
    %add3A_77 = arith.addi %arg0, %add3A_76 : i32
    %mul3A_78 = arith.constant 1024 : i32
    %mul3A_79 = arith.muli %add3A_77, %mul3A_78 : i32
    %iota3A_80 = tpu.iota {dimensions = array<i32: 1>} : vector<1x1024xi32>
    %add3A_81 = vector.broadcast %mul3A_79 : i32 to vector<1x1024xi32>
    %add3A_82 = arith.addi %add3A_81, %iota3A_80 : vector<1x1024xi32>
    %lt3A = arith.constant 100000 : i32
    %lt3A_83 = vector.broadcast %lt3A : i32 to vector<1x1024xi32>
    %lt3A_84 = arith.cmpi slt, %add3A_82, %lt3A_83 : vector<1x1024xi32>
    %jit3A = arith.constant 0xFF800000 : f32
    %broadcast_in_dim3A_85 = vector.broadcast %jit3A : f32 to vector<1x1024xf32>
    %select_n3A_86 = arith.select %lt3A_84, %mul3A_75, %broadcast_in_dim3A_85 : vector<1x1024xi1>, vector<1x1024xf32>
    %reshape3A_87 = vector.shape_cast %select_n3A_86 : vector<1x1024xf32> to vector<1x1x1024xf32>
    %swap3A = arith.constant 0 : index
    %swap3A_88 = arith.constant 0 : index
    %swap3A_89 = arith.constant 0 : index
    %swap3A_90 = vector.load %arg11[%swap3A, %swap3A_88, %swap3A_89] : memref<1x1x1024xf32, #tpu.memory_space<vmem>>, vector<1x1x1024xf32>
    tpu.vector_store %arg11[%swap3A, %swap3A_88, %swap3A_89], %reshape3A_87 {strides = array<i32>} : memref<1x1x1024xf32, #tpu.memory_space<vmem>>, vector<1x1x1024xf32>,
    %eq3A_91 = arith.constant 0 : i32
    %eq3A_92 = arith.cmpi eq, %arg0, %eq3A_91 : i32
    %convert_element_type3A_93 = arith.extui %eq3A_92 : i1 to i32
    %cond3A = arith.constant 0 : i32
    %cond3A_94 = arith.cmpi ne, %convert_element_type3A_93, %cond3A : i32
    scf.if %cond3A_94 {
      %broadcast_in_dim3A_106 = arith.constant 0xFF800000 : f32
      %broadcast_in_dim3A_107 = vector.broadcast %broadcast_in_dim3A_106 : f32 to vector<1x16xf32>
      %swap3A_108 = arith.constant 0 : index
      %swap3A_109 = arith.constant 0 : index
      %swap3A_110 = vector.load %arg12[%swap3A_108, %swap3A_109] : memref<1x16xf32, #tpu.memory_space<vmem>>, vector<1x16xf32>
      tpu.vector_store %arg12[%swap3A_108, %swap3A_109], %broadcast_in_dim3A_107 {strides = array<i32>} : memref<1x16xf32, #tpu.memory_space<vmem>>, vector<1x16xf32>,
    } else {
    }
    %get3A_95 = arith.constant 0 : index
    %get3A_96 = arith.constant 0 : index
    %get3A_97 = vector.load %arg12[%get3A_95, %get3A_96] : memref<1x16xf32, #tpu.memory_space<vmem>>, vector<1x16xf32>
    %reduce_max3A = vector.shape_cast %select_n3A_86 : vector<1x1024xf32> to vector<1x1x1024xf32>
    %reduce_max3A_98 = arith.constant dense<0xFF800000> : vector<1xf32>
    %reduce_max3A_99 = vector.multi_reduction <maximumf>, %reduce_max3A, %reduce_max3A_98 [1, 2] : vector<1x1x1024xf32> to vector<1xf32>
    %reduce_max3A_100 = vector.shape_cast %reduce_max3A_99 : vector<1xf32> to vector<1x1x1xf32>
    %reduce_max3A_101 = vector.extract %reduce_max3A_100[0, 0, 0] : f32 from vector<1x1x1xf32>
    %max3A = vector.broadcast %reduce_max3A_101 : f32 to vector<1x16xf32>
    %max3A_102 = arith.maximumf %get3A_97, %max3A : vector<1x16xf32>
    %swap3A_103 = arith.constant 0 : index
    %swap3A_104 = arith.constant 0 : index
    %swap3A_105 = vector.load %arg12[%swap3A_103, %swap3A_104] : memref<1x16xf32, #tpu.memory_space<vmem>>, vector<1x16xf32>
    tpu.vector_store %arg12[%swap3A_103, %swap3A_104], %max3A_102 {strides = array<i32>} : memref<1x16xf32, #tpu.memory_space<vmem>>, vector<1x16xf32>,
    return
  }
  func.func @transform_0(%arg0: i32) -> (i32, i32) {
    %add3A = arith.constant 49 : i32
    %add3A_0 = arith.addi %arg0, %add3A : i32
    %c0_i32 = arith.constant 0 : i32
    %c0_i32_1 = arith.constant 0 : i32
    return %add3A_0, %c0_i32 : i32, i32
  }
  func.func @transform_1(%arg0: i32) -> (i32, i32) {
    %c0_i32 = arith.constant 0 : i32
    %c0_i32_0 = arith.constant 0 : i32
    return %arg0, %c0_i32 : i32, i32
  }
  func.func @transform_2(%arg0: i32) -> (i32, i32) {
    %c0_i32 = arith.constant 0 : i32
    %c0_i32_0 = arith.constant 0 : i32
    return %arg0, %c0_i32 : i32, i32
  }
  func.func @transform_3(%arg0: i32) -> (i32, i32, i32) {
    %add3A = arith.constant 49 : i32
    %add3A_0 = arith.addi %arg0, %add3A : i32
    %c0_i32 = arith.constant 0 : i32
    %c0_i32_1 = arith.constant 0 : i32
    %c0_i32_2 = arith.constant 0 : i32
    return %add3A_0, %c0_i32, %c0_i32_1 : i32, i32, i32
  }
  func.func @transform_4(%arg0: i32) -> (i32, i32, i32) {
    %add3A = arith.constant 49 : i32
    %add3A_0 = arith.addi %arg0, %add3A : i32
    %c0_i32 = arith.constant 0 : i32
    %c0_i32_1 = arith.constant 0 : i32
    %c0_i32_2 = arith.constant 0 : i32
    return %add3A_0, %c0_i32, %c0_i32_1 : i32, i32, i32
  }
  func.func @transform_5(%arg0: i32) -> (i32, i32) {
    %c0_i32 = arith.constant 0 : i32
    %c0_i32_0 = arith.constant 0 : i32
    %c0_i32_1 = arith.constant 0 : i32
    return %c0_i32, %c0_i32_0 : i32, i32
  }
  func.func @transform_6(%arg0: i32) -> (i32, i32) {
    %c0_i32 = arith.constant 0 : i32
    %c0_i32_0 = arith.constant 0 : i32
    %c0_i32_1 = arith.constant 0 : i32
    return %c0_i32, %c0_i32_0 : i32, i32
  }
  func.func @transform_7(%arg0: i32) -> (i32, i32) {
    %c0_i32 = arith.constant 0 : i32
    %c0_i32_0 = arith.constant 0 : i32
    %c0_i32_1 = arith.constant 0 : i32
    return %c0_i32, %c0_i32_0 : i32, i32
  }
  func.func @transform_8(%arg0: i32) -> (i32, i32) {
    %c0_i32 = arith.constant 0 : i32
    %c0_i32_0 = arith.constant 0 : i32
    %c0_i32_1 = arith.constant 0 : i32
    return %c0_i32, %c0_i32_0 : i32, i32
  }
  func.func @transform_9(%arg0: i32) -> i32 {
    %c0_i32 = arith.constant 0 : i32
    %c0_i32_0 = arith.constant 0 : i32
    return %c0_i32 : i32
  }
  func.func @transform_10(%arg0: i32) -> (i32, i32, i32) {
    %c0_i32 = arith.constant 0 : i32
    %c0_i32_0 = arith.constant 0 : i32
    %c0_i32_1 = arith.constant 0 : i32
    return %arg0, %c0_i32, %c0_i32_0 : i32, i32, i32
  }
  func.func @transform_11(%arg0: i32) -> (i32, i32) {
    %c0_i32 = arith.constant 0 : i32
    %c0_i32_0 = arith.constant 0 : i32
    %c0_i32_1 = arith.constant 0 : i32
    return %c0_i32, %c0_i32_0 : i32, i32
  }
}

module attributes {stable_mosaic.version = 14 : i64} {
  func.func @_merge_body(%arg0: memref<32x25088xf32, #tpu.memory_space<vmem>>, %arg1: memref<25088xf32, #tpu.memory_space<vmem>>) attributes {dimension_semantics = [], scalar_prefetch = 0 : i64, scratch_operands = 0 : i64, tpu.core_type = #tpu.core_type<tc>} {
    %get3A = arith.constant 0 : index
    %get3A_0 = arith.constant 0 : index
    %get3A_1 = vector.load %arg0[%get3A, %get3A_0] : memref<32x25088xf32, #tpu.memory_space<vmem>>, vector<32x25088xf32>
    %reduce_sum3A = arith.constant dense<0.000000e+00> : vector<25088xf32>
    %reduce_sum3A_2 = vector.multi_reduction <add>, %get3A_1, %reduce_sum3A [0] : vector<32x25088xf32> to vector<25088xf32>
    %swap3A = arith.constant 0 : index
    %swap3A_3 = vector.load %arg1[%swap3A] : memref<25088xf32, #tpu.memory_space<vmem>>, vector<25088xf32>
    tpu.vector_store %arg1[%swap3A], %reduce_sum3A_2 {strides = array<i32>} : memref<25088xf32, #tpu.memory_space<vmem>>, vector<25088xf32>,
    return
  }
}

module attributes {stable_mosaic.version = 14 : i64} {
  func.func @_merge_body(%arg0: memref<32x25088xf32, #tpu.memory_space<vmem>>, %arg1: memref<25088xf32, #tpu.memory_space<vmem>>) attributes {dimension_semantics = [], scalar_prefetch = 0 : i64, scratch_operands = 0 : i64, tpu.core_type = #tpu.core_type<tc>} {
    %get3A = arith.constant 0 : index
    %get3A_0 = arith.constant 0 : index
    %get3A_1 = vector.load %arg0[%get3A, %get3A_0] : memref<32x25088xf32, #tpu.memory_space<vmem>>, vector<32x25088xf32>
    %reduce_sum3A = arith.constant dense<0.000000e+00> : vector<25088xf32>
    %reduce_sum3A_2 = vector.multi_reduction <add>, %get3A_1, %reduce_sum3A [0] : vector<32x25088xf32> to vector<25088xf32>
    %swap3A = arith.constant 0 : index
    %swap3A_3 = vector.load %arg1[%swap3A] : memref<25088xf32, #tpu.memory_space<vmem>>, vector<25088xf32>
    tpu.vector_store %arg1[%swap3A], %reduce_sum3A_2 {strides = array<i32>} : memref<25088xf32, #tpu.memory_space<vmem>>, vector<25088xf32>,
    return
  }
}

</mosaic_0001>

<sc_bundles>
// kernel: kernel.13.cloned.1.call-start
scs
__scs_entry_jumppad:
0x0: {  	(pc) =	sbr.rel $0x88, $3  }
0x1: {  	(tag) =	ssettag $0x0;
	lr =	simm.s32 $0x1  }
0x2: {  	[smem:$0x3F8E] =	sst lr;
	_ =	strace $0xD0000000  }
0x3: {  	_ = 	snop  }
0x4: {  	_ = 	snop  }
0x5: {  	_ = 	snop  }
0x6: {  	_ = 	snop  }
0x7: {  	_ = 	snop  }
__scs_overlays_trampoline_lowered:
0x8: {  	[smem:$0x3F9D] =	sst s0  }
0x9: {  	[smem:$0x3F9E] =	sst s1  }
0xa: {  	[smem:$0x3F9F] =	sst s2  }
0xb: {  	[smem:$0x3FA0] =	sst s3  }
0xc: {  	[smem:$0x3FA1] =	sst s4  }
0xd: {  	[smem:$0x3FA2] =	sst s5  }
0xe: {  	[smem:$0x3FA3] =	sst s6  }
0xf: {  	[smem:$0x3FA4] =	sst s7  }
0x10: {  	[smem:$0x3FA5] =	sst s8  }
0x11: {  	[smem:$0x3FA6] =	sst s9;
	s0 =	simm.s32 @!p0 $0x0  }
0x12: {  	s1 =	sld [smem:$0x3F8C];
	s0 =	simm.s32 @p0 $0x1  }
0x13: {  	[smem:$0x3FA7] =	sst s0;
	s0 =	simm.s32 @!p1 $0x0  }
0x14: {  	s2 =	sld [smem:$0x3F8B];
	s0 =	simm.s32 @p1 $0x1  }
0x15: {  	[smem:$0x3FA8] =	sst s0;
	s0 =	simm.s32 @!p2 $0x0  }
0x16: {  	s3 =	sld [smem:$0x3FDB];
	s0 =	simm.s32 @p2 $0x1  }
0x17: {  	s4 =	simm.s32 $0x1BF5;
	[smem:$0x3FAA] =	sst s0  }
0x18: {  	s0 =	sld [smem:$0x3F8D];
	_ =	swait.ge [sflag:s4], $0x0  }
0x19: {  	s7 =	sld [smem:$0x3F8E]  }
0x1a: {  	s8 =	sadd.s32 $0xFFFFE003, lr  }
0x1b: {  	s9 =	sadd.s32 $0xFFFFFEF7, lr;
	s5 =	simm.s32 $0xFFFFFFFF;
	p2 =	slt.u32 s8, $0xFFFFF086  }
0x1c: {  	p1 =	slt.u32 s9, $0xF7A;
	s5 =	simm.s32 @!p2 $0x0  }
0x1d: {  	s5 =	simm.s32 @p1 $0x1;
	p0 =	seq.s32 s7, s2  }
0x1e: {  	s7 =	smul.u32 @!p0 $0xF7A, s2;
	p2 =	seq.s32 @!p0 s5, $0x0  }
0x1f: {  	s9 =	smul.u32 $0xF7A, s1;
	s8 =	simm.s32 @!p0 $0x1BF5;
	p2 =	por !p2, p0  }
0x20: {  	[sflag:s8] =	ssyncset.s32 @!p0 $0xFFFFF086;
	s6 =	sadd.s32 @!p0 s3, s7;
	s7 =	simm.s32 @!p0 $0x108  }
0x21: {  	s3 =	sadd.s32 s3, s9;
	s6 =	sadd.s32 @!p0 $0x88, s6;
	s7 =	simm.s32 @p2 $0x1082  }
0x22: {  	[simem:s7], [sflag:s8] =	dma.local @!p0 [hbm:s6], $0xF7A  }
0x23: {  	s9 =	sor.u32 $0xD0000000, s2;
	s6 =	simm.s32 $0x108;
	_ =	swait.ge @!p0 [sflag:s8], $0x0  }
0x24: {  	s3 =	sadd.s32 $0x88, s3;
	s6 =	simm.s32 @!p1 $0x1082;
	[sflag:s4] =	ssyncset.s32 $0xFFFFF086  }
0x25: {  	[simem:s6], [sflag:s4] =	dma.local [hbm:s3], $0xF7A  }
0x26: {  	[smem:$0x3F8E] =	sst s1;
	(tag) =	ssettag s2;
	_ =	strace s9  }
0x27: {  	s1 =	sld [smem:$0x3F9E]  }
0x28: {  	s2 =	sld [smem:$0x3F9F]  }
0x29: {  	s4 =	sld [smem:$0x3FA1]  }
0x2a: {  	p0 =	seq.s32 s5, $0x0;
	s5 =	sld [smem:$0x3FA2]  }
0x2b: {  	s6 =	sld [smem:$0x3FA3]  }
0x2c: {  	s7 =	sld [smem:$0x3FA4]  }
0x2d: {  	s3 =	simm.s32 $0x108;
	s8 =	sld [smem:$0x3FA5]  }
0x2e: {  	s3 =	simm.s32 @!p0 $0x1082;
	s9 =	sld [smem:$0x3FA6]  }
0x2f: {  	lr =	sadd.s32 s0, s3;
	s0 =	sld [smem:$0x3F9D]  }
0x30: {  	s3 =	sld [smem:$0x3FA0]  }
0x31: {  	[smem:$0x3FA9] =	sst s10  }
0x32: {  	s10 =	sld [smem:$0x3FA7];
	_ =	sdelay $0x3  }
0x33: {  	p0 =	seq.s32 s10, $0x1;
	s10 =	sld [smem:$0x3FA9];
	_ =	sdelay $0x3  }
0x34: {  	[smem:$0x3FA9] =	sst s10  }
0x35: {  	s10 =	sld [smem:$0x3FA8];
	_ =	sdelay $0x3  }
0x36: {  	p1 =	seq.s32 s10, $0x1;
	s10 =	sld [smem:$0x3FA9];
	_ =	sdelay $0x3  }
0x37: {  	[smem:$0x3FA9] =	sst s10  }
0x38: {  	s10 =	sld [smem:$0x3FAA]  }
0x39: {  	_ = 	snop;
	(pc) =	sbr.ind lr, $3  }
0x3a: {  	_ = 	snop  }
0x3b: {  	_ = 	snop  }
0x3c: {  	p2 =	seq.s32 s10, $0x1;
	s10 =	sld [smem:$0x3FA9]  }
0x3d: {  	_ =	shalt  }
0x3e: {  	_ =	shalt  }
0x3f: {  	_ =	shalt  }
0x40: {  	_ =	shalt  }
0x41: {  	_ =	shalt  }
0x42: {  	_ =	shalt  }
0x43: {  	_ =	shalt  }
0x44: {  	_ =	shalt  }
0x45: {  	_ =	shalt  }
0x46: {  	_ =	shalt  }
0x47: {  	_ =	shalt  }
0x48: {  	_ =	shalt  }
0x49: {  	_ =	shalt  }
0x4a: {  	_ =	shalt  }
0x4b: {  	_ =	shalt  }
0x4c: {  	_ =	shalt  }
0x4d: {  	_ =	shalt  }
0x4e: {  	_ =	shalt  }
0x4f: {  	_ =	shalt  }
0x50: {  	_ =	shalt  }
0x51: {  	_ =	shalt  }
0x52: {  	_ =	shalt  }
0x53: {  	_ =	shalt  }
0x54: {  	_ =	shalt  }
0x55: {  	_ =	shalt  }
0x56: {  	_ =	shalt  }
0x57: {  	_ =	shalt  }
0x58: {  	_ =	shalt  }
0x59: {  	_ =	shalt  }
0x5a: {  	_ =	shalt  }
0x5b: {  	_ =	shalt  }
0x5c: {  	_ =	shalt  }
0x5d: {  	_ =	shalt  }
0x5e: {  	_ =	shalt  }
0x5f: {  	_ =	shalt  }
0x60: {  	_ =	shalt  }
0x61: {  	_ =	shalt  }
0x62: {  	_ =	shalt  }
0x63: {  	_ =	shalt  }
0x64: {  	_ =	shalt  }
0x65: {  	_ =	shalt  }
0x66: {  	_ =	shalt  }
0x67: {  	_ =	shalt  }
0x68: {  	_ =	shalt  }
0x69: {  	_ =	shalt  }
0x6a: {  	_ =	shalt  }
0x6b: {  	_ =	shalt  }
0x6c: {  	_ =	shalt  }
0x6d: {  	_ =	shalt  }
0x6e: {  	_ =	shalt  }
0x6f: {  	_ =	shalt  }
0x70: {  	_ =	shalt  }
0x71: {  	_ =	shalt  }
0x72: {  	_ =	shalt  }
0x73: {  	_ =	shalt  }
0x74: {  	_ =	shalt  }
0x75: {  	_ =	shalt  }
0x76: {  	_ =	shalt  }
0x77: {  	_ =	shalt  }
0x78: {  	_ =	shalt  }
0x79: {  	_ =	shalt  }
0x7a: {  	_ =	shalt  }
0x7b: {  	_ =	shalt  }
0x7c: {  	_ =	shalt  }
0x7d: {  	_ =	shalt  }
0x7e: {  	_ =	shalt  }
0x7f: {  	_ =	shalt  }
0x80: {  	_ =	shalt  }
0x81: {  	_ =	shalt  }
0x82: {  	_ =	shalt  }
0x83: {  	_ =	shalt  }
0x84: {  	_ =	shalt  }
0x85: {  	_ =	shalt  }
0x86: {  	_ =	shalt  }
0x87: {  	_ =	shalt  }
.Lfunc_end0:
.L_simem_size_0:
called_computation_lowered:
.L_overlay_start_0:
0x88: {  	s2 =	sld [smem:$0x3FD9]  }
0x89: {  	s3 =	sld [smem:$0x3FFE];
	_ =	sdelay $0x1  }
0x8a: {  	s1 =	srdreg.scid  }
0x8b: {  	s0 =	sand.u32 $0x1, s1  }
0x8c: {  	s16 =	sshll.u32 s0, $0xA;
	s2 =	sadd.s32 s3, s2  }
0x8d: {  	s2 =	sadd.s32 s2, s16  }
0x8e: {  	[smem:$0x3FB5] =	sst s2  }
0x8f: {  	_ = 	snop  }
0x90: {  	(tm) =	ssettm $0x1  }
0x91: {  	s17 =	sld [smem:$0x3FFB];
	_ =	sdelay $0x3  }
0x92: {  	_ =	strace s17  }
0x93: {  	s2 =	sld [smem:$0x3FFC];
	_ =	sdelay $0x3  }
0x94: {  	_ =	strace s2  }
0x95: {  	s2 =	sld [smem:$0x3FFD];
	_ =	sdelay $0x3  }
0x96: {  	_ =	strace s2  }
0x97: {  	_ =	strace $0x8FFFFFFF  }
0x98: {  	s18 =	sld [smem:$0x3FDB];
	_ =	sdelay $0x1  }
0x99: {  	s19 =	simm.s32 $_scs_section_size  }
0x9a: {  	s4 =	simm.s32 $_size__tile_overlayer_lowered;
	s5 =	simm.s32 $_tile_overlayer_lowered  }
0x9b: {  	s22 =	simm.s32 $0x1BFF;
	s21 =	sshll.u32 s5, $0x1;
	s2 =	sadd.s32 s19, s18  }
0x9c: {  	s6 =	simm.s32 $0x0;
	s20 =	sshll.u32 s4, $0x1;
	s4 =	sadd.s32 s21, s2  }
0x9d: {  	[timem:s6], [sflag:s22] =	dma.local [hbm:s4], s20  }
0x9e: {  	_ =	swait.ge [sflag:s22], s20  }
0x9f: {  	s3 =	ssub.s32 $0x0, s20;
	[sflag:s22] =	ssyncset.done $0x0  }
0xa0: {  	[sflag:s22] =	ssyncadd.s32 s3;
	_ =	sdelay $0x1  }
0xa1: {  	s23 =	simm.s32 $0x1B8B  }
0xa2: {  	_ =	swait.ge [sflag:s23], $0x1  }
0xa3: {  	[sflag:s23] =	ssyncset.done $0x0  }
0xa4: {  	s25 =	simm.s32 $0x1B8E;
	s24 =	sld [smem:$0x3FFE];
	[sflag:s23] =	ssyncadd.s32 $0xFFFFFFFF  }
0xa5: {  	s26 =	simm.s32 $execute0_lowered;
	[smem:$0x3FD2] =	sst s25  }
0xa6: {  	s4 =	sshll.u32 s26, $0x1;
	_ =	strace $0x80000046;
	[dreg:$0x1] =	wrdreg $0xFFFFFFFF  }
0xa7: {  	s28 =	simm.s32 $_size_execute0_lowered;
	s2 =	sadd.s32 s2, s4;
	[dreg:$0x0] =	wrdreg $0x0  }
0xa8: {  	s4 =	sshll.u32 s28, $0x1;
	[dreg:$0x2] =	wrdreg s2  }
0xa9: {  	[dreg:$0x3] =	wrdreg s4  }
0xaa: {  	[dreg:$0x4] =	wrdreg $0xC0  }
0xab: {  	_ =	task [dreg:s6], $0x5FFFF  }
0xac: {  	[dreg:$0x1] =	wrdreg $0xFFFFFFFF  }
0xad: {  	[dreg:$0x0] =	wrdreg $0x60  }
0xae: {  	[dreg:$0x2] =	wrdreg s24  }
0xaf: {  	[dreg:$0x3] =	wrdreg $0x9  }
0xb0: {  	_ =	task.clear_ibuf [dreg:s6], $0x4FFFF;
	_ =	strace $0x90000046  }
0xb1: {  	s29 =	simm.s32 $0x9;
	_ =	strace $0x80000048  }
0xb2: {  	_ =	swait.ge [sflag:s29], $0x1  }
0xb3: {  	[sflag:s29] =	ssyncadd.s32 $0xFFFFFFFF  }
0xb4: {  	_ =	strace $0x90000048  }
0xb5: {  	_ =	sfence  }
0xb6: {  	s30 =	sld [smem:$0x0];
	_ =	sdelay $0x2  }
0xb7: {  	s31 =	sshll.u32 s1, $0xD;
	s1 =	sshrl.u32 s1, $0x2  }
0xb8: {  	s3 =	sand.u32 $0x4000, s31;
	s1 =	sadd.s32 s1, s30  }
0xb9: {  	s0 =	sor.u32 s3, s0;
	s1 =	sshll.u32 s1, $0x11  }
0xba: {  	s0 =	sor.u32 s1, s0  }
0xbb: {  	s0 =	sadd.s32 $0x8F2B, s0  }
0xbc: {  	[sflag:s0] =	ssyncadd.remote.s32 $0x1  }
0xbd: {  	_ =	sfence.sel $0xFFFF  }
0xbe: {  	[dreg:$0x0] =	wrdreg $0xFFFFFFFF;
	(pc) =	sbr.abs _section_cstart, $3  }
0xbf: {  	[dreg:$0x1] =	wrdreg $0xFFFFFFFF  }
0xc0: {  	_ =	task.clear_ibuf [dreg:s6], $0x2FFFF;
	_ =	strace $0x9FFFFFFF  }
0xc1: {  	(tm) =	ssettm $0x7FFFFFFF  }
tec
execute0_lowered:
.L_overlay_start_1:
0x0: {  	(tag) =	ssettag $0x1  }
0x1: {  	s1 =	srdreg.scid;
	s0 =	stileid.u32  }
0x2: {  	s25 =	sand.u32 $0x1, s1;
	s30 =	sshll.u32 s0, $0x1  }
0x3: {  	s12 =	sor.u32 s25, s30  }
0x4: {  	s3 =	smul.u32 $0xC4, s12  }
0x5: {  	s21 =	rddreg [dreg:$0x0];
	s2 =	simm.s32 $0x0  }
0x6: {  	s4 =	simm.s32 $0x5;
	[smem:$0x7FF] =	sst s2;
	s19 =	sadd.s32 s3, s21  }
0x7: {  	s1 =	rddreg [dreg:$0x1];
	_ =	strace $0x80000047;
	s3 =	sadd.s32 $0x13FC00, s19  }
0x8: {  	[tilespmem:s2], [sflag:$0x5] =	stream.linear.gather [hbm4b:s3+s2], $0x620, $0x38;
	[tilespmem:$0x18E80] =	vst v63  }
0x9: {  	_ =	swait.ge [sflag:s4], $0x620  }
0xa: {  	s6 =	simm.s32 $0x188;
	[sflag:s4] =	ssyncset.done $0x0  }
0xb: {  	s7 =	simm.s32 $0x680;
	s5 =	sadd.s32 $0xA1E00, s21;
	[sflag:s4] =	ssyncadd.s32 $0xFFFFF9E0  }
0xc: {  	[tilespmem:s7], [sflag:$0x1] =	stream.indirect.gather [hbm4b:s5+s6], $0x80, s2, s6, $0xb8;
	[tilespmem:$0x18E80] =	vst v63  }
0xd: {  	s8 =	simm.s32 $0xCA80;
	s9 =	simm.s32 $0x1  }
0xe: {  	[tilespmem:s8], [sflag:$0x2] =	stream.indirect.gather [hbm4b:s5+s6], $0x80, s6, s6, $0xb8;
	[tilespmem:$0x18E80] =	vst v63  }
0xf: {  	s22 =	smul.u32 $0x6200, s12;
	_ =	swait.ge [sflag:s9], $0xC400  }
0x10: {  	s18 =	sadd.s32 $0x144A00, s21;
	[sflag:s9] =	ssyncset.done $0x0  }
0x11: {  	s11 =	simm.s32 $0x3;
	s10 =	sadd.s32 s18, s22;
	[sflag:s9] =	ssyncadd.s32 $0xFFFF3C00  }
0x12: {  	[hbm4b:s10+s2] =	stream.linear.scatter [tilespmem:s7], [sflag:$0x3], $0xC400, $0x38;
	[tilespmem:$0x18E80] =	vst v63  }
0x13: {  	_ =	swait.ge [sflag:s11], $0xC400  }
0x14: {  	s13 =	simm.s32 $0x2;
	[sflag:s11] =	ssyncset.done $0x0  }
0x15: {  	s14 =	smul.u32 $0x31000, s12;
	s12 =	simm.s32 $0x310;
	[sflag:s11] =	ssyncadd.s32 $0xFFFF3C00  }
0x16: {  	[tilespmem:s7], [sflag:$0x1] =	stream.indirect.gather [hbm4b:s5+s6], $0x80, s12, s6, $0xb8;
	[tilespmem:$0x18E80] =	vst v63  }
0x17: {  	s20 =	sshrl.u32 s14, $0x3;
	_ =	swait.ge [sflag:s13], $0xC400  }
0x18: {  	s23 =	sadd.s32 $0x1880, s20;
	[sflag:s13] =	ssyncset.done $0x0  }
0x19: {  	s14 =	simm.s32 $0x4;
	s15 =	sadd.s32 s18, s23;
	[sflag:s13] =	ssyncadd.s32 $0xFFFF3C00  }
0x1a: {  	[hbm4b:s15+s2] =	stream.linear.scatter [tilespmem:s8], [sflag:$0x4], $0xC400, $0x38;
	[tilespmem:$0x18E80] =	vst v63  }
0x1b: {  	_ =	swait.ge [sflag:s14], $0xC400  }
0x1c: {  	[sflag:s14] =	ssyncset.done $0x0  }
0x1d: {  	s16 =	simm.s32 $0x498;
	[sflag:s14] =	ssyncadd.s32 $0xFFFF3C00  }
0x1e: {  	[tilespmem:s8], [sflag:$0x2] =	stream.indirect.gather [hbm4b:s5+s6], $0x80, s16, s6, $0xb8;
	[tilespmem:$0x18E80] =	vst v63  }
0x1f: {  	_ =	swait.ge [sflag:s9], $0xC400  }
0x20: {  	s24 =	sadd.s32 $0x3100, s20;
	[sflag:s9] =	ssyncset.done $0x0  }
0x21: {  	s17 =	sadd.s32 s18, s24;
	[sflag:s9] =	ssyncadd.s32 $0xFFFF3C00  }
0x22: {  	[hbm4b:s17+s2] =	stream.linear.scatter [tilespmem:s7], [sflag:$0x3], $0xC400, $0x38;
	[tilespmem:$0x18E80] =	vst v63  }
0x23: {  	_ =	swait.ge [sflag:s13], $0xC400  }
0x24: {  	s26 =	sadd.s32 $0x4980, s20;
	[sflag:s13] =	ssyncset.done $0x0  }
0x25: {  	s18 =	sadd.s32 s18, s26;
	[sflag:s13] =	ssyncadd.s32 $0xFFFF3C00  }
0x26: {  	[hbm4b:s18+s2] =	stream.linear.scatter [tilespmem:s8], [sflag:$0x4], $0xC400, $0x38;
	[tilespmem:$0x18E80] =	vst v63  }
0x27: {  	_ =	swait.ge [sflag:s11], $0xC400  }
0x28: {  	[sflag:s11] =	ssyncset.done $0x0  }
0x29: {  	[sflag:s11] =	ssyncadd.s32 $0xFFFF3C00  }
0x2a: {  	_ =	swait.ge [sflag:s14], $0xC400  }
0x2b: {  	[sflag:s14] =	ssyncset.done $0x0  }
0x2c: {  	s19 =	sadd.s32 $0x13E200, s19;
	[sflag:s14] =	ssyncadd.s32 $0xFFFF3C00  }
0x2d: {  	[tilespmem:s2], [sflag:$0x5] =	stream.linear.gather [hbm4b:s19+s2], $0x620, $0x38;
	[tilespmem:$0x18E80] =	vst v63  }
0x2e: {  	_ =	swait.ge [sflag:s4], $0x620  }
0x2f: {  	[sflag:s4] =	ssyncset.done $0x0  }
0x30: {  	s20 =	sadd.s32 $0x5A00, s21;
	[sflag:s4] =	ssyncadd.s32 $0xFFFFF9E0  }
0x31: {  	[tilespmem:s7], [sflag:$0x1] =	stream.indirect.gather [hbm4b:s20+s6], $0x80, s2, s6, $0xb8;
	[tilespmem:$0x18E80] =	vst v63  }
0x32: {  	_ = 	snop  }
0x33: {  	[tilespmem:s8], [sflag:$0x2] =	stream.indirect.gather [hbm4b:s20+s6], $0x80, s6, s6, $0xb8;
	[tilespmem:$0x18E80] =	vst v63  }
0x34: {  	_ =	swait.ge [sflag:s9], $0xC400  }
0x35: {  	s28 =	sadd.s32 $0x208A00, s21;
	[sflag:s9] =	ssyncset.done $0x0  }
0x36: {  	s21 =	sadd.s32 s28, s22;
	[sflag:s9] =	ssyncadd.s32 $0xFFFF3C00  }
0x37: {  	[hbm4b:s21+s2] =	stream.linear.scatter [tilespmem:s7], [sflag:$0x3], $0xC400, $0x38;
	[tilespmem:$0x18E80] =	vst v63  }
0x38: {  	_ =	swait.ge [sflag:s11], $0xC400  }
0x39: {  	[sflag:s11] =	ssyncset.done $0x0  }
0x3a: {  	[sflag:s11] =	ssyncadd.s32 $0xFFFF3C00  }
0x3b: {  	[tilespmem:s7], [sflag:$0x1] =	stream.indirect.gather [hbm4b:s20+s6], $0x80, s12, s6, $0xb8;
	[tilespmem:$0x18E80] =	vst v63  }
0x3c: {  	_ =	swait.ge [sflag:s13], $0xC400  }
0x3d: {  	[sflag:s13] =	ssyncset.done $0x0  }
0x3e: {  	s22 =	sadd.s32 s28, s23;
	[sflag:s13] =	ssyncadd.s32 $0xFFFF3C00  }
0x3f: {  	[hbm4b:s22+s2] =	stream.linear.scatter [tilespmem:s8], [sflag:$0x4], $0xC400, $0x38;
	[tilespmem:$0x18E80] =	vst v63  }
0x40: {  	_ =	swait.ge [sflag:s14], $0xC400  }
0x41: {  	[sflag:s14] =	ssyncset.done $0x0  }
0x42: {  	[sflag:s14] =	ssyncadd.s32 $0xFFFF3C00  }
0x43: {  	[tilespmem:s8], [sflag:$0x2] =	stream.indirect.gather [hbm4b:s20+s6], $0x80, s16, s6, $0xb8;
	[tilespmem:$0x18E80] =	vst v63  }
0x44: {  	_ =	swait.ge [sflag:s9], $0xC400  }
0x45: {  	s25 =	ssub.s32 $0x2, s25;
	[sflag:s9] =	ssyncset.done $0x0  }
0x46: {  	s31 =	sshrl.u32 s25, $0x1;
	s23 =	sadd.s32 s28, s24;
	[sflag:s9] =	ssyncadd.s32 $0xFFFF3C00  }
0x47: {  	[hbm4b:s23+s2] =	stream.linear.scatter [tilespmem:s7], [sflag:$0x3], $0xC400, $0x38;
	[tilespmem:$0x18E80] =	vst v63  }
0x48: {  	s25 =	ssub.s32 s25, s31;
	_ =	swait.ge [sflag:s13], $0xC400  }
0x49: {  	s25 =	smax.u32 s25, $0x1;
	[sflag:s13] =	ssyncset.done $0x0  }
0x4a: {  	p0 =	sne.s32 s25, $0x1;
	s24 =	sadd.s32 s28, s26;
	[sflag:s13] =	ssyncadd.s32 $0xFFFF3C00  }
0x4b: {  	[hbm4b:s24+s2] =	stream.linear.scatter [tilespmem:s8], [sflag:$0x4], $0xC400, $0x38;
	[tilespmem:$0x18E80] =	vst v63  }
.Ltmp0:
0x4c: {  	_ =	swait.ge [sflag:s11], $0xC400;
	(pc) =	sbr.rel @!p0 .LBB2_2-.Ltmp0, $4  }
0x4d: {  	[sflag:s11] =	ssyncset.done $0x0  }
0x4e: {  	[sflag:s11] =	ssyncadd.s32 $0xFFFF3C00  }
0x4f: {  	_ =	swait.ge [sflag:s14], $0xC400  }
0x50: {  	s25 =	sadd.s32 $0xFFFFFFFF, s25;
	[sflag:s14] =	ssyncset.done $0x0  }
.LBB2_1:
0x51: {  	p0 =	sne.s32 s25, $0x1;
	s25 =	sadd.s32 $0xFFFFFFFF, s25;
	[sflag:s14] =	ssyncadd.s32 $0xFFFF3C00  }
0x52: {  	[tilespmem:s2], [sflag:$0x5] =	stream.linear.gather [hbm4b:s3+s2], $0x620, $0x38;
	[tilespmem:$0x18E80] =	vst v63  }
0x53: {  	_ =	swait.ge [sflag:s4], $0x620  }
0x54: {  	[sflag:s4] =	ssyncset.done $0x0  }
0x55: {  	[sflag:s4] =	ssyncadd.s32 $0xFFFFF9E0  }
0x56: {  	[tilespmem:s7], [sflag:$0x1] =	stream.indirect.gather [hbm4b:s5+s6], $0x80, s2, s6, $0xb8;
	[tilespmem:$0x18E80] =	vst v63  }
0x57: {  	_ = 	snop  }
0x58: {  	[tilespmem:s8], [sflag:$0x2] =	stream.indirect.gather [hbm4b:s5+s6], $0x80, s6, s6, $0xb8;
	[tilespmem:$0x18E80] =	vst v63  }
0x59: {  	_ =	swait.ge [sflag:s9], $0xC400  }
0x5a: {  	[sflag:s9] =	ssyncset.done $0x0  }
0x5b: {  	[sflag:s9] =	ssyncadd.s32 $0xFFFF3C00  }
0x5c: {  	[hbm4b:s10+s2] =	stream.linear.scatter [tilespmem:s7], [sflag:$0x3], $0xC400, $0x38;
	[tilespmem:$0x18E80] =	vst v63  }
0x5d: {  	_ =	swait.ge [sflag:s11], $0xC400  }
0x5e: {  	[sflag:s11] =	ssyncset.done $0x0  }
0x5f: {  	[sflag:s11] =	ssyncadd.s32 $0xFFFF3C00  }
0x60: {  	[tilespmem:s7], [sflag:$0x1] =	stream.indirect.gather [hbm4b:s5+s6], $0x80, s12, s6, $0xb8;
	[tilespmem:$0x18E80] =	vst v63  }
0x61: {  	_ =	swait.ge [sflag:s13], $0xC400  }
0x62: {  	[sflag:s13] =	ssyncset.done $0x0  }
0x63: {  	[sflag:s13] =	ssyncadd.s32 $0xFFFF3C00  }
0x64: {  	[hbm4b:s15+s2] =	stream.linear.scatter [tilespmem:s8], [sflag:$0x4], $0xC400, $0x38;
	[tilespmem:$0x18E80] =	vst v63  }
0x65: {  	_ =	swait.ge [sflag:s14], $0xC400  }
0x66: {  	[sflag:s14] =	ssyncset.done $0x0  }
0x67: {  	[sflag:s14] =	ssyncadd.s32 $0xFFFF3C00  }
0x68: {  	[tilespmem:s8], [sflag:$0x2] =	stream.indirect.gather [hbm4b:s5+s6], $0x80, s16, s6, $0xb8;
	[tilespmem:$0x18E80] =	vst v63  }
0x69: {  	_ =	swait.ge [sflag:s9], $0xC400  }
0x6a: {  	[sflag:s9] =	ssyncset.done $0x0  }
0x6b: {  	[sflag:s9] =	ssyncadd.s32 $0xFFFF3C00  }
0x6c: {  	[hbm4b:s17+s2] =	stream.linear.scatter [tilespmem:s7], [sflag:$0x3], $0xC400, $0x38;
	[tilespmem:$0x18E80] =	vst v63  }
0x6d: {  	_ =	swait.ge [sflag:s13], $0xC400  }
0x6e: {  	[sflag:s13] =	ssyncset.done $0x0  }
0x6f: {  	[sflag:s13] =	ssyncadd.s32 $0xFFFF3C00  }
0x70: {  	[hbm4b:s18+s2] =	stream.linear.scatter [tilespmem:s8], [sflag:$0x4], $0xC400, $0x38;
	[tilespmem:$0x18E80] =	vst v63  }
0x71: {  	_ =	swait.ge [sflag:s11], $0xC400  }
0x72: {  	[sflag:s11] =	ssyncset.done $0x0  }
0x73: {  	[sflag:s11] =	ssyncadd.s32 $0xFFFF3C00  }
0x74: {  	_ =	swait.ge [sflag:s14], $0xC400  }
0x75: {  	[sflag:s14] =	ssyncset.done $0x0  }
0x76: {  	[sflag:s14] =	ssyncadd.s32 $0xFFFF3C00  }
0x77: {  	[tilespmem:s2], [sflag:$0x5] =	stream.linear.gather [hbm4b:s19+s2], $0x620, $0x38;
	[tilespmem:$0x18E80] =	vst v63  }
0x78: {  	_ =	swait.ge [sflag:s4], $0x620  }
0x79: {  	[sflag:s4] =	ssyncset.done $0x0  }
0x7a: {  	[sflag:s4] =	ssyncadd.s32 $0xFFFFF9E0  }
0x7b: {  	[tilespmem:s7], [sflag:$0x1] =	stream.indirect.gather [hbm4b:s20+s6], $0x80, s2, s6, $0xb8;
	[tilespmem:$0x18E80] =	vst v63  }
0x7c: {  	_ = 	snop  }
0x7d: {  	[tilespmem:s8], [sflag:$0x2] =	stream.indirect.gather [hbm4b:s20+s6], $0x80, s6, s6, $0xb8;
	[tilespmem:$0x18E80] =	vst v63  }
0x7e: {  	_ =	swait.ge [sflag:s9], $0xC400  }
0x7f: {  	[sflag:s9] =	ssyncset.done $0x0  }
0x80: {  	[sflag:s9] =	ssyncadd.s32 $0xFFFF3C00  }
0x81: {  	[hbm4b:s21+s2] =	stream.linear.scatter [tilespmem:s7], [sflag:$0x3], $0xC400, $0x38;
	[tilespmem:$0x18E80] =	vst v63  }
0x82: {  	_ =	swait.ge [sflag:s11], $0xC400  }
0x83: {  	[sflag:s11] =	ssyncset.done $0x0  }
0x84: {  	[sflag:s11] =	ssyncadd.s32 $0xFFFF3C00  }
0x85: {  	[tilespmem:s7], [sflag:$0x1] =	stream.indirect.gather [hbm4b:s20+s6], $0x80, s12, s6, $0xb8;
	[tilespmem:$0x18E80] =	vst v63  }
0x86: {  	_ =	swait.ge [sflag:s13], $0xC400  }
0x87: {  	[sflag:s13] =	ssyncset.done $0x0  }
0x88: {  	[sflag:s13] =	ssyncadd.s32 $0xFFFF3C00  }
0x89: {  	[hbm4b:s22+s2] =	stream.linear.scatter [tilespmem:s8], [sflag:$0x4], $0xC400, $0x38;
	[tilespmem:$0x18E80] =	vst v63  }
0x8a: {  	_ =	swait.ge [sflag:s14], $0xC400  }
0x8b: {  	[sflag:s14] =	ssyncset.done $0x0  }
0x8c: {  	[sflag:s14] =	ssyncadd.s32 $0xFFFF3C00  }
0x8d: {  	[tilespmem:s8], [sflag:$0x2] =	stream.indirect.gather [hbm4b:s20+s6], $0x80, s16, s6, $0xb8;
	[tilespmem:$0x18E80] =	vst v63  }
0x8e: {  	_ =	swait.ge [sflag:s9], $0xC400  }
0x8f: {  	[sflag:s9] =	ssyncset.done $0x0  }
0x90: {  	[sflag:s9] =	ssyncadd.s32 $0xFFFF3C00  }
0x91: {  	[hbm4b:s23+s2] =	stream.linear.scatter [tilespmem:s7], [sflag:$0x3], $0xC400, $0x38;
	[tilespmem:$0x18E80] =	vst v63  }
0x92: {  	_ =	swait.ge [sflag:s13], $0xC400  }
0x93: {  	[sflag:s13] =	ssyncset.done $0x0  }
0x94: {  	[sflag:s13] =	ssyncadd.s32 $0xFFFF3C00  }
0x95: {  	[hbm4b:s24+s2] =	stream.linear.scatter [tilespmem:s8], [sflag:$0x4], $0xC400, $0x38;
	[tilespmem:$0x18E80] =	vst v63  }
.Ltmp1:
0x96: {  	_ =	swait.ge [sflag:s11], $0xC400;
	(pc) =	sbr.rel @p0 .LBB2_1-.Ltmp1, $4  }
0x97: {  	[sflag:s11] =	ssyncset.done $0x0  }
0x98: {  	[sflag:s11] =	ssyncadd.s32 $0xFFFF3C00  }
0x99: {  	_ =	swait.ge [sflag:s14], $0xC400  }
0x9a: {  	[sflag:s14] =	ssyncset.done $0x0  }
.LBB2_2:
0x9b: {  	[sflag:s14] =	ssyncadd.s32 $0xFFFF3C00  }
0x9c: {  	_ =	sfence.sel $0x180000  }
0x9d: {  	[bflag:$0x0] =	sbarrier.arrive $0xFFFF  }
0x9e: {  	p0 =	sne.s32 s0, $0x0;
	_ =	strace $0x90000047  }
0x9f: {  	s0 =	sadd.s32 @!p0 $0x100000, s1;
	[bflag:$0x2] =	sbarrier.arrive $0xFFFF  }
0xa0: {  	[sflag:s0] =	ssyncadd.tile.s32 @!p0 $0x1;
	_ =	shalt  }
.Lfunc_end2:
_tile_overlayer_lowered:
.L_overlay_start_2:
0xa1: {  	(tag) =	ssettag $0x2  }
0xa2: {  	s0 =	rddreg [dreg:$0x0];
	s2 =	stileid.u32  }
0xa3: {  	s1 =	rddreg [dreg:$0x1];
	p0 =	sne.s32 s2, $0x0  }
0xa4: {  	s3 =	rddreg [dreg:$0x2];
	[bflag:$0x3] =	sbarrier.arrive $0xFFFF;
	s2 =	simm.s32 @!p0 $0x1C05  }
0xa5: {  	[timem:s3], [sflag:s2] =	dma.local @!p0 [hbm:s0], s1  }
0xa6: {  	s0 =	simm.s32 @!p0 $0x5  }
0xa7: {  	_ =	swait.ge @!p0 [sflag:s0], s1  }
0xa8: {  	s1 =	ssub.s32 @!p0 $0x0, s1;
	[sflag:s0] =	ssyncset.done @!p0 $0x0  }
0xa9: {  	[sflag:s0] =	ssyncadd.s32 @!p0 s1  }
0xaa: {  	[bflag:$0x3] =	sbarrier.arrive $0xFFFF  }
0xab: {  	_ =	shalt  }

// kernel: kernel.16.cloned.1.call-start
scs
__scs_entry_jumppad:
0x0: {  	(pc) =	sbr.rel $0x88, $3  }
0x1: {  	(tag) =	ssettag $0x0;
	lr =	simm.s32 $0x1  }
0x2: {  	[smem:$0x3F8E] =	sst lr;
	_ =	strace $0xD0000000  }
0x3: {  	_ = 	snop  }
0x4: {  	_ = 	snop  }
0x5: {  	_ = 	snop  }
0x6: {  	_ = 	snop  }
0x7: {  	_ = 	snop  }
__scs_overlays_trampoline_lowered:
0x8: {  	[smem:$0x3F9D] =	sst s0  }
0x9: {  	[smem:$0x3F9E] =	sst s1  }
0xa: {  	[smem:$0x3F9F] =	sst s2  }
0xb: {  	[smem:$0x3FA0] =	sst s3  }
0xc: {  	[smem:$0x3FA1] =	sst s4  }
0xd: {  	[smem:$0x3FA2] =	sst s5  }
0xe: {  	[smem:$0x3FA3] =	sst s6  }
0xf: {  	[smem:$0x3FA4] =	sst s7  }
0x10: {  	[smem:$0x3FA5] =	sst s8  }
0x11: {  	[smem:$0x3FA6] =	sst s9;
	s0 =	simm.s32 @!p0 $0x0  }
0x12: {  	s1 =	sld [smem:$0x3F8C];
	s0 =	simm.s32 @p0 $0x1  }
0x13: {  	[smem:$0x3FA7] =	sst s0;
	s0 =	simm.s32 @!p1 $0x0  }
0x14: {  	s2 =	sld [smem:$0x3F8B];
	s0 =	simm.s32 @p1 $0x1  }
0x15: {  	[smem:$0x3FA8] =	sst s0;
	s0 =	simm.s32 @!p2 $0x0  }
0x16: {  	s3 =	sld [smem:$0x3FDB];
	s0 =	simm.s32 @p2 $0x1  }
0x17: {  	s4 =	simm.s32 $0x1BF5;
	[smem:$0x3FAA] =	sst s0  }
0x18: {  	s0 =	sld [smem:$0x3F8D];
	_ =	swait.ge [sflag:s4], $0x0  }
0x19: {  	s7 =	sld [smem:$0x3F8E]  }
0x1a: {  	s8 =	sadd.s32 $0xFFFFE003, lr  }
0x1b: {  	s9 =	sadd.s32 $0xFFFFFEF7, lr;
	s5 =	simm.s32 $0xFFFFFFFF;
	p2 =	slt.u32 s8, $0xFFFFF086  }
0x1c: {  	p1 =	slt.u32 s9, $0xF7A;
	s5 =	simm.s32 @!p2 $0x0  }
0x1d: {  	s5 =	simm.s32 @p1 $0x1;
	p0 =	seq.s32 s7, s2  }
0x1e: {  	s7 =	smul.u32 @!p0 $0xF7A, s2;
	p2 =	seq.s32 @!p0 s5, $0x0  }
0x1f: {  	s9 =	smul.u32 $0xF7A, s1;
	s8 =	simm.s32 @!p0 $0x1BF5;
	p2 =	por !p2, p0  }
0x20: {  	[sflag:s8] =	ssyncset.s32 @!p0 $0xFFFFF086;
	s6 =	sadd.s32 @!p0 s3, s7;
	s7 =	simm.s32 @!p0 $0x108  }
0x21: {  	s3 =	sadd.s32 s3, s9;
	s6 =	sadd.s32 @!p0 $0x88, s6;
	s7 =	simm.s32 @p2 $0x1082  }
0x22: {  	[simem:s7], [sflag:s8] =	dma.local @!p0 [hbm:s6], $0xF7A  }
0x23: {  	s9 =	sor.u32 $0xD0000000, s2;
	s6 =	simm.s32 $0x108;
	_ =	swait.ge @!p0 [sflag:s8], $0x0  }
0x24: {  	s3 =	sadd.s32 $0x88, s3;
	s6 =	simm.s32 @!p1 $0x1082;
	[sflag:s4] =	ssyncset.s32 $0xFFFFF086  }
0x25: {  	[simem:s6], [sflag:s4] =	dma.local [hbm:s3], $0xF7A  }
0x26: {  	[smem:$0x3F8E] =	sst s1;
	(tag) =	ssettag s2;
	_ =	strace s9  }
0x27: {  	s1 =	sld [smem:$0x3F9E]  }
0x28: {  	s2 =	sld [smem:$0x3F9F]  }
0x29: {  	s4 =	sld [smem:$0x3FA1]  }
0x2a: {  	p0 =	seq.s32 s5, $0x0;
	s5 =	sld [smem:$0x3FA2]  }
0x2b: {  	s6 =	sld [smem:$0x3FA3]  }
0x2c: {  	s7 =	sld [smem:$0x3FA4]  }
0x2d: {  	s3 =	simm.s32 $0x108;
	s8 =	sld [smem:$0x3FA5]  }
0x2e: {  	s3 =	simm.s32 @!p0 $0x1082;
	s9 =	sld [smem:$0x3FA6]  }
0x2f: {  	lr =	sadd.s32 s0, s3;
	s0 =	sld [smem:$0x3F9D]  }
0x30: {  	s3 =	sld [smem:$0x3FA0]  }
0x31: {  	[smem:$0x3FA9] =	sst s10  }
0x32: {  	s10 =	sld [smem:$0x3FA7];
	_ =	sdelay $0x3  }
0x33: {  	p0 =	seq.s32 s10, $0x1;
	s10 =	sld [smem:$0x3FA9];
	_ =	sdelay $0x3  }
0x34: {  	[smem:$0x3FA9] =	sst s10  }
0x35: {  	s10 =	sld [smem:$0x3FA8];
	_ =	sdelay $0x3  }
0x36: {  	p1 =	seq.s32 s10, $0x1;
	s10 =	sld [smem:$0x3FA9];
	_ =	sdelay $0x3  }
0x37: {  	[smem:$0x3FA9] =	sst s10  }
0x38: {  	s10 =	sld [smem:$0x3FAA]  }
0x39: {  	_ = 	snop;
	(pc) =	sbr.ind lr, $3  }
0x3a: {  	_ = 	snop  }
0x3b: {  	_ = 	snop  }
0x3c: {  	p2 =	seq.s32 s10, $0x1;
	s10 =	sld [smem:$0x3FA9]  }
0x3d: {  	_ =	shalt  }
0x3e: {  	_ =	shalt  }
0x3f: {  	_ =	shalt  }
0x40: {  	_ =	shalt  }
0x41: {  	_ =	shalt  }
0x42: {  	_ =	shalt  }
0x43: {  	_ =	shalt  }
0x44: {  	_ =	shalt  }
0x45: {  	_ =	shalt  }
0x46: {  	_ =	shalt  }
0x47: {  	_ =	shalt  }
0x48: {  	_ =	shalt  }
0x49: {  	_ =	shalt  }
0x4a: {  	_ =	shalt  }
0x4b: {  	_ =	shalt  }
0x4c: {  	_ =	shalt  }
0x4d: {  	_ =	shalt  }
0x4e: {  	_ =	shalt  }
0x4f: {  	_ =	shalt  }
0x50: {  	_ =	shalt  }
0x51: {  	_ =	shalt  }
0x52: {  	_ =	shalt  }
0x53: {  	_ =	shalt  }
0x54: {  	_ =	shalt  }
0x55: {  	_ =	shalt  }
0x56: {  	_ =	shalt  }
0x57: {  	_ =	shalt  }
0x58: {  	_ =	shalt  }
0x59: {  	_ =	shalt  }
0x5a: {  	_ =	shalt  }
0x5b: {  	_ =	shalt  }
0x5c: {  	_ =	shalt  }
0x5d: {  	_ =	shalt  }
0x5e: {  	_ =	shalt  }
0x5f: {  	_ =	shalt  }
0x60: {  	_ =	shalt  }
0x61: {  	_ =	shalt  }
0x62: {  	_ =	shalt  }
0x63: {  	_ =	shalt  }
0x64: {  	_ =	shalt  }
0x65: {  	_ =	shalt  }
0x66: {  	_ =	shalt  }
0x67: {  	_ =	shalt  }
0x68: {  	_ =	shalt  }
0x69: {  	_ =	shalt  }
0x6a: {  	_ =	shalt  }
0x6b: {  	_ =	shalt  }
0x6c: {  	_ =	shalt  }
0x6d: {  	_ =	shalt  }
0x6e: {  	_ =	shalt  }
0x6f: {  	_ =	shalt  }
0x70: {  	_ =	shalt  }
0x71: {  	_ =	shalt  }
0x72: {  	_ =	shalt  }
0x73: {  	_ =	shalt  }
0x74: {  	_ =	shalt  }
0x75: {  	_ =	shalt  }
0x76: {  	_ =	shalt  }
0x77: {  	_ =	shalt  }
0x78: {  	_ =	shalt  }
0x79: {  	_ =	shalt  }
0x7a: {  	_ =	shalt  }
0x7b: {  	_ =	shalt  }
0x7c: {  	_ =	shalt  }
0x7d: {  	_ =	shalt  }
0x7e: {  	_ =	shalt  }
0x7f: {  	_ =	shalt  }
0x80: {  	_ =	shalt  }
0x81: {  	_ =	shalt  }
0x82: {  	_ =	shalt  }
0x83: {  	_ =	shalt  }
0x84: {  	_ =	shalt  }
0x85: {  	_ =	shalt  }
0x86: {  	_ =	shalt  }
0x87: {  	_ =	shalt  }
.Lfunc_end0:
.L_simem_size_0:
called_computation.1_lowered:
.L_overlay_start_0:
0x88: {  	s2 =	sld [smem:$0x3FD9]  }
0x89: {  	s3 =	sld [smem:$0x3FFE];
	_ =	sdelay $0x1  }
0x8a: {  	s1 =	srdreg.scid  }
0x8b: {  	s0 =	sand.u32 $0x1, s1  }
0x8c: {  	s17 =	sshll.u32 s0, $0xA;
	s2 =	sadd.s32 s3, s2  }
0x8d: {  	s2 =	sadd.s32 s2, s17  }
0x8e: {  	[smem:$0x3FB5] =	sst s2  }
0x8f: {  	_ = 	snop  }
0x90: {  	(tm) =	ssettm $0x1  }
0x91: {  	s18 =	sld [smem:$0x3FFB];
	_ =	sdelay $0x3  }
0x92: {  	_ =	strace s18  }
0x93: {  	s2 =	sld [smem:$0x3FFC];
	_ =	sdelay $0x3  }
0x94: {  	_ =	strace s2  }
0x95: {  	s2 =	sld [smem:$0x3FFD];
	_ =	sdelay $0x3  }
0x96: {  	_ =	strace s2  }
0x97: {  	_ =	strace $0x8FFFFFFF  }
0x98: {  	s19 =	sld [smem:$0x3FDB];
	_ =	sdelay $0x1  }
0x99: {  	s20 =	simm.s32 $_scs_section_size  }
0x9a: {  	s4 =	simm.s32 $_size__tile_overlayer_lowered;
	s5 =	simm.s32 $_tile_overlayer_lowered  }
0x9b: {  	s6 =	simm.s32 $0x1BFF;
	s21 =	sshll.u32 s5, $0x1;
	s3 =	sadd.s32 s20, s19  }
0x9c: {  	s22 =	simm.s32 $0x0;
	s4 =	sshll.u32 s4, $0x1;
	s5 =	sadd.s32 s21, s3  }
0x9d: {  	[timem:s22], [sflag:s6] =	dma.local [hbm:s5], s4  }
0x9e: {  	_ =	swait.ge [sflag:s6], s4  }
0x9f: {  	s4 =	ssub.s32 $0x0, s4;
	[sflag:s6] =	ssyncset.done $0x0  }
0xa0: {  	[sflag:s6] =	ssyncadd.s32 s4;
	_ =	sdelay $0x1  }
0xa1: {  	s23 =	simm.s32 $0x1B8B  }
0xa2: {  	_ =	swait.ge [sflag:s23], $0x1  }
0xa3: {  	[sflag:s23] =	ssyncset.done $0x0  }
0xa4: {  	[sflag:s23] =	ssyncadd.s32 $0xFFFFFFFF  }
0xa5: {  	s4 =	sld [smem:$0x0]  }
0xa6: {  	s5 =	sand.u32 $0xFFFFFFFE, s1  }
0xa7: {  	p0 =	sne.s32 s1, s5  }
0xa8: {  	s5 =	sshll.u32 @p0 s5, $0xE  }
0xa9: {  	s5 =	sadd.s32 @p0 $0x11B8D, s5;
	s6 =	sshll.u32 @p0 s4, $0x11  }
0xaa: {  	s5 =	sor.u32 @p0 s6, s5  }
0xab: {  	[sflag:s5] =	ssyncadd.remote.s32 @p0 $0x1;
	_ =	sdelay $0x1  }
0xac: {  	s5 =	simm.s32 @p0 $0x1B8D  }
0xad: {  	_ =	swait.eq @p0 [sflag:s5], $0x1  }
0xae: {  	[sflag:s5] =	ssyncadd.s32 @p0 $0xFFFFFFFF  }
0xaf: {  	s6 =	sshll.u32 @!p0 s1, $0xE  }
0xb0: {  	s6 =	sor.u32 @!p0 $0x4000, s6;
	s5 =	simm.s32 @!p0 $0x1B8D  }
0xb1: {  	s4 =	sshll.u32 @!p0 s4, $0x11;
	s6 =	sadd.s32 @!p0 $0x11B8D, s6;
	_ =	swait.eq @!p0 [sflag:s5], $0x1  }
0xb2: {  	s4 =	sor.u32 @!p0 s4, s6;
	[sflag:s5] =	ssyncadd.s32 @!p0 $0xFFFFFFFF  }
0xb3: {  	s25 =	simm.s32 $0x1B8E;
	s24 =	sld [smem:$0x3FFE];
	[sflag:s4] =	ssyncadd.remote.s32 @!p0 $0x1  }
0xb4: {  	s26 =	simm.s32 $execute0_lowered;
	[smem:$0x3FD2] =	sst s25  }
0xb5: {  	s5 =	sshll.u32 s26, $0x1;
	_ =	strace $0x80000049;
	[dreg:$0x1] =	wrdreg $0xFFFFFFFF  }
0xb6: {  	s28 =	simm.s32 $_size_execute0_lowered;
	s3 =	sadd.s32 s3, s5;
	[dreg:$0x0] =	wrdreg $0x0  }
0xb7: {  	s5 =	sshll.u32 s28, $0x1;
	[dreg:$0x2] =	wrdreg s3  }
0xb8: {  	[dreg:$0x3] =	wrdreg s5  }
0xb9: {  	[dreg:$0x4] =	wrdreg $0xC0  }
0xba: {  	_ =	task [dreg:s22], $0x5FFFF  }
0xbb: {  	[dreg:$0x1] =	wrdreg $0xFFFFFFFF  }
0xbc: {  	[dreg:$0x0] =	wrdreg $0x60  }
0xbd: {  	[dreg:$0x2] =	wrdreg s24  }
0xbe: {  	[dreg:$0x3] =	wrdreg $0xA  }
0xbf: {  	_ =	task.clear_ibuf [dreg:s22], $0x4FFFF;
	_ =	strace $0x90000049  }
0xc0: {  	s29 =	simm.s32 $0xA;
	_ =	strace $0x8000004B  }
0xc1: {  	_ =	swait.ge [sflag:s29], $0x1  }
0xc2: {  	[sflag:s29] =	ssyncadd.s32 $0xFFFFFFFF  }
0xc3: {  	_ =	strace $0x9000004B  }
0xc4: {  	_ =	sfence  }
0xc5: {  	s30 =	sld [smem:$0x0];
	_ =	sdelay $0x2  }
0xc6: {  	s31 =	sshll.u32 s1, $0xD;
	s1 =	sshrl.u32 s1, $0x2  }
0xc7: {  	s4 =	sand.u32 $0x4000, s31;
	s1 =	sadd.s32 s1, s30  }
0xc8: {  	s0 =	sor.u32 s4, s0;
	s1 =	sshll.u32 s1, $0x11  }
0xc9: {  	s0 =	sor.u32 s1, s0  }
0xca: {  	s0 =	sadd.s32 $0x8F2B, s0  }
0xcb: {  	[sflag:s0] =	ssyncadd.remote.s32 $0x1  }
0xcc: {  	_ =	sfence.sel $0xFFFF  }
0xcd: {  	[dreg:$0x0] =	wrdreg $0xFFFFFFFF;
	(pc) =	sbr.abs _section_cstart, $3  }
0xce: {  	[dreg:$0x1] =	wrdreg $0xFFFFFFFF  }
0xcf: {  	_ =	task.clear_ibuf [dreg:s22], $0x2FFFF;
	_ =	strace $0x9FFFFFFF  }
0xd0: {  	(tm) =	ssettm $0x7FFFFFFF  }
0xd1: {  	_ =	shalt  }
tec
execute0_lowered:
.L_overlay_start_1:
0x0: {  	(tag) =	ssettag $0x1  }
0x1: {  	s1 =	srdreg.scid;
	s0 =	stileid.u32  }
0x2: {  	s25 =	sand.u32 $0x1, s1;
	s30 =	sshll.u32 s0, $0x1  }
0x3: {  	s12 =	sor.u32 s25, s30  }
0x4: {  	s3 =	smul.u32 $0xC4, s12  }
0x5: {  	s21 =	rddreg [dreg:$0x0];
	s2 =	simm.s32 $0x0  }
0x6: {  	s4 =	simm.s32 $0x5;
	[smem:$0x7FF] =	sst s2;
	s19 =	sadd.s32 s3, s21  }
0x7: {  	s1 =	rddreg [dreg:$0x1];
	_ =	strace $0x8000004A;
	s3 =	sadd.s32 $0x143000, s19  }
0x8: {  	[tilespmem:s2], [sflag:$0x5] =	stream.linear.gather [hbm4b:s3+s2], $0x620, $0x38;
	[tilespmem:$0x18E80] =	vst v63  }
0x9: {  	_ =	swait.ge [sflag:s4], $0x620  }
0xa: {  	s6 =	simm.s32 $0x188;
	[sflag:s4] =	ssyncset.done $0x0  }
0xb: {  	s7 =	simm.s32 $0x680;
	s5 =	sadd.s32 $0xA1E00, s21;
	[sflag:s4] =	ssyncadd.s32 $0xFFFFF9E0  }
0xc: {  	[tilespmem:s7], [sflag:$0x1] =	stream.indirect.gather [hbm4b:s5+s6], $0x80, s2, s6, $0xb8;
	[tilespmem:$0x18E80] =	vst v63  }
0xd: {  	s8 =	simm.s32 $0xCA80;
	s9 =	simm.s32 $0x1  }
0xe: {  	[tilespmem:s8], [sflag:$0x2] =	stream.indirect.gather [hbm4b:s5+s6], $0x80, s6, s6, $0xb8;
	[tilespmem:$0x18E80] =	vst v63  }
0xf: {  	s22 =	smul.u32 $0x6200, s12;
	_ =	swait.ge [sflag:s9], $0xC400  }
0x10: {  	s18 =	sadd.s32 $0x2CCA00, s21;
	[sflag:s9] =	ssyncset.done $0x0  }
0x11: {  	s11 =	simm.s32 $0x3;
	s10 =	sadd.s32 s18, s22;
	[sflag:s9] =	ssyncadd.s32 $0xFFFF3C00  }
0x12: {  	[hbm4b:s10+s2] =	stream.linear.scatter [tilespmem:s7], [sflag:$0x3], $0xC400, $0x38;
	[tilespmem:$0x18E80] =	vst v63  }
0x13: {  	_ =	swait.ge [sflag:s11], $0xC400  }
0x14: {  	s13 =	simm.s32 $0x2;
	[sflag:s11] =	ssyncset.done $0x0  }
0x15: {  	s14 =	smul.u32 $0x31000, s12;
	s12 =	simm.s32 $0x310;
	[sflag:s11] =	ssyncadd.s32 $0xFFFF3C00  }
0x16: {  	[tilespmem:s7], [sflag:$0x1] =	stream.indirect.gather [hbm4b:s5+s6], $0x80, s12, s6, $0xb8;
	[tilespmem:$0x18E80] =	vst v63  }
0x17: {  	s20 =	sshrl.u32 s14, $0x3;
	_ =	swait.ge [sflag:s13], $0xC400  }
0x18: {  	s23 =	sadd.s32 $0x1880, s20;
	[sflag:s13] =	ssyncset.done $0x0  }
0x19: {  	s14 =	simm.s32 $0x4;
	s15 =	sadd.s32 s18, s23;
	[sflag:s13] =	ssyncadd.s32 $0xFFFF3C00  }
0x1a: {  	[hbm4b:s15+s2] =	stream.linear.scatter [tilespmem:s8], [sflag:$0x4], $0xC400, $0x38;
	[tilespmem:$0x18E80] =	vst v63  }
0x1b: {  	_ =	swait.ge [sflag:s14], $0xC400  }
0x1c: {  	[sflag:s14] =	ssyncset.done $0x0  }
0x1d: {  	s16 =	simm.s32 $0x498;
	[sflag:s14] =	ssyncadd.s32 $0xFFFF3C00  }
0x1e: {  	[tilespmem:s8], [sflag:$0x2] =	stream.indirect.gather [hbm4b:s5+s6], $0x80, s16, s6, $0xb8;
	[tilespmem:$0x18E80] =	vst v63  }
0x1f: {  	_ =	swait.ge [sflag:s9], $0xC400  }
0x20: {  	s24 =	sadd.s32 $0x3100, s20;
	[sflag:s9] =	ssyncset.done $0x0  }
0x21: {  	s17 =	sadd.s32 s18, s24;
	[sflag:s9] =	ssyncadd.s32 $0xFFFF3C00  }
0x22: {  	[hbm4b:s17+s2] =	stream.linear.scatter [tilespmem:s7], [sflag:$0x3], $0xC400, $0x38;
	[tilespmem:$0x18E80] =	vst v63  }
0x23: {  	_ =	swait.ge [sflag:s13], $0xC400  }
0x24: {  	s26 =	sadd.s32 $0x4980, s20;
	[sflag:s13] =	ssyncset.done $0x0  }
0x25: {  	s18 =	sadd.s32 s18, s26;
	[sflag:s13] =	ssyncadd.s32 $0xFFFF3C00  }
0x26: {  	[hbm4b:s18+s2] =	stream.linear.scatter [tilespmem:s8], [sflag:$0x4], $0xC400, $0x38;
	[tilespmem:$0x18E80] =	vst v63  }
0x27: {  	_ =	swait.ge [sflag:s11], $0xC400  }
0x28: {  	[sflag:s11] =	ssyncset.done $0x0  }
0x29: {  	[sflag:s11] =	ssyncadd.s32 $0xFFFF3C00  }
0x2a: {  	_ =	swait.ge [sflag:s14], $0xC400  }
0x2b: {  	[sflag:s14] =	ssyncset.done $0x0  }
0x2c: {  	s19 =	sadd.s32 $0x141600, s19;
	[sflag:s14] =	ssyncadd.s32 $0xFFFF3C00  }
0x2d: {  	[tilespmem:s2], [sflag:$0x5] =	stream.linear.gather [hbm4b:s19+s2], $0x620, $0x38;
	[tilespmem:$0x18E80] =	vst v63  }
0x2e: {  	_ =	swait.ge [sflag:s4], $0x620  }
0x2f: {  	[sflag:s4] =	ssyncset.done $0x0  }
0x30: {  	s20 =	sadd.s32 $0x5A00, s21;
	[sflag:s4] =	ssyncadd.s32 $0xFFFFF9E0  }
0x31: {  	[tilespmem:s7], [sflag:$0x1] =	stream.indirect.gather [hbm4b:s20+s6], $0x80, s2, s6, $0xb8;
	[tilespmem:$0x18E80] =	vst v63  }
0x32: {  	_ = 	snop  }
0x33: {  	[tilespmem:s8], [sflag:$0x2] =	stream.indirect.gather [hbm4b:s20+s6], $0x80, s6, s6, $0xb8;
	[tilespmem:$0x18E80] =	vst v63  }
0x34: {  	_ =	swait.ge [sflag:s9], $0xC400  }
0x35: {  	s28 =	sadd.s32 $0x390A00, s21;
	[sflag:s9] =	ssyncset.done $0x0  }
0x36: {  	s21 =	sadd.s32 s28, s22;
	[sflag:s9] =	ssyncadd.s32 $0xFFFF3C00  }
0x37: {  	[hbm4b:s21+s2] =	stream.linear.scatter [tilespmem:s7], [sflag:$0x3], $0xC400, $0x38;
	[tilespmem:$0x18E80] =	vst v63  }
0x38: {  	_ =	swait.ge [sflag:s11], $0xC400  }
0x39: {  	[sflag:s11] =	ssyncset.done $0x0  }
0x3a: {  	[sflag:s11] =	ssyncadd.s32 $0xFFFF3C00  }
0x3b: {  	[tilespmem:s7], [sflag:$0x1] =	stream.indirect.gather [hbm4b:s20+s6], $0x80, s12, s6, $0xb8;
	[tilespmem:$0x18E80] =	vst v63  }
0x3c: {  	_ =	swait.ge [sflag:s13], $0xC400  }
0x3d: {  	[sflag:s13] =	ssyncset.done $0x0  }
0x3e: {  	s22 =	sadd.s32 s28, s23;
	[sflag:s13] =	ssyncadd.s32 $0xFFFF3C00  }
0x3f: {  	[hbm4b:s22+s2] =	stream.linear.scatter [tilespmem:s8], [sflag:$0x4], $0xC400, $0x38;
	[tilespmem:$0x18E80] =	vst v63  }
0x40: {  	_ =	swait.ge [sflag:s14], $0xC400  }
0x41: {  	[sflag:s14] =	ssyncset.done $0x0  }
0x42: {  	[sflag:s14] =	ssyncadd.s32 $0xFFFF3C00  }
0x43: {  	[tilespmem:s8], [sflag:$0x2] =	stream.indirect.gather [hbm4b:s20+s6], $0x80, s16, s6, $0xb8;
	[tilespmem:$0x18E80] =	vst v63  }
0x44: {  	_ =	swait.ge [sflag:s9], $0xC400  }
0x45: {  	s25 =	ssub.s32 $0x2, s25;
	[sflag:s9] =	ssyncset.done $0x0  }
0x46: {  	s31 =	sshrl.u32 s25, $0x1;
	s23 =	sadd.s32 s28, s24;
	[sflag:s9] =	ssyncadd.s32 $0xFFFF3C00  }
0x47: {  	[hbm4b:s23+s2] =	stream.linear.scatter [tilespmem:s7], [sflag:$0x3], $0xC400, $0x38;
	[tilespmem:$0x18E80] =	vst v63  }
0x48: {  	s25 =	ssub.s32 s25, s31;
	_ =	swait.ge [sflag:s13], $0xC400  }
0x49: {  	s25 =	smax.u32 s25, $0x1;
	[sflag:s13] =	ssyncset.done $0x0  }
0x4a: {  	p0 =	sne.s32 s25, $0x1;
	s24 =	sadd.s32 s28, s26;
	[sflag:s13] =	ssyncadd.s32 $0xFFFF3C00  }
0x4b: {  	[hbm4b:s24+s2] =	stream.linear.scatter [tilespmem:s8], [sflag:$0x4], $0xC400, $0x38;
	[tilespmem:$0x18E80] =	vst v63  }
.Ltmp0:
0x4c: {  	_ =	swait.ge [sflag:s11], $0xC400;
	(pc) =	sbr.rel @!p0 .LBB2_2-.Ltmp0, $4  }
0x4d: {  	[sflag:s11] =	ssyncset.done $0x0  }
0x4e: {  	[sflag:s11] =	ssyncadd.s32 $0xFFFF3C00  }
0x4f: {  	_ =	swait.ge [sflag:s14], $0xC400  }
0x50: {  	s25 =	sadd.s32 $0xFFFFFFFF, s25;
	[sflag:s14] =	ssyncset.done $0x0  }
.LBB2_1:
0x51: {  	p0 =	sne.s32 s25, $0x1;
	s25 =	sadd.s32 $0xFFFFFFFF, s25;
	[sflag:s14] =	ssyncadd.s32 $0xFFFF3C00  }
0x52: {  	[tilespmem:s2], [sflag:$0x5] =	stream.linear.gather [hbm4b:s3+s2], $0x620, $0x38;
	[tilespmem:$0x18E80] =	vst v63  }
0x53: {  	_ =	swait.ge [sflag:s4], $0x620  }
0x54: {  	[sflag:s4] =	ssyncset.done $0x0  }
0x55: {  	[sflag:s4] =	ssyncadd.s32 $0xFFFFF9E0  }
0x56: {  	[tilespmem:s7], [sflag:$0x1] =	stream.indirect.gather [hbm4b:s5+s6], $0x80, s2, s6, $0xb8;
	[tilespmem:$0x18E80] =	vst v63  }
0x57: {  	_ = 	snop  }
0x58: {  	[tilespmem:s8], [sflag:$0x2] =	stream.indirect.gather [hbm4b:s5+s6], $0x80, s6, s6, $0xb8;
	[tilespmem:$0x18E80] =	vst v63  }
0x59: {  	_ =	swait.ge [sflag:s9], $0xC400  }
0x5a: {  	[sflag:s9] =	ssyncset.done $0x0  }
0x5b: {  	[sflag:s9] =	ssyncadd.s32 $0xFFFF3C00  }
0x5c: {  	[hbm4b:s10+s2] =	stream.linear.scatter [tilespmem:s7], [sflag:$0x3], $0xC400, $0x38;
	[tilespmem:$0x18E80] =	vst v63  }
0x5d: {  	_ =	swait.ge [sflag:s11], $0xC400  }
0x5e: {  	[sflag:s11] =	ssyncset.done $0x0  }
0x5f: {  	[sflag:s11] =	ssyncadd.s32 $0xFFFF3C00  }
0x60: {  	[tilespmem:s7], [sflag:$0x1] =	stream.indirect.gather [hbm4b:s5+s6], $0x80, s12, s6, $0xb8;
	[tilespmem:$0x18E80] =	vst v63  }
0x61: {  	_ =	swait.ge [sflag:s13], $0xC400  }
0x62: {  	[sflag:s13] =	ssyncset.done $0x0  }
0x63: {  	[sflag:s13] =	ssyncadd.s32 $0xFFFF3C00  }
0x64: {  	[hbm4b:s15+s2] =	stream.linear.scatter [tilespmem:s8], [sflag:$0x4], $0xC400, $0x38;
	[tilespmem:$0x18E80] =	vst v63  }
0x65: {  	_ =	swait.ge [sflag:s14], $0xC400  }
0x66: {  	[sflag:s14] =	ssyncset.done $0x0  }
0x67: {  	[sflag:s14] =	ssyncadd.s32 $0xFFFF3C00  }
0x68: {  	[tilespmem:s8], [sflag:$0x2] =	stream.indirect.gather [hbm4b:s5+s6], $0x80, s16, s6, $0xb8;
	[tilespmem:$0x18E80] =	vst v63  }
0x69: {  	_ =	swait.ge [sflag:s9], $0xC400  }
0x6a: {  	[sflag:s9] =	ssyncset.done $0x0  }
0x6b: {  	[sflag:s9] =	ssyncadd.s32 $0xFFFF3C00  }
0x6c: {  	[hbm4b:s17+s2] =	stream.linear.scatter [tilespmem:s7], [sflag:$0x3], $0xC400, $0x38;
	[tilespmem:$0x18E80] =	vst v63  }
0x6d: {  	_ =	swait.ge [sflag:s13], $0xC400  }
0x6e: {  	[sflag:s13] =	ssyncset.done $0x0  }
0x6f: {  	[sflag:s13] =	ssyncadd.s32 $0xFFFF3C00  }
0x70: {  	[hbm4b:s18+s2] =	stream.linear.scatter [tilespmem:s8], [sflag:$0x4], $0xC400, $0x38;
	[tilespmem:$0x18E80] =	vst v63  }
0x71: {  	_ =	swait.ge [sflag:s11], $0xC400  }
0x72: {  	[sflag:s11] =	ssyncset.done $0x0  }
0x73: {  	[sflag:s11] =	ssyncadd.s32 $0xFFFF3C00  }
0x74: {  	_ =	swait.ge [sflag:s14], $0xC400  }
0x75: {  	[sflag:s14] =	ssyncset.done $0x0  }
0x76: {  	[sflag:s14] =	ssyncadd.s32 $0xFFFF3C00  }
0x77: {  	[tilespmem:s2], [sflag:$0x5] =	stream.linear.gather [hbm4b:s19+s2], $0x620, $0x38;
	[tilespmem:$0x18E80] =	vst v63  }
0x78: {  	_ =	swait.ge [sflag:s4], $0x620  }
0x79: {  	[sflag:s4] =	ssyncset.done $0x0  }
0x7a: {  	[sflag:s4] =	ssyncadd.s32 $0xFFFFF9E0  }
0x7b: {  	[tilespmem:s7], [sflag:$0x1] =	stream.indirect.gather [hbm4b:s20+s6], $0x80, s2, s6, $0xb8;
	[tilespmem:$0x18E80] =	vst v63  }
0x7c: {  	_ = 	snop  }
0x7d: {  	[tilespmem:s8], [sflag:$0x2] =	stream.indirect.gather [hbm4b:s20+s6], $0x80, s6, s6, $0xb8;
	[tilespmem:$0x18E80] =	vst v63  }
0x7e: {  	_ =	swait.ge [sflag:s9], $0xC400  }
0x7f: {  	[sflag:s9] =	ssyncset.done $0x0  }
0x80: {  	[sflag:s9] =	ssyncadd.s32 $0xFFFF3C00  }
0x81: {  	[hbm4b:s21+s2] =	stream.linear.scatter [tilespmem:s7], [sflag:$0x3], $0xC400, $0x38;
	[tilespmem:$0x18E80] =	vst v63  }
0x82: {  	_ =	swait.ge [sflag:s11], $0xC400  }
0x83: {  	[sflag:s11] =	ssyncset.done $0x0  }
0x84: {  	[sflag:s11] =	ssyncadd.s32 $0xFFFF3C00  }
0x85: {  	[tilespmem:s7], [sflag:$0x1] =	stream.indirect.gather [hbm4b:s20+s6], $0x80, s12, s6, $0xb8;
	[tilespmem:$0x18E80] =	vst v63  }
0x86: {  	_ =	swait.ge [sflag:s13], $0xC400  }
0x87: {  	[sflag:s13] =	ssyncset.done $0x0  }
0x88: {  	[sflag:s13] =	ssyncadd.s32 $0xFFFF3C00  }
0x89: {  	[hbm4b:s22+s2] =	stream.linear.scatter [tilespmem:s8], [sflag:$0x4], $0xC400, $0x38;
	[tilespmem:$0x18E80] =	vst v63  }
0x8a: {  	_ =	swait.ge [sflag:s14], $0xC400  }
0x8b: {  	[sflag:s14] =	ssyncset.done $0x0  }
0x8c: {  	[sflag:s14] =	ssyncadd.s32 $0xFFFF3C00  }
0x8d: {  	[tilespmem:s8], [sflag:$0x2] =	stream.indirect.gather [hbm4b:s20+s6], $0x80, s16, s6, $0xb8;
	[tilespmem:$0x18E80] =	vst v63  }
0x8e: {  	_ =	swait.ge [sflag:s9], $0xC400  }
0x8f: {  	[sflag:s9] =	ssyncset.done $0x0  }
0x90: {  	[sflag:s9] =	ssyncadd.s32 $0xFFFF3C00  }
0x91: {  	[hbm4b:s23+s2] =	stream.linear.scatter [tilespmem:s7], [sflag:$0x3], $0xC400, $0x38;
	[tilespmem:$0x18E80] =	vst v63  }
0x92: {  	_ =	swait.ge [sflag:s13], $0xC400  }
0x93: {  	[sflag:s13] =	ssyncset.done $0x0  }
0x94: {  	[sflag:s13] =	ssyncadd.s32 $0xFFFF3C00  }
0x95: {  	[hbm4b:s24+s2] =	stream.linear.scatter [tilespmem:s8], [sflag:$0x4], $0xC400, $0x38;
	[tilespmem:$0x18E80] =	vst v63  }
.Ltmp1:
0x96: {  	_ =	swait.ge [sflag:s11], $0xC400;
	(pc) =	sbr.rel @p0 .LBB2_1-.Ltmp1, $4  }
0x97: {  	[sflag:s11] =	ssyncset.done $0x0  }
0x98: {  	[sflag:s11] =	ssyncadd.s32 $0xFFFF3C00  }
0x99: {  	_ =	swait.ge [sflag:s14], $0xC400  }
0x9a: {  	[sflag:s14] =	ssyncset.done $0x0  }
.LBB2_2:
0x9b: {  	[sflag:s14] =	ssyncadd.s32 $0xFFFF3C00  }
0x9c: {  	_ =	sfence.sel $0x180000  }
0x9d: {  	[bflag:$0x0] =	sbarrier.arrive $0xFFFF  }
0x9e: {  	p0 =	sne.s32 s0, $0x0;
	_ =	strace $0x9000004A  }
0x9f: {  	s0 =	sadd.s32 @!p0 $0x100000, s1;
	[bflag:$0x2] =	sbarrier.arrive $0xFFFF  }
0xa0: {  	[sflag:s0] =	ssyncadd.tile.s32 @!p0 $0x1;
	_ =	shalt  }
.Lfunc_end2:
_tile_overlayer_lowered:
.L_overlay_start_2:
0xa1: {  	(tag) =	ssettag $0x2  }
0xa2: {  	s0 =	rddreg [dreg:$0x0];
	s2 =	stileid.u32  }
0xa3: {  	s1 =	rddreg [dreg:$0x1];
	p0 =	sne.s32 s2, $0x0  }
0xa4: {  	s3 =	rddreg [dreg:$0x2];
	[bflag:$0x3] =	sbarrier.arrive $0xFFFF;
	s2 =	simm.s32 @!p0 $0x1C05  }
0xa5: {  	[timem:s3], [sflag:s2] =	dma.local @!p0 [hbm:s0], s1  }
0xa6: {  	s0 =	simm.s32 @!p0 $0x5  }
0xa7: {  	_ =	swait.ge @!p0 [sflag:s0], s1  }
0xa8: {  	s1 =	ssub.s32 @!p0 $0x0, s1;
	[sflag:s0] =	ssyncset.done @!p0 $0x0  }
0xa9: {  	[sflag:s0] =	ssyncadd.s32 @!p0 s1  }
0xaa: {  	[bflag:$0x3] =	sbarrier.arrive $0xFFFF  }
0xab: {  	_ =	shalt  }

// kernel: kernel.19.cloned.1.call-start
scs
__scs_entry_jumppad:
0x0: {  	(pc) =	sbr.rel $0x88, $3  }
0x1: {  	(tag) =	ssettag $0x0;
	lr =	simm.s32 $0x1  }
0x2: {  	[smem:$0x3F8E] =	sst lr;
	_ =	strace $0xD0000000  }
0x3: {  	_ = 	snop  }
0x4: {  	_ = 	snop  }
0x5: {  	_ = 	snop  }
0x6: {  	_ = 	snop  }
0x7: {  	_ = 	snop  }
__scs_overlays_trampoline_lowered:
0x8: {  	[smem:$0x3F9D] =	sst s0  }
0x9: {  	[smem:$0x3F9E] =	sst s1  }
0xa: {  	[smem:$0x3F9F] =	sst s2  }
0xb: {  	[smem:$0x3FA0] =	sst s3  }
0xc: {  	[smem:$0x3FA1] =	sst s4  }
0xd: {  	[smem:$0x3FA2] =	sst s5  }
0xe: {  	[smem:$0x3FA3] =	sst s6  }
0xf: {  	[smem:$0x3FA4] =	sst s7  }
0x10: {  	[smem:$0x3FA5] =	sst s8  }
0x11: {  	[smem:$0x3FA6] =	sst s9;
	s0 =	simm.s32 @!p0 $0x0  }
0x12: {  	s1 =	sld [smem:$0x3F8C];
	s0 =	simm.s32 @p0 $0x1  }
0x13: {  	[smem:$0x3FA7] =	sst s0;
	s0 =	simm.s32 @!p1 $0x0  }
0x14: {  	s2 =	sld [smem:$0x3F8B];
	s0 =	simm.s32 @p1 $0x1  }
0x15: {  	[smem:$0x3FA8] =	sst s0;
	s0 =	simm.s32 @!p2 $0x0  }
0x16: {  	s3 =	sld [smem:$0x3FDB];
	s0 =	simm.s32 @p2 $0x1  }
0x17: {  	s4 =	simm.s32 $0x1BF5;
	[smem:$0x3FAA] =	sst s0  }
0x18: {  	s0 =	sld [smem:$0x3F8D];
	_ =	swait.ge [sflag:s4], $0x0  }
0x19: {  	s7 =	sld [smem:$0x3F8E]  }
0x1a: {  	s8 =	sadd.s32 $0xFFFFE003, lr  }
0x1b: {  	s9 =	sadd.s32 $0xFFFFFEF7, lr;
	s5 =	simm.s32 $0xFFFFFFFF;
	p2 =	slt.u32 s8, $0xFFFFF086  }
0x1c: {  	p1 =	slt.u32 s9, $0xF7A;
	s5 =	simm.s32 @!p2 $0x0  }
0x1d: {  	s5 =	simm.s32 @p1 $0x1;
	p0 =	seq.s32 s7, s2  }
0x1e: {  	s7 =	smul.u32 @!p0 $0xF7A, s2;
	p2 =	seq.s32 @!p0 s5, $0x0  }
0x1f: {  	s9 =	smul.u32 $0xF7A, s1;
	s8 =	simm.s32 @!p0 $0x1BF5;
	p2 =	por !p2, p0  }
0x20: {  	[sflag:s8] =	ssyncset.s32 @!p0 $0xFFFFF086;
	s6 =	sadd.s32 @!p0 s3, s7;
	s7 =	simm.s32 @!p0 $0x108  }
0x21: {  	s3 =	sadd.s32 s3, s9;
	s6 =	sadd.s32 @!p0 $0x88, s6;
	s7 =	simm.s32 @p2 $0x1082  }
0x22: {  	[simem:s7], [sflag:s8] =	dma.local @!p0 [hbm:s6], $0xF7A  }
0x23: {  	s9 =	sor.u32 $0xD0000000, s2;
	s6 =	simm.s32 $0x108;
	_ =	swait.ge @!p0 [sflag:s8], $0x0  }
0x24: {  	s3 =	sadd.s32 $0x88, s3;
	s6 =	simm.s32 @!p1 $0x1082;
	[sflag:s4] =	ssyncset.s32 $0xFFFFF086  }
0x25: {  	[simem:s6], [sflag:s4] =	dma.local [hbm:s3], $0xF7A  }
0x26: {  	[smem:$0x3F8E] =	sst s1;
	(tag) =	ssettag s2;
	_ =	strace s9  }
0x27: {  	s1 =	sld [smem:$0x3F9E]  }
0x28: {  	s2 =	sld [smem:$0x3F9F]  }
0x29: {  	s4 =	sld [smem:$0x3FA1]  }
0x2a: {  	p0 =	seq.s32 s5, $0x0;
	s5 =	sld [smem:$0x3FA2]  }
0x2b: {  	s6 =	sld [smem:$0x3FA3]  }
0x2c: {  	s7 =	sld [smem:$0x3FA4]  }
0x2d: {  	s3 =	simm.s32 $0x108;
	s8 =	sld [smem:$0x3FA5]  }
0x2e: {  	s3 =	simm.s32 @!p0 $0x1082;
	s9 =	sld [smem:$0x3FA6]  }
0x2f: {  	lr =	sadd.s32 s0, s3;
	s0 =	sld [smem:$0x3F9D]  }
0x30: {  	s3 =	sld [smem:$0x3FA0]  }
0x31: {  	[smem:$0x3FA9] =	sst s10  }
0x32: {  	s10 =	sld [smem:$0x3FA7];
	_ =	sdelay $0x3  }
0x33: {  	p0 =	seq.s32 s10, $0x1;
	s10 =	sld [smem:$0x3FA9];
	_ =	sdelay $0x3  }
0x34: {  	[smem:$0x3FA9] =	sst s10  }
0x35: {  	s10 =	sld [smem:$0x3FA8];
	_ =	sdelay $0x3  }
0x36: {  	p1 =	seq.s32 s10, $0x1;
	s10 =	sld [smem:$0x3FA9];
	_ =	sdelay $0x3  }
0x37: {  	[smem:$0x3FA9] =	sst s10  }
0x38: {  	s10 =	sld [smem:$0x3FAA]  }
0x39: {  	_ = 	snop;
	(pc) =	sbr.ind lr, $3  }
0x3a: {  	_ = 	snop  }
0x3b: {  	_ = 	snop  }
0x3c: {  	p2 =	seq.s32 s10, $0x1;
	s10 =	sld [smem:$0x3FA9]  }
0x3d: {  	_ =	shalt  }
0x3e: {  	_ =	shalt  }
0x3f: {  	_ =	shalt  }
0x40: {  	_ =	shalt  }
0x41: {  	_ =	shalt  }
0x42: {  	_ =	shalt  }
0x43: {  	_ =	shalt  }
0x44: {  	_ =	shalt  }
0x45: {  	_ =	shalt  }
0x46: {  	_ =	shalt  }
0x47: {  	_ =	shalt  }
0x48: {  	_ =	shalt  }
0x49: {  	_ =	shalt  }
0x4a: {  	_ =	shalt  }
0x4b: {  	_ =	shalt  }
0x4c: {  	_ =	shalt  }
0x4d: {  	_ =	shalt  }
0x4e: {  	_ =	shalt  }
0x4f: {  	_ =	shalt  }
0x50: {  	_ =	shalt  }
0x51: {  	_ =	shalt  }
0x52: {  	_ =	shalt  }
0x53: {  	_ =	shalt  }
0x54: {  	_ =	shalt  }
0x55: {  	_ =	shalt  }
0x56: {  	_ =	shalt  }
0x57: {  	_ =	shalt  }
0x58: {  	_ =	shalt  }
0x59: {  	_ =	shalt  }
0x5a: {  	_ =	shalt  }
0x5b: {  	_ =	shalt  }
0x5c: {  	_ =	shalt  }
0x5d: {  	_ =	shalt  }
0x5e: {  	_ =	shalt  }
0x5f: {  	_ =	shalt  }
0x60: {  	_ =	shalt  }
0x61: {  	_ =	shalt  }
0x62: {  	_ =	shalt  }
0x63: {  	_ =	shalt  }
0x64: {  	_ =	shalt  }
0x65: {  	_ =	shalt  }
0x66: {  	_ =	shalt  }
0x67: {  	_ =	shalt  }
0x68: {  	_ =	shalt  }
0x69: {  	_ =	shalt  }
0x6a: {  	_ =	shalt  }
0x6b: {  	_ =	shalt  }
0x6c: {  	_ =	shalt  }
0x6d: {  	_ =	shalt  }
0x6e: {  	_ =	shalt  }
0x6f: {  	_ =	shalt  }
0x70: {  	_ =	shalt  }
0x71: {  	_ =	shalt  }
0x72: {  	_ =	shalt  }
0x73: {  	_ =	shalt  }
0x74: {  	_ =	shalt  }
0x75: {  	_ =	shalt  }
0x76: {  	_ =	shalt  }
0x77: {  	_ =	shalt  }
0x78: {  	_ =	shalt  }
0x79: {  	_ =	shalt  }
0x7a: {  	_ =	shalt  }
0x7b: {  	_ =	shalt  }
0x7c: {  	_ =	shalt  }
0x7d: {  	_ =	shalt  }
0x7e: {  	_ =	shalt  }
0x7f: {  	_ =	shalt  }
0x80: {  	_ =	shalt  }
0x81: {  	_ =	shalt  }
0x82: {  	_ =	shalt  }
0x83: {  	_ =	shalt  }
0x84: {  	_ =	shalt  }
0x85: {  	_ =	shalt  }
0x86: {  	_ =	shalt  }
0x87: {  	_ =	shalt  }
.Lfunc_end0:
.L_simem_size_0:
called_computation.2_lowered:
.L_overlay_start_0:
0x88: {  	s2 =	sld [smem:$0x3FD9]  }
0x89: {  	s3 =	sld [smem:$0x3FFE];
	_ =	sdelay $0x1  }
0x8a: {  	s1 =	srdreg.scid  }
0x8b: {  	s0 =	sand.u32 $0x1, s1  }
0x8c: {  	s17 =	sshll.u32 s0, $0xA;
	s2 =	sadd.s32 s3, s2  }
0x8d: {  	s2 =	sadd.s32 s2, s17  }
0x8e: {  	[smem:$0x3FB5] =	sst s2  }
0x8f: {  	_ = 	snop  }
0x90: {  	s2 =	sld [smem:$0x3FD0];
	(tm) =	ssettm $0x1  }
0x91: {  	s18 =	sld [smem:$0x3FFB];
	_ =	sdelay $0x3  }
0x92: {  	_ =	strace s18  }
0x93: {  	s3 =	sld [smem:$0x3FFC];
	_ =	sdelay $0x3  }
0x94: {  	_ =	strace s3  }
0x95: {  	s3 =	sld [smem:$0x3FFD];
	_ =	sdelay $0x3  }
0x96: {  	_ =	strace s3  }
0x97: {  	_ =	strace $0x8FFFFFFF  }
0x98: {  	s19 =	sld [smem:$0x3FDB];
	_ =	sdelay $0x1  }
0x99: {  	s4 =	simm.s32 $_scs_section_size  }
0x9a: {  	s5 =	simm.s32 $_size__tile_overlayer_lowered;
	s6 =	simm.s32 $_tile_overlayer_lowered  }
0x9b: {  	s22 =	simm.s32 $0x1BFF;
	s21 =	sshll.u32 s6, $0x1;
	s3 =	sadd.s32 s4, s19  }
0x9c: {  	s7 =	simm.s32 $0x0;
	s20 =	sshll.u32 s5, $0x1;
	s5 =	sadd.s32 s21, s3  }
0x9d: {  	[timem:s7], [sflag:s22] =	dma.local [hbm:s5], s20  }
0x9e: {  	_ =	swait.ge [sflag:s22], s20  }
0x9f: {  	s4 =	ssub.s32 $0x0, s20;
	[sflag:s22] =	ssyncset.done $0x0  }
0xa0: {  	[sflag:s22] =	ssyncadd.s32 s4;
	_ =	sdelay $0x1  }
0xa1: {  	s23 =	simm.s32 $0x1B8B  }
0xa2: {  	_ =	swait.ge [sflag:s23], $0x1  }
0xa3: {  	[sflag:s23] =	ssyncset.done $0x0  }
0xa4: {  	s25 =	simm.s32 $0x1B8E;
	s24 =	sld [smem:$0x3FFE];
	[sflag:s23] =	ssyncadd.s32 $0xFFFFFFFF  }
0xa5: {  	s26 =	simm.s32 $execute0_lowered;
	[smem:$0x3FD2] =	sst s25  }
0xa6: {  	s5 =	sshll.u32 s26, $0x1;
	_ =	strace $0x8000004C;
	[dreg:$0x1] =	wrdreg $0xFFFFFFFF  }
0xa7: {  	s28 =	simm.s32 $_size_execute0_lowered;
	s3 =	sadd.s32 s3, s5;
	[dreg:$0x0] =	wrdreg $0x0  }
0xa8: {  	s5 =	sshll.u32 s28, $0x1;
	[dreg:$0x2] =	wrdreg s3  }
0xa9: {  	[dreg:$0x3] =	wrdreg s5  }
0xaa: {  	[dreg:$0x4] =	wrdreg $0xC0  }
0xab: {  	_ =	task [dreg:s7], $0x5FFFF  }
0xac: {  	[dreg:$0x1] =	wrdreg $0xFFFFFFFF  }
0xad: {  	[dreg:$0x0] =	wrdreg $0x60  }
0xae: {  	[dreg:$0x2] =	wrdreg s24  }
0xaf: {  	[dreg:$0x3] =	wrdreg s2  }
0xb0: {  	[dreg:$0x4] =	wrdreg $0x9  }
0xb1: {  	_ =	task.clear_ibuf [dreg:s7], $0x5FFFF;
	_ =	strace $0x9000004C  }
0xb2: {  	s29 =	simm.s32 $0x9;
	_ =	strace $0x8000004E  }
0xb3: {  	_ =	swait.ge [sflag:s29], $0x1  }
0xb4: {  	[sflag:s29] =	ssyncadd.s32 $0xFFFFFFFF  }
0xb5: {  	_ =	strace $0x9000004E  }
0xb6: {  	_ =	sfence  }
0xb7: {  	s30 =	sld [smem:$0x0];
	_ =	sdelay $0x2  }
0xb8: {  	s31 =	sshll.u32 s1, $0xD;
	s1 =	sshrl.u32 s1, $0x2  }
0xb9: {  	s3 =	sand.u32 $0x4000, s31;
	s1 =	sadd.s32 s1, s30  }
0xba: {  	s0 =	sor.u32 s3, s0;
	s1 =	sshll.u32 s1, $0x11  }
0xbb: {  	s0 =	sor.u32 s1, s0  }
0xbc: {  	s0 =	sadd.s32 $0x8F2B, s0  }
0xbd: {  	[sflag:s0] =	ssyncadd.remote.s32 $0x1  }
0xbe: {  	_ =	sfence.sel $0xFFFF  }
0xbf: {  	[dreg:$0x0] =	wrdreg $0xFFFFFFFF;
	(pc) =	sbr.abs _section_cstart, $3  }
0xc0: {  	[dreg:$0x1] =	wrdreg $0xFFFFFFFF  }
0xc1: {  	_ =	task.clear_ibuf [dreg:s7], $0x2FFFF;
	_ =	strace $0x9FFFFFFF  }
0xc2: {  	(tm) =	ssettm $0x7FFFFFFF  }
0xc3: {  	_ =	shalt  }
tec
execute0_lowered:
.L_overlay_start_1:
0x0: {  	(tag) =	ssettag $0x1  }
0x1: {  	s4 =	rddreg [dreg:$0x0]  }
0x2: {  	s1 =	srdreg.scid;
	s0 =	stileid.u32  }
0x3: {  	s2 =	rddreg [dreg:$0x1];
	s9 =	simm.s32 $0x1;
	s10 =	simm.s32 $0xC80  }
0x4: {  	s11 =	simm.s32 $0x8780;
	s12 =	simm.s32 $0x2580;
	s13 =	simm.s32 $0x1900  }
0x5: {  	s14 =	simm.s32 $0x80;
	s15 =	simm.s32 $0x400;
	s16 =	simm.s32 $0x0  }
0x6: {  	s5 =	sand.u32 $0x1, s1;
	s3 =	sshll.u32 s0, $0x1;
	s1 =	rddreg [dreg:$0x2]  }
0x7: {  	s7 =	sshrl.u32 s0, $0x2;
	s6 =	sor.u32 s5, s3;
	s3 =	simm.s32 $0x0  }
0x8: {  	s7 =	smul.u32 $0x31000, s7;
	s5 =	ssub.s32 $0x2, s5;
	s8 =	sshll.u32 s6, $0x7  }
0x9: {  	[smem:$0x7FF] =	sst s3;
	s6 =	smul.u32 $0x188, s6;
	s8 =	sand.u32 $0x380, s8  }
0xa: {  	s31 =	sshrl.u32 s5, $0x1;
	_ =	strace $0x8000004D;
	s7 =	sor.u32 s7, s8  }
0xb: {  	s6 =	sadd.s32 s6, s4;
	s8 =	ssub.s32 s5, s31;
	s7 =	sshrl.u32 s7, $0x3  }
0xc: {  	s5 =	sadd.s32 $0x457C00, s6;
	s8 =	smax.u32 s8, $0x1;
	s7 =	sadd.s32 s7, s4  }
0xd: {  	v0 =	vimm.f32 $0.0e+00;
	s4 =	sadd.s32 $0x5A00, s6;
	s6 =	sadd.s32 $0x21400, s6;
	s7 =	sadd.s32 $0x8C00, s7  }
.LBB2_1:
0xe: {  	[tilespmem:s3], [sflag:$0x1] =	stream.linear.gather [hbm4b:s4+s3], $0xC40, $0x38;
	[tilespmem:$0x8800] =	vst v63  }
0xf: {  	_ =	swait.ge [sflag:s9], $0xC40  }
0x10: {  	[sflag:s9] =	ssyncset.done $0x0  }
0x11: {  	[sflag:s9] =	ssyncadd.s32 $0xFFFFF3C0  }
0x12: {  	[tilespmem:s10], [sflag:$0x1] =	stream.linear.gather [hbm4b:s5+s3], $0xC40, $0x38;
	[tilespmem:$0x8800] =	vst v63  }
0x13: {  	_ =	swait.ge [sflag:s9], $0xC40  }
0x14: {  	[sflag:s9] =	ssyncset.done $0x0  }
0x15: {  	[sflag:s9] =	ssyncadd.s32 $0xFFFFF3C0  }
0x16: {  	[tilespmem:s11], [sflag:$0x1] =	stream.linear.gather [hbm4b:s2+s3], $0x80, $0x38;
	[tilespmem:$0x8800] =	vst v63  }
0x17: {  	_ =	swait.ge [sflag:s9], $0x80  }
0x18: {  	[sflag:s9] =	ssyncset.done $0x0  }
0x19: {  	[sflag:s9] =	ssyncadd.s32 $0xFFFFFF80  }
0x1a: {  	v1 =	vld [tilespmem:$0x8780]  }
0x1b: {  	s17 =	simm.s32 $0x0;
	s18 =	simm.s32 $0x200;
	v2 =	vld [tilespmem:$0x8790]  }
.LBB2_2:
0x1c: {  	p0 =	sne.s32 s18, $0x18600;
	[tilespmem:s17+$0x25F0] =	vst v0  }
0x1d: {  	[tilespmem:s17+$0x2580] =	vst v0  }
0x1e: {  	[tilespmem:s17+$0x2590] =	vst v0  }
.Ltmp0:
0x1f: {  	[tilespmem:s17+$0x25A0] =	vst v0;
	(pc) =	sbr.rel @p0 .LBB2_2-.Ltmp0, $4  }
0x20: {  	[tilespmem:s17+$0x25B0] =	vst v0  }
0x21: {  	[tilespmem:s17+$0x25C0] =	vst v0  }
0x22: {  	[tilespmem:s17+$0x25D0] =	vst v0  }
0x23: {  	[tilespmem:s17+$0x25E0] =	vst v0;
	s17 =	sshra.s32 s18, $0x2;
	s18 =	sadd.s32 $0x200, s18  }
0x24: {  	[tilespmem:s17+$0x25F0] =	vst v0  }
0x25: {  	[tilespmem:s17+$0x2580] =	vst v0  }
0x26: {  	[tilespmem:s17+$0x2590] =	vst v0  }
0x27: {  	[tilespmem:s17+$0x25A0] =	vst v0  }
0x28: {  	[tilespmem:s17+$0x25B0] =	vst v0  }
0x29: {  	[tilespmem:s17+$0x25C0] =	vst v0  }
0x2a: {  	[tilespmem:s17+$0x25D0] =	vst v0  }
0x2b: {  	[tilespmem:s17+$0x25E0] =	vst v0;
	s19 =	simm.s32 $0x0  }
0x2c: {  	v3 =	vld [tilespmem:s19+$0x0];
	_ =	sdelay $0x3  }
0x2d: {  	v1 =	vmax.f32 v1, v2  }
0x2e: {  	v2 =	vsub.f32 v3, v1;
	_ =	sdelay $0x1  }
0x2f: {  	v2 =	vmul.f32 $1.442695020e+00, v2;
	_ =	sdelay $0x1  }
0x30: {  	(erf) = vpow2.f32 v2;
	_ =	sdelay $0x2  }
0x31: {  	v2 =	vld [tilespmem:s19+$0xC80];
	_ =	sdelay $0x5  }
0x32: {  	v3 =	vpop (erf)  }
0x33: {  	[tilespmem:s19+$0x1900] =	vst v3  }
0x34: {  	[tilespmem:v2+s12+$0x0] =	vst.idx.add.f32.msk $0xffff, v3  }
0x35: {  	v2 =	vld [tilespmem:s19+$0x10];
	_ =	sdelay $0x4  }
0x36: {  	v2 =	vsub.f32 v2, v1;
	_ =	sdelay $0x1  }
0x37: {  	v2 =	vmul.f32 $1.442695020e+00, v2;
	_ =	sdelay $0x1  }
0x38: {  	(erf) = vpow2.f32 v2;
	_ =	sdelay $0x2  }
0x39: {  	v2 =	vld [tilespmem:s19+$0xC90];
	_ =	sdelay $0x5  }
0x3a: {  	v3 =	vpop (erf)  }
0x3b: {  	[tilespmem:s19+$0x1910] =	vst v3  }
0x3c: {  	[tilespmem:v2+s12+$0x0] =	vst.idx.add.f32.msk $0xffff, v3  }
0x3d: {  	v2 =	vld [tilespmem:s19+$0x20];
	_ =	sdelay $0x4  }
0x3e: {  	v2 =	vsub.f32 v2, v1;
	_ =	sdelay $0x1  }
0x3f: {  	v2 =	vmul.f32 $1.442695020e+00, v2;
	_ =	sdelay $0x1  }
0x40: {  	(erf) = vpow2.f32 v2;
	_ =	sdelay $0x2  }
0x41: {  	v2 =	vld [tilespmem:s19+$0xCA0];
	_ =	sdelay $0x5  }
0x42: {  	v3 =	vpop (erf)  }
0x43: {  	[tilespmem:s19+$0x1920] =	vst v3  }
0x44: {  	[tilespmem:v2+s12+$0x0] =	vst.idx.add.f32.msk $0xffff, v3  }
0x45: {  	v2 =	vld [tilespmem:s19+$0x30];
	_ =	sdelay $0x4  }
0x46: {  	v2 =	vsub.f32 v2, v1;
	_ =	sdelay $0x1  }
0x47: {  	v2 =	vmul.f32 $1.442695020e+00, v2;
	_ =	sdelay $0x1  }
0x48: {  	(erf) = vpow2.f32 v2;
	_ =	sdelay $0x3  }
0x49: {  	v2 =	vld [tilespmem:s19+$0xCB0];
	_ =	sdelay $0x4  }
0x4a: {  	v3 =	vpop (erf)  }
0x4b: {  	s17 =	simm.s32 $0x100;
	s18 =	simm.s32 $0x200;
	[tilespmem:s19+$0x1930] =	vst v3  }
.LBB2_4:
0x4c: {  	p0 =	sne.s32 s18, $0x3000  }
0x4d: {  	s19 =	sshra.s32 s17, $0x2;
	[tilespmem:v2+s12+$0x0] =	vst.idx.add.f32.msk $0xffff, v3;
	s17 =	smov.u32 s18;
	s18 =	sadd.s32 $0x100, s18  }
0x4e: {  	v2 =	vld [tilespmem:s19+$0x0];
	_ =	sdelay $0x4  }
0x4f: {  	v2 =	vsub.f32 v2, v1;
	_ =	sdelay $0x1  }
0x50: {  	v2 =	vmul.f32 $1.442695020e+00, v2;
	_ =	sdelay $0x1  }
0x51: {  	(erf) = vpow2.f32 v2;
	_ =	sdelay $0x2  }
0x52: {  	v2 =	vld [tilespmem:s19+$0xC80];
	_ =	sdelay $0x5  }
0x53: {  	v3 =	vpop (erf)  }
0x54: {  	[tilespmem:s19+$0x1900] =	vst v3  }
0x55: {  	[tilespmem:v2+s12+$0x0] =	vst.idx.add.f32.msk $0xffff, v3  }
0x56: {  	v2 =	vld [tilespmem:s19+$0x10];
	_ =	sdelay $0x4  }
0x57: {  	v2 =	vsub.f32 v2, v1;
	_ =	sdelay $0x1  }
0x58: {  	v2 =	vmul.f32 $1.442695020e+00, v2;
	_ =	sdelay $0x1  }
0x59: {  	(erf) = vpow2.f32 v2;
	_ =	sdelay $0x2  }
0x5a: {  	v2 =	vld [tilespmem:s19+$0xC90];
	_ =	sdelay $0x5  }
0x5b: {  	v3 =	vpop (erf)  }
0x5c: {  	[tilespmem:s19+$0x1910] =	vst v3  }
0x5d: {  	[tilespmem:v2+s12+$0x0] =	vst.idx.add.f32.msk $0xffff, v3  }
0x5e: {  	v2 =	vld [tilespmem:s19+$0x20];
	_ =	sdelay $0x4  }
0x5f: {  	v2 =	vsub.f32 v2, v1;
	_ =	sdelay $0x1  }
0x60: {  	v2 =	vmul.f32 $1.442695020e+00, v2;
	_ =	sdelay $0x1  }
0x61: {  	(erf) = vpow2.f32 v2;
	_ =	sdelay $0x2  }
0x62: {  	v2 =	vld [tilespmem:s19+$0xCA0];
	_ =	sdelay $0x5  }
0x63: {  	v3 =	vpop (erf)  }
0x64: {  	[tilespmem:s19+$0x1920] =	vst v3  }
0x65: {  	[tilespmem:v2+s12+$0x0] =	vst.idx.add.f32.msk $0xffff, v3  }
0x66: {  	v3 =	vld [tilespmem:s19+$0x30]  }
0x67: {  	v2 =	vld [tilespmem:s19+$0xCB0];
	_ =	sdelay $0x3  }
0x68: {  	v3 =	vsub.f32 v3, v1;
	_ =	sdelay $0x1  }
0x69: {  	v3 =	vmul.f32 $1.442695020e+00, v3;
	_ =	sdelay $0x1  }
0x6a: {  	(erf) = vpow2.f32 v3;
	_ =	sdelay $0x5  }
.Ltmp1:
0x6b: {  	(pc) =	sbr.rel @p0 .LBB2_4-.Ltmp1, $3  }
0x6c: {  	_ =	sdelay $0x1  }
0x6d: {  	v3 =	vpop (erf)  }
0x6e: {  	[tilespmem:s19+$0x1930] =	vst v3  }
0x6f: {  	_ =	sdelay $0x3  }
0x70: {  	s17 =	sshra.s32 s17, $0x2;
	[tilespmem:v2+s12+$0x0] =	vst.idx.add.f32.msk $0xffff, v3  }
0x71: {  	v2 =	vld [tilespmem:s17+$0x0];
	_ =	sdelay $0x4  }
0x72: {  	v2 =	vsub.f32 v2, v1;
	_ =	sdelay $0x1  }
0x73: {  	v2 =	vmul.f32 $1.442695020e+00, v2;
	_ =	sdelay $0x1  }
0x74: {  	(erf) = vpow2.f32 v2;
	_ =	sdelay $0x2  }
0x75: {  	v2 =	vld [tilespmem:s17+$0xC80];
	_ =	sdelay $0x5  }
0x76: {  	v3 =	vpop (erf)  }
0x77: {  	[tilespmem:s17+$0x1900] =	vst v3  }
0x78: {  	[tilespmem:v2+s12+$0x0] =	vst.idx.add.f32.msk $0xffff, v3  }
0x79: {  	v2 =	vld [tilespmem:s17+$0x10];
	_ =	sdelay $0x4  }
0x7a: {  	v2 =	vsub.f32 v2, v1;
	_ =	sdelay $0x1  }
0x7b: {  	v2 =	vmul.f32 $1.442695020e+00, v2;
	_ =	sdelay $0x1  }
0x7c: {  	(erf) = vpow2.f32 v2;
	_ =	sdelay $0x2  }
0x7d: {  	v2 =	vld [tilespmem:s17+$0xC90];
	_ =	sdelay $0x5  }
0x7e: {  	v3 =	vpop (erf)  }
0x7f: {  	[tilespmem:s17+$0x1910] =	vst v3  }
0x80: {  	[tilespmem:v2+s12+$0x0] =	vst.idx.add.f32.msk $0xffff, v3  }
0x81: {  	v2 =	vld [tilespmem:s17+$0x20];
	_ =	sdelay $0x4  }
0x82: {  	v2 =	vsub.f32 v2, v1;
	_ =	sdelay $0x1  }
0x83: {  	v2 =	vmul.f32 $1.442695020e+00, v2;
	_ =	sdelay $0x1  }
0x84: {  	(erf) = vpow2.f32 v2;
	_ =	sdelay $0x2  }
0x85: {  	v2 =	vld [tilespmem:s17+$0xCA0];
	_ =	sdelay $0x5  }
0x86: {  	v3 =	vpop (erf)  }
0x87: {  	[tilespmem:s17+$0x1920] =	vst v3  }
0x88: {  	[tilespmem:v2+s12+$0x0] =	vst.idx.add.f32.msk $0xffff, v3  }
0x89: {  	v2 =	vld [tilespmem:s17+$0x30];
	_ =	sdelay $0x4  }
0x8a: {  	v1 =	vsub.f32 v2, v1;
	_ =	sdelay $0x1  }
0x8b: {  	v1 =	vmul.f32 $1.442695020e+00, v1;
	_ =	sdelay $0x1  }
0x8c: {  	(erf) = vpow2.f32 v1;
	_ =	sdelay $0x2  }
0x8d: {  	v1 =	vld [tilespmem:s17+$0xCB0];
	_ =	sdelay $0x5  }
0x8e: {  	v2 =	vpop (erf)  }
0x8f: {  	[tilespmem:s17+$0x1930] =	vst v2  }
0x90: {  	[tilespmem:v1+s12+$0x0] =	vst.idx.add.f32.msk $0xffff, v2  }
0x91: {  	[hbm4b:s6+s3] =	stream.linear.scatter [tilespmem:s13], [sflag:$0x1], $0xC40, $0x38;
	[tilespmem:$0x8800] =	vst v63  }
0x92: {  	s16 =	sadd.s32 $0x1, s16;
	_ =	swait.ge [sflag:s9], $0xC40  }
0x93: {  	p0 =	sne.s32 s16, s8;
	[sflag:s9] =	ssyncset.done $0x0  }
.Ltmp2:
0x94: {  	[sflag:s9] =	ssyncadd.s32 $0xFFFFF3C0;
	(pc) =	sbr.rel @p0 .LBB2_1-.Ltmp2, $4  }
0x95: {  	[hbm4b:s7+s14] =	stream.strided.scatter [tilespmem:s12], [sflag:$0x1], $0x6200, s15, s14, $0x38;
	[tilespmem:$0x8800] =	vst v63  }
0x96: {  	_ =	swait.ge [sflag:s9], $0x6200  }
0x97: {  	[sflag:s9] =	ssyncset.done $0x0  }
0x98: {  	[sflag:s9] =	ssyncadd.s32 $0xFFFF9E00  }
0x99: {  	_ =	sfence.sel $0x180000  }
0x9a: {  	[bflag:$0x0] =	sbarrier.arrive $0xFFFF  }
0x9b: {  	p0 =	sne.s32 s0, $0x0;
	_ =	strace $0x9000004D  }
0x9c: {  	s0 =	sadd.s32 @!p0 $0x100000, s1;
	[bflag:$0x2] =	sbarrier.arrive $0xFFFF  }
0x9d: {  	[sflag:s0] =	ssyncadd.tile.s32 @!p0 $0x1;
	_ =	shalt  }
.Lfunc_end2:
_tile_overlayer_lowered:
.L_overlay_start_2:
0x9e: {  	(tag) =	ssettag $0x2  }
0x9f: {  	s0 =	rddreg [dreg:$0x0];
	s2 =	stileid.u32  }
0xa0: {  	s1 =	rddreg [dreg:$0x1];
	p0 =	sne.s32 s2, $0x0  }
0xa1: {  	s3 =	rddreg [dreg:$0x2];
	[bflag:$0x3] =	sbarrier.arrive $0xFFFF;
	s2 =	simm.s32 @!p0 $0x1C01  }
0xa2: {  	[timem:s3], [sflag:s2] =	dma.local @!p0 [hbm:s0], s1  }
0xa3: {  	s0 =	simm.s32 @!p0 $0x1  }
0xa4: {  	_ =	swait.ge @!p0 [sflag:s0], s1  }
0xa5: {  	s1 =	ssub.s32 @!p0 $0x0, s1;
	[sflag:s0] =	ssyncset.done @!p0 $0x0  }
0xa6: {  	[sflag:s0] =	ssyncadd.s32 @!p0 s1  }
0xa7: {  	[bflag:$0x3] =	sbarrier.arrive $0xFFFF  }
0xa8: {  	_ =	shalt  }

// kernel: kernel.22.cloned.1.call-start
scs
__scs_entry_jumppad:
0x0: {  	(pc) =	sbr.rel $0x88, $3  }
0x1: {  	(tag) =	ssettag $0x0;
	lr =	simm.s32 $0x1  }
0x2: {  	[smem:$0x3F8E] =	sst lr;
	_ =	strace $0xD0000000  }
0x3: {  	_ = 	snop  }
0x4: {  	_ = 	snop  }
0x5: {  	_ = 	snop  }
0x6: {  	_ = 	snop  }
0x7: {  	_ = 	snop  }
__scs_overlays_trampoline_lowered:
0x8: {  	[smem:$0x3F9D] =	sst s0  }
0x9: {  	[smem:$0x3F9E] =	sst s1  }
0xa: {  	[smem:$0x3F9F] =	sst s2  }
0xb: {  	[smem:$0x3FA0] =	sst s3  }
0xc: {  	[smem:$0x3FA1] =	sst s4  }
0xd: {  	[smem:$0x3FA2] =	sst s5  }
0xe: {  	[smem:$0x3FA3] =	sst s6  }
0xf: {  	[smem:$0x3FA4] =	sst s7  }
0x10: {  	[smem:$0x3FA5] =	sst s8  }
0x11: {  	[smem:$0x3FA6] =	sst s9;
	s0 =	simm.s32 @!p0 $0x0  }
0x12: {  	s1 =	sld [smem:$0x3F8C];
	s0 =	simm.s32 @p0 $0x1  }
0x13: {  	[smem:$0x3FA7] =	sst s0;
	s0 =	simm.s32 @!p1 $0x0  }
0x14: {  	s2 =	sld [smem:$0x3F8B];
	s0 =	simm.s32 @p1 $0x1  }
0x15: {  	[smem:$0x3FA8] =	sst s0;
	s0 =	simm.s32 @!p2 $0x0  }
0x16: {  	s3 =	sld [smem:$0x3FDB];
	s0 =	simm.s32 @p2 $0x1  }
0x17: {  	s4 =	simm.s32 $0x1BF5;
	[smem:$0x3FAA] =	sst s0  }
0x18: {  	s0 =	sld [smem:$0x3F8D];
	_ =	swait.ge [sflag:s4], $0x0  }
0x19: {  	s7 =	sld [smem:$0x3F8E]  }
0x1a: {  	s8 =	sadd.s32 $0xFFFFE003, lr  }
0x1b: {  	s9 =	sadd.s32 $0xFFFFFEF7, lr;
	s5 =	simm.s32 $0xFFFFFFFF;
	p2 =	slt.u32 s8, $0xFFFFF086  }
0x1c: {  	p1 =	slt.u32 s9, $0xF7A;
	s5 =	simm.s32 @!p2 $0x0  }
0x1d: {  	s5 =	simm.s32 @p1 $0x1;
	p0 =	seq.s32 s7, s2  }
0x1e: {  	s7 =	smul.u32 @!p0 $0xF7A, s2;
	p2 =	seq.s32 @!p0 s5, $0x0  }
0x1f: {  	s9 =	smul.u32 $0xF7A, s1;
	s8 =	simm.s32 @!p0 $0x1BF5;
	p2 =	por !p2, p0  }
0x20: {  	[sflag:s8] =	ssyncset.s32 @!p0 $0xFFFFF086;
	s6 =	sadd.s32 @!p0 s3, s7;
	s7 =	simm.s32 @!p0 $0x108  }
0x21: {  	s3 =	sadd.s32 s3, s9;
	s6 =	sadd.s32 @!p0 $0x88, s6;
	s7 =	simm.s32 @p2 $0x1082  }
0x22: {  	[simem:s7], [sflag:s8] =	dma.local @!p0 [hbm:s6], $0xF7A  }
0x23: {  	s9 =	sor.u32 $0xD0000000, s2;
	s6 =	simm.s32 $0x108;
	_ =	swait.ge @!p0 [sflag:s8], $0x0  }
0x24: {  	s3 =	sadd.s32 $0x88, s3;
	s6 =	simm.s32 @!p1 $0x1082;
	[sflag:s4] =	ssyncset.s32 $0xFFFFF086  }
0x25: {  	[simem:s6], [sflag:s4] =	dma.local [hbm:s3], $0xF7A  }
0x26: {  	[smem:$0x3F8E] =	sst s1;
	(tag) =	ssettag s2;
	_ =	strace s9  }
0x27: {  	s1 =	sld [smem:$0x3F9E]  }
0x28: {  	s2 =	sld [smem:$0x3F9F]  }
0x29: {  	s4 =	sld [smem:$0x3FA1]  }
0x2a: {  	p0 =	seq.s32 s5, $0x0;
	s5 =	sld [smem:$0x3FA2]  }
0x2b: {  	s6 =	sld [smem:$0x3FA3]  }
0x2c: {  	s7 =	sld [smem:$0x3FA4]  }
0x2d: {  	s3 =	simm.s32 $0x108;
	s8 =	sld [smem:$0x3FA5]  }
0x2e: {  	s3 =	simm.s32 @!p0 $0x1082;
	s9 =	sld [smem:$0x3FA6]  }
0x2f: {  	lr =	sadd.s32 s0, s3;
	s0 =	sld [smem:$0x3F9D]  }
0x30: {  	s3 =	sld [smem:$0x3FA0]  }
0x31: {  	[smem:$0x3FA9] =	sst s10  }
0x32: {  	s10 =	sld [smem:$0x3FA7];
	_ =	sdelay $0x3  }
0x33: {  	p0 =	seq.s32 s10, $0x1;
	s10 =	sld [smem:$0x3FA9];
	_ =	sdelay $0x3  }
0x34: {  	[smem:$0x3FA9] =	sst s10  }
0x35: {  	s10 =	sld [smem:$0x3FA8];
	_ =	sdelay $0x3  }
0x36: {  	p1 =	seq.s32 s10, $0x1;
	s10 =	sld [smem:$0x3FA9];
	_ =	sdelay $0x3  }
0x37: {  	[smem:$0x3FA9] =	sst s10  }
0x38: {  	s10 =	sld [smem:$0x3FAA]  }
0x39: {  	_ = 	snop;
	(pc) =	sbr.ind lr, $3  }
0x3a: {  	_ = 	snop  }
0x3b: {  	_ = 	snop  }
0x3c: {  	p2 =	seq.s32 s10, $0x1;
	s10 =	sld [smem:$0x3FA9]  }
0x3d: {  	_ =	shalt  }
0x3e: {  	_ =	shalt  }
0x3f: {  	_ =	shalt  }
0x40: {  	_ =	shalt  }
0x41: {  	_ =	shalt  }
0x42: {  	_ =	shalt  }
0x43: {  	_ =	shalt  }
0x44: {  	_ =	shalt  }
0x45: {  	_ =	shalt  }
0x46: {  	_ =	shalt  }
0x47: {  	_ =	shalt  }
0x48: {  	_ =	shalt  }
0x49: {  	_ =	shalt  }
0x4a: {  	_ =	shalt  }
0x4b: {  	_ =	shalt  }
0x4c: {  	_ =	shalt  }
0x4d: {  	_ =	shalt  }
0x4e: {  	_ =	shalt  }
0x4f: {  	_ =	shalt  }
0x50: {  	_ =	shalt  }
0x51: {  	_ =	shalt  }
0x52: {  	_ =	shalt  }
0x53: {  	_ =	shalt  }
0x54: {  	_ =	shalt  }
0x55: {  	_ =	shalt  }
0x56: {  	_ =	shalt  }
0x57: {  	_ =	shalt  }
0x58: {  	_ =	shalt  }
0x59: {  	_ =	shalt  }
0x5a: {  	_ =	shalt  }
0x5b: {  	_ =	shalt  }
0x5c: {  	_ =	shalt  }
0x5d: {  	_ =	shalt  }
0x5e: {  	_ =	shalt  }
0x5f: {  	_ =	shalt  }
0x60: {  	_ =	shalt  }
0x61: {  	_ =	shalt  }
0x62: {  	_ =	shalt  }
0x63: {  	_ =	shalt  }
0x64: {  	_ =	shalt  }
0x65: {  	_ =	shalt  }
0x66: {  	_ =	shalt  }
0x67: {  	_ =	shalt  }
0x68: {  	_ =	shalt  }
0x69: {  	_ =	shalt  }
0x6a: {  	_ =	shalt  }
0x6b: {  	_ =	shalt  }
0x6c: {  	_ =	shalt  }
0x6d: {  	_ =	shalt  }
0x6e: {  	_ =	shalt  }
0x6f: {  	_ =	shalt  }
0x70: {  	_ =	shalt  }
0x71: {  	_ =	shalt  }
0x72: {  	_ =	shalt  }
0x73: {  	_ =	shalt  }
0x74: {  	_ =	shalt  }
0x75: {  	_ =	shalt  }
0x76: {  	_ =	shalt  }
0x77: {  	_ =	shalt  }
0x78: {  	_ =	shalt  }
0x79: {  	_ =	shalt  }
0x7a: {  	_ =	shalt  }
0x7b: {  	_ =	shalt  }
0x7c: {  	_ =	shalt  }
0x7d: {  	_ =	shalt  }
0x7e: {  	_ =	shalt  }
0x7f: {  	_ =	shalt  }
0x80: {  	_ =	shalt  }
0x81: {  	_ =	shalt  }
0x82: {  	_ =	shalt  }
0x83: {  	_ =	shalt  }
0x84: {  	_ =	shalt  }
0x85: {  	_ =	shalt  }
0x86: {  	_ =	shalt  }
0x87: {  	_ =	shalt  }
.Lfunc_end0:
.L_simem_size_0:
called_computation.3_lowered:
.L_overlay_start_0:
0x88: {  	s2 =	sld [smem:$0x3FD9]  }
0x89: {  	s3 =	sld [smem:$0x3FFE];
	_ =	sdelay $0x1  }
0x8a: {  	s1 =	srdreg.scid  }
0x8b: {  	s0 =	sand.u32 $0x1, s1  }
0x8c: {  	s17 =	sshll.u32 s0, $0xA;
	s2 =	sadd.s32 s3, s2  }
0x8d: {  	s2 =	sadd.s32 s2, s17  }
0x8e: {  	[smem:$0x3FB5] =	sst s2  }
0x8f: {  	_ = 	snop  }
0x90: {  	s2 =	sld [smem:$0x3FD0];
	(tm) =	ssettm $0x1  }
0x91: {  	s18 =	sld [smem:$0x3FFB];
	_ =	sdelay $0x3  }
0x92: {  	_ =	strace s18  }
0x93: {  	s3 =	sld [smem:$0x3FFC];
	_ =	sdelay $0x3  }
0x94: {  	_ =	strace s3  }
0x95: {  	s3 =	sld [smem:$0x3FFD];
	_ =	sdelay $0x3  }
0x96: {  	_ =	strace s3  }
0x97: {  	_ =	strace $0x8FFFFFFF  }
0x98: {  	s19 =	sld [smem:$0x3FDB];
	_ =	sdelay $0x1  }
0x99: {  	s4 =	simm.s32 $_scs_section_size  }
0x9a: {  	s5 =	simm.s32 $_size__tile_overlayer_lowered;
	s6 =	simm.s32 $_tile_overlayer_lowered  }
0x9b: {  	s22 =	simm.s32 $0x1BFF;
	s21 =	sshll.u32 s6, $0x1;
	s3 =	sadd.s32 s4, s19  }
0x9c: {  	s7 =	simm.s32 $0x0;
	s20 =	sshll.u32 s5, $0x1;
	s5 =	sadd.s32 s21, s3  }
0x9d: {  	[timem:s7], [sflag:s22] =	dma.local [hbm:s5], s20  }
0x9e: {  	_ =	swait.ge [sflag:s22], s20  }
0x9f: {  	s4 =	ssub.s32 $0x0, s20;
	[sflag:s22] =	ssyncset.done $0x0  }
0xa0: {  	[sflag:s22] =	ssyncadd.s32 s4;
	_ =	sdelay $0x1  }
0xa1: {  	s23 =	simm.s32 $0x1B8B  }
0xa2: {  	_ =	swait.ge [sflag:s23], $0x1  }
0xa3: {  	[sflag:s23] =	ssyncset.done $0x0  }
0xa4: {  	s25 =	simm.s32 $0x1B8E;
	s24 =	sld [smem:$0x3FFE];
	[sflag:s23] =	ssyncadd.s32 $0xFFFFFFFF  }
0xa5: {  	s26 =	simm.s32 $execute0_lowered;
	[smem:$0x3FD2] =	sst s25  }
0xa6: {  	s5 =	sshll.u32 s26, $0x1;
	_ =	strace $0x8000004F;
	[dreg:$0x1] =	wrdreg $0xFFFFFFFF  }
0xa7: {  	s28 =	simm.s32 $_size_execute0_lowered;
	s3 =	sadd.s32 s3, s5;
	[dreg:$0x0] =	wrdreg $0x0  }
0xa8: {  	s5 =	sshll.u32 s28, $0x1;
	[dreg:$0x2] =	wrdreg s3  }
0xa9: {  	[dreg:$0x3] =	wrdreg s5  }
0xaa: {  	[dreg:$0x4] =	wrdreg $0xC0  }
0xab: {  	_ =	task [dreg:s7], $0x5FFFF  }
0xac: {  	[dreg:$0x1] =	wrdreg $0xFFFFFFFF  }
0xad: {  	[dreg:$0x0] =	wrdreg $0x60  }
0xae: {  	[dreg:$0x2] =	wrdreg s24  }
0xaf: {  	[dreg:$0x3] =	wrdreg s2  }
0xb0: {  	[dreg:$0x4] =	wrdreg $0x9  }
0xb1: {  	_ =	task.clear_ibuf [dreg:s7], $0x5FFFF;
	_ =	strace $0x9000004F  }
0xb2: {  	s29 =	simm.s32 $0x9;
	_ =	strace $0x80000051  }
0xb3: {  	_ =	swait.ge [sflag:s29], $0x1  }
0xb4: {  	[sflag:s29] =	ssyncadd.s32 $0xFFFFFFFF  }
0xb5: {  	_ =	strace $0x90000051  }
0xb6: {  	_ =	sfence  }
0xb7: {  	s30 =	sld [smem:$0x0];
	_ =	sdelay $0x2  }
0xb8: {  	s31 =	sshll.u32 s1, $0xD;
	s1 =	sshrl.u32 s1, $0x2  }
0xb9: {  	s3 =	sand.u32 $0x4000, s31;
	s1 =	sadd.s32 s1, s30  }
0xba: {  	s0 =	sor.u32 s3, s0;
	s1 =	sshll.u32 s1, $0x11  }
0xbb: {  	s0 =	sor.u32 s1, s0  }
0xbc: {  	s0 =	sadd.s32 $0x8F2B, s0  }
0xbd: {  	[sflag:s0] =	ssyncadd.remote.s32 $0x1  }
0xbe: {  	_ =	sfence.sel $0xFFFF  }
0xbf: {  	[dreg:$0x0] =	wrdreg $0xFFFFFFFF;
	(pc) =	sbr.abs _section_cstart, $3  }
0xc0: {  	[dreg:$0x1] =	wrdreg $0xFFFFFFFF  }
0xc1: {  	_ =	task.clear_ibuf [dreg:s7], $0x2FFFF;
	_ =	strace $0x9FFFFFFF  }
0xc2: {  	(tm) =	ssettm $0x7FFFFFFF  }
0xc3: {  	_ =	shalt  }
tec
execute0_lowered:
.L_overlay_start_1:
0x0: {  	(tag) =	ssettag $0x1  }
0x1: {  	s4 =	rddreg [dreg:$0x0];
	s1 =	srdreg.scid  }
0x2: {  	s0 =	stileid.u32;
	s2 =	rddreg [dreg:$0x1]  }
0x3: {  	s3 =	simm.s32 $0x0;
	s11 =	simm.s32 $0xC80;
	s12 =	simm.s32 $0x1900  }
0x4: {  	s13 =	simm.s32 $0x2580;
	s14 =	simm.s32 $0x9400;
	s15 =	simm.s32 $0x8780  }
0x5: {  	s5 =	sand.u32 $0x1, s1;
	s6 =	sshll.u32 s0, $0x1;
	s1 =	rddreg [dreg:$0x2]  }
0x6: {  	s16 =	simm.s32 $0x0;
	[smem:$0x7FF] =	sst s3;
	s6 =	sor.u32 s5, s6  }
0x7: {  	s5 =	ssub.s32 $0x2, s5;
	s7 =	smul.u32 $0x188, s6;
	s6 =	sshll.u32 s6, $0x4  }
0x8: {  	_ =	strace $0x80000050;
	s8 =	sshrl.u32 s5, $0x1;
	s9 =	sadd.s32 s6, s4  }
0x9: {  	s10 =	ssub.s32 s5, s8;
	s7 =	sadd.s32 s7, s4;
	s8 =	sadd.s32 $0x5A00, s9  }
0xa: {  	s9 =	smax.u32 s10, $0x1;
	s10 =	simm.s32 $0x1;
	s4 =	sadd.s32 $0x457C00, s7  }
0xb: {  	v0 =	vimm.f32 $0.0e+00;
	s5 =	sadd.s32 $0x21400, s7;
	s6 =	sadd.s32 $0x454A00, s7;
	s7 =	sadd.s32 $0x5C00, s7  }
.LBB2_1:
0xc: {  	[tilespmem:s3], [sflag:$0x1] =	stream.linear.gather [hbm4b:s5+s3], $0xC40, $0x38;
	[tilespmem:$0x9480] =	vst v63  }
0xd: {  	_ =	swait.ge [sflag:s10], $0xC40  }
0xe: {  	[sflag:s10] =	ssyncset.done $0x0  }
0xf: {  	[sflag:s10] =	ssyncadd.s32 $0xFFFFF3C0  }
0x10: {  	[tilespmem:s11], [sflag:$0x1] =	stream.linear.gather [hbm4b:s4+s3], $0xC40, $0x38;
	[tilespmem:$0x9480] =	vst v63  }
0x11: {  	_ =	swait.ge [sflag:s10], $0xC40  }
0x12: {  	[sflag:s10] =	ssyncset.done $0x0  }
0x13: {  	[sflag:s10] =	ssyncadd.s32 $0xFFFFF3C0  }
0x14: {  	[tilespmem:s12], [sflag:$0x1] =	stream.linear.gather [hbm4b:s6+s3], $0xC40, $0x38;
	[tilespmem:$0x9480] =	vst v63  }
0x15: {  	_ =	swait.ge [sflag:s10], $0xC40  }
0x16: {  	[sflag:s10] =	ssyncset.done $0x0  }
0x17: {  	[sflag:s10] =	ssyncadd.s32 $0xFFFFF3C0  }
0x18: {  	[tilespmem:s13], [sflag:$0x1] =	stream.linear.gather [hbm4b:s2+s3], $0x6200, $0x38;
	[tilespmem:$0x9480] =	vst v63  }
0x19: {  	_ =	swait.ge [sflag:s10], $0x6200  }
0x1a: {  	[sflag:s10] =	ssyncset.done $0x0  }
0x1b: {  	[sflag:s10] =	ssyncadd.s32 $0xFFFF9E00  }
0x1c: {  	[tilespmem:$0x9400] =	vst v0  }
0x1d: {  	[tilespmem:$0x9410] =	vst v0  }
0x1e: {  	[tilespmem:$0x9420] =	vst v0  }
0x1f: {  	s17 =	simm.s32 $0x0;
	[tilespmem:$0x9430] =	vst v0  }
.LBB2_2:
0x20: {  	s18 =	sshra.s32 s17, $0x2  }
0x21: {  	v1 =	vld [tilespmem:s18+$0xC80];
	_ =	sdelay $0x7  }
0x22: {  	v1 =	vld.idx.msk [tilespmem:v1+s13+$0x0], $0xffff;
	_ =	sdelay $0x4  }
0x23: {  	v1 =	vmax.f32 v1, $1.000000000e-30  }
0x24: {  	(erf) = vrcp.f32 v1;
	_ =	sdelay $0x3  }
0x25: {  	v2 =	vld [tilespmem:s18+$0x1900]  }
0x26: {  	v1 =	vld [tilespmem:s18+$0x0];
	_ =	sdelay $0x3  }
0x27: {  	v3 =	vpop (erf)  }
0x28: {  	v1 =	vmul.f32 v3, v1;
	_ =	sdelay $0x1  }
0x29: {  	[tilespmem:s18+$0x8780] =	vst v1  }
0x2a: {  	[tilespmem:v2+s14+$0x0] =	vst.idx.add.f32.msk $0xffff, v1  }
0x2b: {  	v1 =	vld [tilespmem:s18+$0xC90];
	_ =	sdelay $0x7  }
0x2c: {  	v1 =	vld.idx.msk [tilespmem:v1+s13+$0x0], $0xffff;
	_ =	sdelay $0x4  }
0x2d: {  	v1 =	vmax.f32 v1, $1.000000000e-30  }
0x2e: {  	(erf) = vrcp.f32 v1;
	_ =	sdelay $0x3  }
0x2f: {  	v2 =	vld [tilespmem:s18+$0x1910]  }
0x30: {  	v1 =	vld [tilespmem:s18+$0x10];
	_ =	sdelay $0x3  }
0x31: {  	v3 =	vpop (erf)  }
0x32: {  	v1 =	vmul.f32 v3, v1;
	_ =	sdelay $0x1  }
0x33: {  	[tilespmem:s18+$0x8790] =	vst v1  }
0x34: {  	[tilespmem:v2+s14+$0x0] =	vst.idx.add.f32.msk $0xffff, v1  }
0x35: {  	v1 =	vld [tilespmem:s18+$0xCA0];
	_ =	sdelay $0x7  }
0x36: {  	v1 =	vld.idx.msk [tilespmem:v1+s13+$0x0], $0xffff;
	_ =	sdelay $0x4  }
0x37: {  	v1 =	vmax.f32 v1, $1.000000000e-30  }
0x38: {  	(erf) = vrcp.f32 v1;
	_ =	sdelay $0x3  }
0x39: {  	v2 =	vld [tilespmem:s18+$0x1920]  }
0x3a: {  	v1 =	vld [tilespmem:s18+$0x20];
	_ =	sdelay $0x3  }
0x3b: {  	v3 =	vpop (erf)  }
0x3c: {  	v1 =	vmul.f32 v3, v1;
	_ =	sdelay $0x1  }
0x3d: {  	[tilespmem:s18+$0x87A0] =	vst v1  }
0x3e: {  	[tilespmem:v2+s14+$0x0] =	vst.idx.add.f32.msk $0xffff, v1  }
0x3f: {  	v1 =	vld [tilespmem:s18+$0xCB0];
	_ =	sdelay $0x7  }
0x40: {  	v1 =	vld.idx.msk [tilespmem:v1+s13+$0x0], $0xffff;
	_ =	sdelay $0x4  }
0x41: {  	v1 =	vmax.f32 v1, $1.000000000e-30  }
0x42: {  	(erf) = vrcp.f32 v1;
	_ =	sdelay $0x3  }
0x43: {  	v2 =	vld [tilespmem:s18+$0x1930]  }
0x44: {  	v1 =	vld [tilespmem:s18+$0x30];
	_ =	sdelay $0x2  }
0x45: {  	p0 =	sne.s32 s17, $0x3000  }
.Ltmp0:
0x46: {  	v3 =	vpop (erf);
	(pc) =	sbr.rel @p0 .LBB2_2-.Ltmp0, $3  }
0x47: {  	v1 =	vmul.f32 v3, v1;
	_ =	sdelay $0x1  }
0x48: {  	[tilespmem:s18+$0x87B0] =	vst v1  }
0x49: {  	s17 =	sadd.s32 $0x100, s17;
	[tilespmem:v2+s14+$0x0] =	vst.idx.add.f32.msk $0xffff, v1  }
0x4a: {  	[hbm4b:s7+s3] =	stream.linear.scatter [tilespmem:s15], [sflag:$0x1], $0xC40, $0x38;
	[tilespmem:$0x9480] =	vst v63  }
0x4b: {  	s16 =	sadd.s32 $0x1, s16;
	_ =	swait.ge [sflag:s10], $0xC40  }
0x4c: {  	p0 =	sne.s32 s16, s9;
	[sflag:s10] =	ssyncset.done $0x0  }
.Ltmp1:
0x4d: {  	[sflag:s10] =	ssyncadd.s32 $0xFFFFF3C0;
	(pc) =	sbr.rel @p0 .LBB2_1-.Ltmp1, $4  }
0x4e: {  	[hbm4b:s8+s3] =	stream.linear.scatter [tilespmem:s14], [sflag:$0x1], $0x80, $0x38;
	[tilespmem:$0x9480] =	vst v63  }
0x4f: {  	_ =	swait.ge [sflag:s10], $0x80  }
0x50: {  	[sflag:s10] =	ssyncset.done $0x0  }
0x51: {  	[sflag:s10] =	ssyncadd.s32 $0xFFFFFF80  }
0x52: {  	_ =	sfence.sel $0x180000  }
0x53: {  	[bflag:$0x0] =	sbarrier.arrive $0xFFFF  }
0x54: {  	p0 =	sne.s32 s0, $0x0;
	_ =	strace $0x90000050  }
0x55: {  	s0 =	sadd.s32 @!p0 $0x100000, s1;
	[bflag:$0x2] =	sbarrier.arrive $0xFFFF  }
0x56: {  	[sflag:s0] =	ssyncadd.tile.s32 @!p0 $0x1;
	_ =	shalt  }
.Lfunc_end2:
_tile_overlayer_lowered:
.L_overlay_start_2:
0x57: {  	(tag) =	ssettag $0x2  }
0x58: {  	s0 =	rddreg [dreg:$0x0];
	s2 =	stileid.u32  }
0x59: {  	s1 =	rddreg [dreg:$0x1];
	p0 =	sne.s32 s2, $0x0  }
0x5a: {  	s3 =	rddreg [dreg:$0x2];
	[bflag:$0x3] =	sbarrier.arrive $0xFFFF;
	s2 =	simm.s32 @!p0 $0x1C01  }
0x5b: {  	[timem:s3], [sflag:s2] =	dma.local @!p0 [hbm:s0], s1  }
0x5c: {  	s0 =	simm.s32 @!p0 $0x1  }
0x5d: {  	_ =	swait.ge @!p0 [sflag:s0], s1  }
0x5e: {  	s1 =	ssub.s32 @!p0 $0x0, s1;
	[sflag:s0] =	ssyncset.done @!p0 $0x0  }
0x5f: {  	[sflag:s0] =	ssyncadd.s32 @!p0 s1  }
0x60: {  	[bflag:$0x3] =	sbarrier.arrive $0xFFFF  }
0x61: {  	_ =	shalt  }

// kernel: kernel.25.cloned.1.call-start
scs
__scs_entry_jumppad:
0x0: {  	(pc) =	sbr.rel $0x88, $3  }
0x1: {  	(tag) =	ssettag $0x0;
	lr =	simm.s32 $0x1  }
0x2: {  	[smem:$0x3F8E] =	sst lr;
	_ =	strace $0xD0000000  }
0x3: {  	_ = 	snop  }
0x4: {  	_ = 	snop  }
0x5: {  	_ = 	snop  }
0x6: {  	_ = 	snop  }
0x7: {  	_ = 	snop  }
__scs_overlays_trampoline_lowered:
0x8: {  	[smem:$0x3F9D] =	sst s0  }
0x9: {  	[smem:$0x3F9E] =	sst s1  }
0xa: {  	[smem:$0x3F9F] =	sst s2  }
0xb: {  	[smem:$0x3FA0] =	sst s3  }
0xc: {  	[smem:$0x3FA1] =	sst s4  }
0xd: {  	[smem:$0x3FA2] =	sst s5  }
0xe: {  	[smem:$0x3FA3] =	sst s6  }
0xf: {  	[smem:$0x3FA4] =	sst s7  }
0x10: {  	[smem:$0x3FA5] =	sst s8  }
0x11: {  	[smem:$0x3FA6] =	sst s9;
	s0 =	simm.s32 @!p0 $0x0  }
0x12: {  	s1 =	sld [smem:$0x3F8C];
	s0 =	simm.s32 @p0 $0x1  }
0x13: {  	[smem:$0x3FA7] =	sst s0;
	s0 =	simm.s32 @!p1 $0x0  }
0x14: {  	s2 =	sld [smem:$0x3F8B];
	s0 =	simm.s32 @p1 $0x1  }
0x15: {  	[smem:$0x3FA8] =	sst s0;
	s0 =	simm.s32 @!p2 $0x0  }
0x16: {  	s3 =	sld [smem:$0x3FDB];
	s0 =	simm.s32 @p2 $0x1  }
0x17: {  	s4 =	simm.s32 $0x1BF5;
	[smem:$0x3FAA] =	sst s0  }
0x18: {  	s0 =	sld [smem:$0x3F8D];
	_ =	swait.ge [sflag:s4], $0x0  }
0x19: {  	s7 =	sld [smem:$0x3F8E]  }
0x1a: {  	s8 =	sadd.s32 $0xFFFFE003, lr  }
0x1b: {  	s9 =	sadd.s32 $0xFFFFFEF7, lr;
	s5 =	simm.s32 $0xFFFFFFFF;
	p2 =	slt.u32 s8, $0xFFFFF086  }
0x1c: {  	p1 =	slt.u32 s9, $0xF7A;
	s5 =	simm.s32 @!p2 $0x0  }
0x1d: {  	s5 =	simm.s32 @p1 $0x1;
	p0 =	seq.s32 s7, s2  }
0x1e: {  	s7 =	smul.u32 @!p0 $0xF7A, s2;
	p2 =	seq.s32 @!p0 s5, $0x0  }
0x1f: {  	s9 =	smul.u32 $0xF7A, s1;
	s8 =	simm.s32 @!p0 $0x1BF5;
	p2 =	por !p2, p0  }
0x20: {  	[sflag:s8] =	ssyncset.s32 @!p0 $0xFFFFF086;
	s6 =	sadd.s32 @!p0 s3, s7;
	s7 =	simm.s32 @!p0 $0x108  }
0x21: {  	s3 =	sadd.s32 s3, s9;
	s6 =	sadd.s32 @!p0 $0x88, s6;
	s7 =	simm.s32 @p2 $0x1082  }
0x22: {  	[simem:s7], [sflag:s8] =	dma.local @!p0 [hbm:s6], $0xF7A  }
0x23: {  	s9 =	sor.u32 $0xD0000000, s2;
	s6 =	simm.s32 $0x108;
	_ =	swait.ge @!p0 [sflag:s8], $0x0  }
0x24: {  	s3 =	sadd.s32 $0x88, s3;
	s6 =	simm.s32 @!p1 $0x1082;
	[sflag:s4] =	ssyncset.s32 $0xFFFFF086  }
0x25: {  	[simem:s6], [sflag:s4] =	dma.local [hbm:s3], $0xF7A  }
0x26: {  	[smem:$0x3F8E] =	sst s1;
	(tag) =	ssettag s2;
	_ =	strace s9  }
0x27: {  	s1 =	sld [smem:$0x3F9E]  }
0x28: {  	s2 =	sld [smem:$0x3F9F]  }
0x29: {  	s4 =	sld [smem:$0x3FA1]  }
0x2a: {  	p0 =	seq.s32 s5, $0x0;
	s5 =	sld [smem:$0x3FA2]  }
0x2b: {  	s6 =	sld [smem:$0x3FA3]  }
0x2c: {  	s7 =	sld [smem:$0x3FA4]  }
0x2d: {  	s3 =	simm.s32 $0x108;
	s8 =	sld [smem:$0x3FA5]  }
0x2e: {  	s3 =	simm.s32 @!p0 $0x1082;
	s9 =	sld [smem:$0x3FA6]  }
0x2f: {  	lr =	sadd.s32 s0, s3;
	s0 =	sld [smem:$0x3F9D]  }
0x30: {  	s3 =	sld [smem:$0x3FA0]  }
0x31: {  	[smem:$0x3FA9] =	sst s10  }
0x32: {  	s10 =	sld [smem:$0x3FA7];
	_ =	sdelay $0x3  }
0x33: {  	p0 =	seq.s32 s10, $0x1;
	s10 =	sld [smem:$0x3FA9];
	_ =	sdelay $0x3  }
0x34: {  	[smem:$0x3FA9] =	sst s10  }
0x35: {  	s10 =	sld [smem:$0x3FA8];
	_ =	sdelay $0x3  }
0x36: {  	p1 =	seq.s32 s10, $0x1;
	s10 =	sld [smem:$0x3FA9];
	_ =	sdelay $0x3  }
0x37: {  	[smem:$0x3FA9] =	sst s10  }
0x38: {  	s10 =	sld [smem:$0x3FAA]  }
0x39: {  	_ = 	snop;
	(pc) =	sbr.ind lr, $3  }
0x3a: {  	_ = 	snop  }
0x3b: {  	_ = 	snop  }
0x3c: {  	p2 =	seq.s32 s10, $0x1;
	s10 =	sld [smem:$0x3FA9]  }
0x3d: {  	_ =	shalt  }
0x3e: {  	_ =	shalt  }
0x3f: {  	_ =	shalt  }
0x40: {  	_ =	shalt  }
0x41: {  	_ =	shalt  }
0x42: {  	_ =	shalt  }
0x43: {  	_ =	shalt  }
0x44: {  	_ =	shalt  }
0x45: {  	_ =	shalt  }
0x46: {  	_ =	shalt  }
0x47: {  	_ =	shalt  }
0x48: {  	_ =	shalt  }
0x49: {  	_ =	shalt  }
0x4a: {  	_ =	shalt  }
0x4b: {  	_ =	shalt  }
0x4c: {  	_ =	shalt  }
0x4d: {  	_ =	shalt  }
0x4e: {  	_ =	shalt  }
0x4f: {  	_ =	shalt  }
0x50: {  	_ =	shalt  }
0x51: {  	_ =	shalt  }
0x52: {  	_ =	shalt  }
0x53: {  	_ =	shalt  }
0x54: {  	_ =	shalt  }
0x55: {  	_ =	shalt  }
0x56: {  	_ =	shalt  }
0x57: {  	_ =	shalt  }
0x58: {  	_ =	shalt  }
0x59: {  	_ =	shalt  }
0x5a: {  	_ =	shalt  }
0x5b: {  	_ =	shalt  }
0x5c: {  	_ =	shalt  }
0x5d: {  	_ =	shalt  }
0x5e: {  	_ =	shalt  }
0x5f: {  	_ =	shalt  }
0x60: {  	_ =	shalt  }
0x61: {  	_ =	shalt  }
0x62: {  	_ =	shalt  }
0x63: {  	_ =	shalt  }
0x64: {  	_ =	shalt  }
0x65: {  	_ =	shalt  }
0x66: {  	_ =	shalt  }
0x67: {  	_ =	shalt  }
0x68: {  	_ =	shalt  }
0x69: {  	_ =	shalt  }
0x6a: {  	_ =	shalt  }
0x6b: {  	_ =	shalt  }
0x6c: {  	_ =	shalt  }
0x6d: {  	_ =	shalt  }
0x6e: {  	_ =	shalt  }
0x6f: {  	_ =	shalt  }
0x70: {  	_ =	shalt  }
0x71: {  	_ =	shalt  }
0x72: {  	_ =	shalt  }
0x73: {  	_ =	shalt  }
0x74: {  	_ =	shalt  }
0x75: {  	_ =	shalt  }
0x76: {  	_ =	shalt  }
0x77: {  	_ =	shalt  }
0x78: {  	_ =	shalt  }
0x79: {  	_ =	shalt  }
0x7a: {  	_ =	shalt  }
0x7b: {  	_ =	shalt  }
0x7c: {  	_ =	shalt  }
0x7d: {  	_ =	shalt  }
0x7e: {  	_ =	shalt  }
0x7f: {  	_ =	shalt  }
0x80: {  	_ =	shalt  }
0x81: {  	_ =	shalt  }
0x82: {  	_ =	shalt  }
0x83: {  	_ =	shalt  }
0x84: {  	_ =	shalt  }
0x85: {  	_ =	shalt  }
0x86: {  	_ =	shalt  }
0x87: {  	_ =	shalt  }
.Lfunc_end0:
.L_simem_size_0:
called_computation.4_lowered:
.L_overlay_start_0:
0x88: {  	s2 =	sld [smem:$0x3FD9]  }
0x89: {  	s3 =	sld [smem:$0x3FFE];
	_ =	sdelay $0x1  }
0x8a: {  	s1 =	srdreg.scid  }
0x8b: {  	s0 =	sand.u32 $0x1, s1  }
0x8c: {  	s17 =	sshll.u32 s0, $0xA;
	s2 =	sadd.s32 s3, s2  }
0x8d: {  	s2 =	sadd.s32 s2, s17  }
0x8e: {  	[smem:$0x3FB5] =	sst s2  }
0x8f: {  	_ = 	snop  }
0x90: {  	s2 =	sld [smem:$0x3FD0];
	(tm) =	ssettm $0x1  }
0x91: {  	s18 =	sld [smem:$0x3FFB];
	_ =	sdelay $0x3  }
0x92: {  	_ =	strace s18  }
0x93: {  	s3 =	sld [smem:$0x3FFC];
	_ =	sdelay $0x3  }
0x94: {  	_ =	strace s3  }
0x95: {  	s3 =	sld [smem:$0x3FFD];
	_ =	sdelay $0x3  }
0x96: {  	_ =	strace s3  }
0x97: {  	_ =	strace $0x8FFFFFFF  }
0x98: {  	s19 =	sld [smem:$0x3FDB];
	_ =	sdelay $0x1  }
0x99: {  	s4 =	simm.s32 $_scs_section_size  }
0x9a: {  	s5 =	simm.s32 $_size__tile_overlayer_lowered;
	s6 =	simm.s32 $_tile_overlayer_lowered  }
0x9b: {  	s22 =	simm.s32 $0x1BFF;
	s21 =	sshll.u32 s6, $0x1;
	s3 =	sadd.s32 s4, s19  }
0x9c: {  	s7 =	simm.s32 $0x0;
	s20 =	sshll.u32 s5, $0x1;
	s5 =	sadd.s32 s21, s3  }
0x9d: {  	[timem:s7], [sflag:s22] =	dma.local [hbm:s5], s20  }
0x9e: {  	_ =	swait.ge [sflag:s22], s20  }
0x9f: {  	s4 =	ssub.s32 $0x0, s20;
	[sflag:s22] =	ssyncset.done $0x0  }
0xa0: {  	[sflag:s22] =	ssyncadd.s32 s4;
	_ =	sdelay $0x1  }
0xa1: {  	s23 =	simm.s32 $0x1B8B  }
0xa2: {  	_ =	swait.ge [sflag:s23], $0x1  }
0xa3: {  	[sflag:s23] =	ssyncset.done $0x0  }
0xa4: {  	s25 =	simm.s32 $0x1B8E;
	s24 =	sld [smem:$0x3FFE];
	[sflag:s23] =	ssyncadd.s32 $0xFFFFFFFF  }
0xa5: {  	s26 =	simm.s32 $execute0_lowered;
	[smem:$0x3FD2] =	sst s25  }
0xa6: {  	s5 =	sshll.u32 s26, $0x1;
	_ =	strace $0x80000052;
	[dreg:$0x1] =	wrdreg $0xFFFFFFFF  }
0xa7: {  	s28 =	simm.s32 $_size_execute0_lowered;
	s3 =	sadd.s32 s3, s5;
	[dreg:$0x0] =	wrdreg $0x0  }
0xa8: {  	s5 =	sshll.u32 s28, $0x1;
	[dreg:$0x2] =	wrdreg s3  }
0xa9: {  	[dreg:$0x3] =	wrdreg s5  }
0xaa: {  	[dreg:$0x4] =	wrdreg $0xC0  }
0xab: {  	_ =	task [dreg:s7], $0x5FFFF  }
0xac: {  	[dreg:$0x1] =	wrdreg $0xFFFFFFFF  }
0xad: {  	[dreg:$0x0] =	wrdreg $0x60  }
0xae: {  	[dreg:$0x2] =	wrdreg s24  }
0xaf: {  	[dreg:$0x3] =	wrdreg s2  }
0xb0: {  	[dreg:$0x4] =	wrdreg $0x9  }
0xb1: {  	_ =	task.clear_ibuf [dreg:s7], $0x5FFFF;
	_ =	strace $0x90000052  }
0xb2: {  	s29 =	simm.s32 $0x9;
	_ =	strace $0x80000054  }
0xb3: {  	_ =	swait.ge [sflag:s29], $0x1  }
0xb4: {  	[sflag:s29] =	ssyncadd.s32 $0xFFFFFFFF  }
0xb5: {  	_ =	strace $0x90000054  }
0xb6: {  	_ =	sfence  }
0xb7: {  	s30 =	sld [smem:$0x0];
	_ =	sdelay $0x2  }
0xb8: {  	s31 =	sshll.u32 s1, $0xD;
	s1 =	sshrl.u32 s1, $0x2  }
0xb9: {  	s3 =	sand.u32 $0x4000, s31;
	s1 =	sadd.s32 s1, s30  }
0xba: {  	s0 =	sor.u32 s3, s0;
	s1 =	sshll.u32 s1, $0x11  }
0xbb: {  	s0 =	sor.u32 s1, s0  }
0xbc: {  	s0 =	sadd.s32 $0x8F2B, s0  }
0xbd: {  	[sflag:s0] =	ssyncadd.remote.s32 $0x1  }
0xbe: {  	_ =	sfence.sel $0xFFFF  }
0xbf: {  	[dreg:$0x0] =	wrdreg $0xFFFFFFFF;
	(pc) =	sbr.abs _section_cstart, $3  }
0xc0: {  	[dreg:$0x1] =	wrdreg $0xFFFFFFFF  }
0xc1: {  	_ =	task.clear_ibuf [dreg:s7], $0x2FFFF;
	_ =	strace $0x9FFFFFFF  }
0xc2: {  	(tm) =	ssettm $0x7FFFFFFF  }
0xc3: {  	_ =	shalt  }
tec
execute0_lowered:
.L_overlay_start_1:
0x0: {  	(tag) =	ssettag $0x1  }
0x1: {  	s1 =	srdreg.scid;
	s5 =	rddreg [dreg:$0x0]  }
0x2: {  	s0 =	stileid.u32;
	s2 =	rddreg [dreg:$0x1]  }
0x3: {  	s3 =	simm.s32 $0x0;
	s9 =	simm.s32 $0x1;
	s10 =	simm.s32 $0xC80  }
0x4: {  	s11 =	simm.s32 $0x1900;
	s12 =	simm.s32 $0x2580;
	s13 =	simm.s32 $0x2D80  }
0x5: {  	s14 =	simm.s32 $0x2E00;
	s15 =	simm.s32 $0x80;
	s16 =	simm.s32 $0x400  }
0x6: {  	s17 =	simm.s32 $0x0;
	s4 =	sand.u32 $0x1, s1;
	s28 =	sshll.u32 s0, $0x1  }
0x7: {  	s29 =	sshrl.u32 s0, $0x2;
	s1 =	rddreg [dreg:$0x2];
	s6 =	sor.u32 s4, s28  }
0x8: {  	[smem:$0x7FF] =	sst s3;
	s7 =	smul.u32 $0x31000, s29;
	s8 =	sshll.u32 s6, $0x7  }
0x9: {  	s4 =	ssub.s32 $0x2, s4;
	s6 =	smul.u32 $0x188, s6;
	s8 =	sand.u32 $0x380, s8  }
0xa: {  	_ =	strace $0x80000053;
	s30 =	sshrl.u32 s4, $0x1;
	s7 =	sor.u32 s7, s8  }
0xb: {  	s31 =	ssub.s32 s4, s30;
	s6 =	sadd.s32 s6, s5;
	s7 =	sshrl.u32 s7, $0x3  }
0xc: {  	s8 =	smax.u32 s31, $0x1;
	s4 =	sadd.s32 $0x5C00, s6;
	s7 =	sadd.s32 s7, s5  }
0xd: {  	v0 =	vimm.f32 $0.0e+00;
	s5 =	sadd.s32 $0x454A00, s6;
	s6 =	sadd.s32 $0x8E00, s6;
	s7 =	sadd.s32 $0xC000, s7  }
.LBB2_1:
0xe: {  	[tilespmem:s3], [sflag:$0x1] =	stream.linear.gather [hbm4b:s4+s3], $0xC40, $0x38;
	[tilespmem:$0x9000] =	vst v63  }
0xf: {  	_ =	swait.ge [sflag:s9], $0xC40  }
0x10: {  	[sflag:s9] =	ssyncset.done $0x0  }
0x11: {  	[sflag:s9] =	ssyncadd.s32 $0xFFFFF3C0  }
0x12: {  	[tilespmem:s10], [sflag:$0x1] =	stream.linear.gather [hbm4b:s5+s3], $0xC40, $0x38;
	[tilespmem:$0x9000] =	vst v63  }
0x13: {  	_ =	swait.ge [sflag:s9], $0xC40  }
0x14: {  	[sflag:s9] =	ssyncset.done $0x0  }
0x15: {  	[sflag:s9] =	ssyncadd.s32 $0xFFFFF3C0  }
0x16: {  	[tilespmem:s11], [sflag:$0x1] =	stream.linear.gather [hbm4b:s6+s3], $0xC40, $0x38;
	[tilespmem:$0x9000] =	vst v63  }
0x17: {  	_ =	swait.ge [sflag:s9], $0xC40  }
0x18: {  	[sflag:s9] =	ssyncset.done $0x0  }
0x19: {  	[sflag:s9] =	ssyncadd.s32 $0xFFFFF3C0  }
0x1a: {  	[tilespmem:s12], [sflag:$0x1] =	stream.linear.gather [hbm4b:s2+s3], $0x800, $0x38;
	[tilespmem:$0x9000] =	vst v63  }
0x1b: {  	_ =	swait.ge [sflag:s9], $0x800  }
0x1c: {  	[sflag:s9] =	ssyncset.done $0x0  }
0x1d: {  	[sflag:s9] =	ssyncadd.s32 $0xFFFFF800  }
0x1e: {  	[tilespmem:$0x2D80] =	vst v0  }
0x1f: {  	[tilespmem:$0x2D90] =	vst v0  }
0x20: {  	v3 =	vimm.f32 $0.0e+00;
	[tilespmem:$0x2DA0] =	vst v0  }
0x21: {  	s18 =	simm.s32 $0x0;
	s19 =	simm.s32 $0x100;
	v4 =	vimm.f32 $0.0e+00;
	v2 =	vimm.f32 $0.0e+00;
	v1 =	vimm.f32 $0.0e+00;
	[tilespmem:$0x2DB0] =	vst v0  }
.LBB2_2:
0x22: {  	p0 =	sne.s32 s19, $0x1F00;
	v5 =	vld [tilespmem:s18+$0x2580];
	_ =	sdelay $0x4  }
0x23: {  	v3 =	vadd.f32 v5, v3;
	_ =	sdelay $0x1  }
0x24: {  	[tilespmem:$0x2D80] =	vst v3  }
0x25: {  	v5 =	vld [tilespmem:s18+$0x2590];
	_ =	sdelay $0x4  }
0x26: {  	v4 =	vadd.f32 v5, v4;
	_ =	sdelay $0x1  }
0x27: {  	[tilespmem:$0x2D90] =	vst v4  }
0x28: {  	v5 =	vld [tilespmem:s18+$0x25A0];
	_ =	sdelay $0x4  }
0x29: {  	v2 =	vadd.f32 v5, v2;
	_ =	sdelay $0x1  }
0x2a: {  	[tilespmem:$0x2DA0] =	vst v2  }
0x2b: {  	v5 =	vld [tilespmem:s18+$0x25B0];
	_ =	sdelay $0x2  }
.Ltmp0:
0x2c: {  	(pc) =	sbr.rel @p0 .LBB2_2-.Ltmp0, $3  }
0x2d: {  	_ = 	snop  }
0x2e: {  	v1 =	vadd.f32 v5, v1;
	_ =	sdelay $0x1  }
0x2f: {  	s18 =	sshra.s32 s19, $0x2;
	s19 =	sadd.s32 $0x100, s19;
	[tilespmem:$0x2DB0] =	vst v1  }
0x30: {  	v5 =	vld [tilespmem:s18+$0x2580];
	_ =	sdelay $0x4  }
0x31: {  	v3 =	vadd.f32 v5, v3;
	_ =	sdelay $0x1  }
0x32: {  	[tilespmem:$0x2D80] =	vst v3  }
0x33: {  	v61 =	vld [tilespmem:s18+$0x2590];
	_ =	sdelay $0x4  }
0x34: {  	v4 =	vadd.f32 v61, v4;
	_ =	sdelay $0x1  }
0x35: {  	[tilespmem:$0x2D90] =	vst v4  }
0x36: {  	v62 =	vld [tilespmem:s18+$0x25A0];
	_ =	sdelay $0x4  }
0x37: {  	v2 =	vadd.f32 v62, v2;
	_ =	sdelay $0x1  }
0x38: {  	[tilespmem:$0x2DA0] =	vst v2  }
0x39: {  	v63 =	vld [tilespmem:s18+$0x25B0];
	_ =	sdelay $0x3  }
0x3a: {  	v3 =	vmax.f32 v3, $1.000000000e-30  }
0x3b: {  	(erf) = vrcp.f32 v3;
	v3 =	vmax.f32 v4, $1.000000000e-30;
	v1 =	vadd.f32 v63, v1  }
0x3c: {  	(erf) = vrcp.f32 v3;
	v2 =	vmax.f32 v2, $1.000000000e-30  }
0x3d: {  	(erf) = vrcp.f32 v2;
	v2 =	vmax.f32 v1, $1.000000000e-30  }
0x3e: {  	(erf) = vrcp.f32 v2;
	_ =	sdelay $0x5  }
0x3f: {  	[tilespmem:$0x2DB0] =	vst v1;
	v2 =	vpop (erf)  }
0x40: {  	v1 =	vpop (erf);
	[tilespmem:$0x2D80] =	vst v2  }
0x41: {  	v2 =	vpop (erf);
	[tilespmem:$0x2D90] =	vst v1  }
0x42: {  	[tilespmem:$0x2DA0] =	vst v2;
	v1 =	vpop (erf)  }
0x43: {  	s19 =	simm.s32 $0x0;
	s20 =	simm.s32 $0x200;
	s18 =	simm.s32 $0x0;
	[tilespmem:$0x2DB0] =	vst v1  }
.LBB2_4:
0x44: {  	p0 =	sne.s32 s20, $0x18600;
	[tilespmem:s19+$0x2E70] =	vst v0  }
0x45: {  	[tilespmem:s19+$0x2E00] =	vst v0  }
0x46: {  	[tilespmem:s19+$0x2E10] =	vst v0  }
.Ltmp1:
0x47: {  	[tilespmem:s19+$0x2E20] =	vst v0;
	(pc) =	sbr.rel @p0 .LBB2_4-.Ltmp1, $4  }
0x48: {  	[tilespmem:s19+$0x2E30] =	vst v0  }
0x49: {  	[tilespmem:s19+$0x2E40] =	vst v0  }
0x4a: {  	[tilespmem:s19+$0x2E50] =	vst v0  }
0x4b: {  	[tilespmem:s19+$0x2E60] =	vst v0;
	s19 =	sshra.s32 s20, $0x2;
	s20 =	sadd.s32 $0x200, s20  }
0x4c: {  	[tilespmem:s19+$0x2E70] =	vst v0  }
0x4d: {  	[tilespmem:s19+$0x2E00] =	vst v0  }
0x4e: {  	[tilespmem:s19+$0x2E10] =	vst v0  }
0x4f: {  	[tilespmem:s19+$0x2E20] =	vst v0  }
0x50: {  	[tilespmem:s19+$0x2E30] =	vst v0  }
0x51: {  	[tilespmem:s19+$0x2E40] =	vst v0  }
0x52: {  	[tilespmem:s19+$0x2E50] =	vst v0  }
0x53: {  	[tilespmem:s19+$0x2E60] =	vst v0  }
.LBB2_6:
0x54: {  	s19 =	sshra.s32 s18, $0x2  }
0x55: {  	v1 =	vld [tilespmem:s19+$0xC80];
	_ =	sdelay $0x5  }
0x56: {  	v2 =	vld [tilespmem:s19+$0x1900]  }
0x57: {  	v3 =	vld [tilespmem:s19+$0x0]  }
0x58: {  	v1 =	vld.idx.msk [tilespmem:v1+s13+$0x0], $0xffff;
	_ =	sdelay $0x4  }
0x59: {  	v1 =	vmul.f32 v3, v1;
	_ =	sdelay $0x1  }
0x5a: {  	[tilespmem:v2+s14+$0x0] =	vst.idx.add.f32.msk $0xffff, v1  }
0x5b: {  	v1 =	vld [tilespmem:s19+$0xC90];
	_ =	sdelay $0x5  }
0x5c: {  	v2 =	vld [tilespmem:s19+$0x1910]  }
0x5d: {  	v3 =	vld [tilespmem:s19+$0x10]  }
0x5e: {  	v1 =	vld.idx.msk [tilespmem:v1+s13+$0x0], $0xffff;
	_ =	sdelay $0x4  }
0x5f: {  	v1 =	vmul.f32 v3, v1;
	_ =	sdelay $0x1  }
0x60: {  	[tilespmem:v2+s14+$0x0] =	vst.idx.add.f32.msk $0xffff, v1  }
0x61: {  	v1 =	vld [tilespmem:s19+$0xCA0];
	_ =	sdelay $0x5  }
0x62: {  	v2 =	vld [tilespmem:s19+$0x1920]  }
0x63: {  	v3 =	vld [tilespmem:s19+$0x20]  }
0x64: {  	v1 =	vld.idx.msk [tilespmem:v1+s13+$0x0], $0xffff;
	_ =	sdelay $0x4  }
0x65: {  	v1 =	vmul.f32 v3, v1;
	_ =	sdelay $0x1  }
0x66: {  	[tilespmem:v2+s14+$0x0] =	vst.idx.add.f32.msk $0xffff, v1  }
0x67: {  	v1 =	vld [tilespmem:s19+$0xCB0];
	_ =	sdelay $0x5  }
0x68: {  	v2 =	vld [tilespmem:s19+$0x1930]  }
0x69: {  	v3 =	vld [tilespmem:s19+$0x30]  }
0x6a: {  	v1 =	vld.idx.msk [tilespmem:v1+s13+$0x0], $0xffff;
	_ =	sdelay $0x1  }
0x6b: {  	p0 =	sne.s32 s18, $0x3000  }
.Ltmp2:
0x6c: {  	_ = 	snop;
	(pc) =	sbr.rel @p0 .LBB2_6-.Ltmp2, $3  }
0x6d: {  	_ = 	snop  }
0x6e: {  	v1 =	vmul.f32 v3, v1;
	_ =	sdelay $0x1  }
0x6f: {  	s18 =	sadd.s32 $0x100, s18;
	[tilespmem:v2+s14+$0x0] =	vst.idx.add.f32.msk $0xffff, v1  }
0x70: {  	s17 =	sadd.s32 $0x1, s17  }
0x71: {  	p0 =	sne.s32 s17, s8  }
.Ltmp3:
0x72: {  	_ = 	snop;
	(pc) =	sbr.rel @p0 .LBB2_1-.Ltmp3, $4  }
0x73: {  	[hbm4b:s7+s15] =	stream.strided.scatter [tilespmem:s14], [sflag:$0x1], $0x6200, s16, s15, $0x38;
	[tilespmem:$0x9000] =	vst v63  }
0x74: {  	_ =	swait.ge [sflag:s9], $0x6200  }
0x75: {  	[sflag:s9] =	ssyncset.done $0x0  }
0x76: {  	[sflag:s9] =	ssyncadd.s32 $0xFFFF9E00  }
0x77: {  	_ =	sfence.sel $0x180000  }
0x78: {  	[bflag:$0x0] =	sbarrier.arrive $0xFFFF  }
0x79: {  	p0 =	sne.s32 s0, $0x0;
	_ =	strace $0x90000053  }
0x7a: {  	s0 =	sadd.s32 @!p0 $0x100000, s1;
	[bflag:$0x2] =	sbarrier.arrive $0xFFFF  }
0x7b: {  	[sflag:s0] =	ssyncadd.tile.s32 @!p0 $0x1;
	_ =	shalt  }
.Lfunc_end2:
_tile_overlayer_lowered:
.L_overlay_start_2:
0x7c: {  	(tag) =	ssettag $0x2  }
0x7d: {  	s0 =	rddreg [dreg:$0x0];
	s2 =	stileid.u32  }
0x7e: {  	s1 =	rddreg [dreg:$0x1];
	p0 =	sne.s32 s2, $0x0  }
0x7f: {  	s3 =	rddreg [dreg:$0x2];
	[bflag:$0x3] =	sbarrier.arrive $0xFFFF;
	s2 =	simm.s32 @!p0 $0x1C01  }
0x80: {  	[timem:s3], [sflag:s2] =	dma.local @!p0 [hbm:s0], s1  }
0x81: {  	s0 =	simm.s32 @!p0 $0x1  }
0x82: {  	_ =	swait.ge @!p0 [sflag:s0], s1  }
0x83: {  	s1 =	ssub.s32 @!p0 $0x0, s1;
	[sflag:s0] =	ssyncset.done @!p0 $0x0  }
0x84: {  	[sflag:s0] =	ssyncadd.s32 @!p0 s1  }
0x85: {  	[bflag:$0x3] =	sbarrier.arrive $0xFFFF  }
0x86: {  	_ =	shalt  }

</sc_bundles>
